<compile_context>
chip_gen: v7x
topology: tpu7x:2x2x1
jax: 0.10.2.dev20260603
libtpu: 0.0.44.dev20260713+nightly
codegen_flags: <defaults>
</compile_context>

<pallas_src>
import functools

import jax
import jax.numpy as jnp
from jax import lax
from jax.experimental import pallas as pl
from jax.experimental.pallas import tpu as pltpu
from jax.experimental.pallas import tpu_sc as plsc

EMBED = 16
NDEPTH = 7
NCOMB = 5
COMB_D = 1 << NCOMB
COMB_ROWS = COMB_D ** 3
COMB_W = NCOMB * EMBED
CHUNK = 512
NWORKERS = 32
LANES = 16
CLIP_MAX = 1.0 - 1e-6

_MESH = plsc.VectorSubcoreMesh(
    core_axis_name="c", subcore_axis_name="s", num_cores=2, num_subcores=16
)
_PARAMS = pltpu.CompilerParams(
    use_tc_tiling_on_sc=False, needs_layout_passes=False
)


def _build_combine():
    cells_pw = COMB_ROWS // NWORKERS

    scratch = (
        [pltpu.VMEM((cells_pw,), jnp.int32) for _ in range(NCOMB)]
        + [pltpu.VMEM((cells_pw, EMBED), jnp.float32) for _ in range(NCOMB)]
        + [pltpu.SemaphoreType.DMA]
    )

    @functools.partial(
        pl.kernel,
        out_type=jax.ShapeDtypeStruct((COMB_ROWS, COMB_W), jnp.float32),
        mesh=_MESH,
        scratch_types=scratch,
        compiler_params=_PARAMS,
    )
    def combine_kernel(t1, t2, t3, t4, t5, comb, *sc):
        iv = sc[0:NCOMB]
        rv = sc[NCOMB:2 * NCOMB]
        sem = sc[-1]
        tabs = (t1, t2, t3, t4, t5)
        wid = lax.axis_index("s") * 2 + lax.axis_index("c")
        base = wid * cells_pw

        @pl.loop(0, cells_pw // LANES)
        def _idx_loop(j):
            sl = pl.ds(j * LANES, LANES)
            jv = base + j * LANES + lax.iota(jnp.int32, 16)
            xc = jv & (COMB_D - 1)
            yc = (jv >> NCOMB) & (COMB_D - 1)
            zc = jv >> (2 * NCOMB)
            for d in range(1, NCOMB + 1):
                s = NCOMB - d
                dd = 1 << d
                iv[d - 1][sl] = (xc >> s) + (yc >> s) * dd + (zc >> s) * (dd * dd)

        cps = [
            pltpu.async_copy(tabs[d].at[iv[d]], rv[d], sem)
            for d in range(NCOMB)
        ]
        for cp in cps:
            cp.wait()
        for d in range(NCOMB):
            pltpu.sync_copy(
                rv[d],
                comb.at[pl.ds(base, cells_pw), pl.ds(d * EMBED, EMBED)],
            )

    return combine_kernel


@functools.lru_cache(maxsize=None)
def _build_main(n_points):
    nchunks = -(-n_points // CHUNK)
    tail = n_points - (nchunks - 1) * CHUNK
    kpw = -(-nchunks // NWORKERS)
    kpw_even = kpw + (kpw % 2)

    scratch = (
        [pltpu.VMEM((CHUNK * 3,), jnp.float32) for _ in range(2)]
        + [pltpu.VMEM((CHUNK,), jnp.int32) for _ in range(3 * 2)]
        + [pltpu.VMEM((CHUNK, COMB_W), jnp.float32) for _ in range(2)]
        + [pltpu.VMEM((CHUNK, EMBED), jnp.float32) for _ in range(4)]
        + [pltpu.SemaphoreType.DMA for _ in range(4)]
    )

    @functools.partial(
        pl.kernel,
        out_type=jax.ShapeDtypeStruct((n_points, NDEPTH * EMBED), jnp.float32),
        mesh=_MESH,
        scratch_types=scratch,
        compiler_params=_PARAMS,
    )
    def main_kernel(x, comb, t6, t7, out, *sc):
        xv = sc[0:2]
        iv = (sc[2:5], sc[5:8])
        rva = sc[8:10]
        rvb = sc[10:12]
        rvc = sc[12:14]
        gsem = sc[14:16]
        osem = sc[16:18]
        wid = lax.axis_index("s") * 2 + lax.axis_index("c")

        def stage(ci, p):
            base = ci * (CHUNK * 3)
            if tail == CHUNK:
                pltpu.sync_copy(x.at[pl.ds(base, CHUNK * 3)], xv[p])
            else:
                @pl.when(ci < nchunks - 1)
                def _():
                    pltpu.sync_copy(x.at[pl.ds(base, CHUNK * 3)], xv[p])

                @pl.when(ci == nchunks - 1)
                def _():
                    pltpu.sync_copy(
                        x.at[pl.ds(base, tail * 3)],
                        xv[p].at[pl.ds(0, tail * 3)],
                    )

            @pl.loop(0, CHUNK // LANES)
            def _idx_loop(j):
                sl = pl.ds(j * LANES, LANES)
                ridx = j * LANES + lax.iota(jnp.int32, 16)
                sxyz = []
                for c in range(3):
                    v = plsc.load_gather(xv[p], [ridx * 3 + c])
                    sxyz.append(
                        jnp.minimum(jnp.maximum(v * 0.5 + 0.5, 0.0), CLIP_MAX)
                    )
                px, py, pz = sxyz
                px = px * float(COMB_D)
                py = py * float(COMB_D)
                pz = pz * float(COMB_D)
                for k, d in enumerate((NCOMB, 6, 7)):
                    if k > 0:
                        px = px * 2.0
                        py = py * 2.0
                        pz = pz * 2.0
                    dd = 1 << d
                    cx = px.astype(jnp.int32)
                    cy = py.astype(jnp.int32)
                    cz = pz.astype(jnp.int32)
                    iv[p][k][sl] = cx + cy * dd + cz * (dd * dd)

        def fire_gathers(ci, p):
            pltpu.async_copy(comb.at[iv[p][0]], rva[p], gsem[p])
            pltpu.async_copy(t6.at[iv[p][1]], rvb[p], gsem[p])
            pltpu.async_copy(t7.at[iv[p][2]], rvc[p], gsem[p])

        def drain_gathers(p):
            pltpu.make_async_copy(
                comb.at[pl.ds(0, CHUNK), :], rva[p], gsem[p]
            ).wait()
            pltpu.make_async_copy(
                t6.at[pl.ds(0, CHUNK), :], rvb[p], gsem[p]
            ).wait()
            pltpu.make_async_copy(
                t7.at[pl.ds(0, CHUNK), :], rvc[p], gsem[p]
            ).wait()

        def _out_pieces(p):
            return (
                (rva[p], 0, COMB_W),
                (rvb[p], COMB_W, EMBED),
                (rvc[p], COMB_W + EMBED, EMBED),
            )

        def fire_out(ci, p):
            base = ci * CHUNK

            def full():
                for src, col, w in _out_pieces(p):
                    pltpu.async_copy(
                        src, out.at[pl.ds(base, CHUNK), pl.ds(col, w)], osem[p]
                    )

            if tail == CHUNK:
                full()
            else:
                pl.when(ci < nchunks - 1)(full)

                @pl.when(ci == nchunks - 1)
                def _():
                    for src, col, w in _out_pieces(p):
                        pltpu.async_copy(
                            src.at[pl.ds(0, tail), :],
                            out.at[pl.ds(base, tail), pl.ds(col, w)],
                            osem[p],
                        )

        def drain_out(ci, p):
            def full():
                for src, col, w in _out_pieces(p):
                    pltpu.make_async_copy(
                        src, out.at[pl.ds(0, CHUNK), pl.ds(col, w)], osem[p]
                    ).wait()

            if tail == CHUNK:
                full()
            else:
                pl.when(ci < nchunks - 1)(full)

                @pl.when(ci == nchunks - 1)
                def _():
                    for src, col, w in _out_pieces(p):
                        pltpu.make_async_copy(
                            src.at[pl.ds(0, tail), :],
                            out.at[pl.ds(0, tail), pl.ds(col, w)],
                            osem[p],
                        ).wait()

        stage(wid, 0)
        fire_gathers(wid, 0)

        @pl.loop(0, kpw_even, step=2)
        def _chunk_loop(kb):
            for sub in range(2):
                p = sub
                q = 1 - sub
                kk = kb + sub
                ck = wid + kk * NWORKERS
                cn = wid + (kk + 1) * NWORKERS
                cprev = wid + (kk - 1) * NWORKERS

                @pl.when(jnp.logical_and(kk >= 1, cprev < nchunks))
                def _():
                    drain_out(cprev, q)

                @pl.when(cn < nchunks)
                def _():
                    stage(cn, q)
                    fire_gathers(cn, q)

                @pl.when(ck < nchunks)
                def _():
                    drain_gathers(p)
                    fire_out(ck, p)

        kk_e = kpw_even - 1
        ci_e = wid + kk_e * NWORKERS

        @pl.when(ci_e < nchunks)
        def _():
            drain_out(ci_e, kk_e % 2)

    return main_kernel


@functools.lru_cache(maxsize=None)
def _get_combine():
    return _build_combine()


def kernel(x, table_1, table_2, table_3, table_4, table_5, table_6, table_7):
    comb = _get_combine()(table_1, table_2, table_3, table_4, table_5)
    fn = _build_main(x.shape[0])
    return fn(x.reshape(-1), comb, table_6, table_7)

# --- scband reference (transcript-rebuilt; emitter-appended) ---
"""Pipeline reference for scband-position-embedding-encoder-88476326298341 (READ-ONLY COPY).

The authoritative reference and input builder live on the scoring server;
editing this copy changes nothing except your own understanding.
"""

import jax, jax.numpy as jnp
import numpy as np

N_DEPTH = 7
EMBED_DIM = 16
SIZE = 2.0
N_POINTS = 500000


def _flattened_position(scaled_values, depth):
    D = 2 ** depth
    grid_coordinates = jnp.floor(scaled_values * D).astype(jnp.int32)
    x = grid_coordinates[:, 0]
    y = grid_coordinates[:, 1]
    z = grid_coordinates[:, 2]
    flattened = x + y * D + z * (D ** 2)
    return jnp.clip(flattened, 0, D ** 3 - 1)


def setup_inputs(seed: int = 0) -> dict:
    key = jax.random.key(seed)
    key, kx = jax.random.split(key)
    inp = {"x": jax.random.normal(kx, (N_POINTS, 3), dtype=jnp.float32)}
    for depth in range(1, N_DEPTH + 1):
        key, kt = jax.random.split(key)
        rows = (2 ** depth) ** 3
        inp[f"table_{depth}"] = jax.random.normal(kt, (rows, EMBED_DIM), dtype=jnp.float32) * 0.05
    return inp


def reference(x, table_1, table_2, table_3, table_4, table_5, table_6, table_7):
    tables = [table_1, table_2, table_3, table_4, table_5, table_6, table_7]
    scaled_values = x / SIZE + 0.5
    scaled_values = jnp.clip(scaled_values, 0.0, 1.0 - 1e-06)
    embeddings = []
    for depth in range(N_DEPTH):
        flat_pos = _flattened_position(scaled_values, depth + 1)
        embeddings.append(jnp.take(tables[depth], flat_pos, axis=0))
    return jnp.concatenate(embeddings, axis=-1)

if __name__ == "__main__":
    import jax
    _d = setup_inputs()
    print(jax.jit(kernel)(*tuple(_d.values())))

</pallas_src>

<mosaic_0001>
#map = affine_map<(d0, d1) -> (0, 0)>
module attributes {stable_mosaic.version = 14 : i64} {
  func.func @combine_kernel(%arg0: i32, %arg1: i32, %arg2: memref<8x16xf32, #tpu.memory_space<hbm>>, %arg3: memref<64x16xf32, #tpu.memory_space<hbm>>, %arg4: memref<512x16xf32, #tpu.memory_space<hbm>>, %arg5: memref<4096x16xf32, #tpu.memory_space<hbm>>, %arg6: memref<32768x16xf32, #tpu.memory_space<hbm>>, %arg7: memref<32768x80xf32, #tpu.memory_space<hbm>>, %arg8: memref<1024xi32, #tpu.memory_space<vmem>>, %arg9: memref<1024xi32, #tpu.memory_space<vmem>>, %arg10: memref<1024xi32, #tpu.memory_space<vmem>>, %arg11: memref<1024xi32, #tpu.memory_space<vmem>>, %arg12: memref<1024xi32, #tpu.memory_space<vmem>>, %arg13: memref<1024x16xf32, #tpu.memory_space<vmem>>, %arg14: memref<1024x16xf32, #tpu.memory_space<vmem>>, %arg15: memref<1024x16xf32, #tpu.memory_space<vmem>>, %arg16: memref<1024x16xf32, #tpu.memory_space<vmem>>, %arg17: memref<1024x16xf32, #tpu.memory_space<vmem>>, %arg18: memref<!tpu.dma_semaphore, #tpu.memory_space<semaphore_mem>>) attributes {dimension_semantics = [#tpu.dimension_semantics<core_parallel>, #tpu.dimension_semantics<subcore_parallel>], iteration_bounds = array<i64: 2, 16>, scalar_prefetch = 0 : i64, scratch_operands = 11 : i64, tpu.core_type = #tpu.core_type<sc_vector_subcore>, window_params = [{transform_indices = #map}, {transform_indices = #map}, {transform_indices = #map}, {transform_indices = #map}, {transform_indices = #map}, {transform_indices = #map}]} {
    %mul3A = arith.constant 2 : i32
    %mul3A_0 = arith.muli %arg1, %mul3A : i32
    %add3A = arith.addi %mul3A_0, %arg0 : i32
    %mul3A_1 = arith.constant 1024 : i32
    %mul3A_2 = arith.muli %add3A, %mul3A_1 : i32
    %scan3A = arith.constant 0 : i32
    %scan3A_3 = arith.constant 64 : i32
    %scan3A_4 = arith.addi %scan3A, %scan3A_3 : i32
    %scan3A_5 = arith.constant 1 : i32
    scf.for %scan3A_35 = %scan3A to %scan3A_4 step %scan3A_5  : i32 {
      %mul3A_36 = arith.constant 1 : i32
      %mul3A_37 = arith.muli %scan3A_35, %mul3A_36 : i32
      %add3A_38 = arith.constant 0 : i32
      %add3A_39 = arith.addi %add3A_38, %mul3A_37 : i32
      %mul3A_40 = arith.constant 16 : i32
      %mul3A_41 = arith.muli %add3A_39, %mul3A_40 : i32
      %mul3A_42 = arith.constant 16 : i32
      %mul3A_43 = arith.muli %add3A_39, %mul3A_42 : i32
      %add3A_44 = arith.addi %mul3A_2, %mul3A_43 : i32
      %iota3A = tpu.iota {dimensions = array<i32: 0>} : vector<16xi32>
      %add3A_45 = vector.broadcast %add3A_44 : i32 to vector<16xi32>
      %add3A_46 = arith.addi %add3A_45, %iota3A : vector<16xi32>
      %and3A = arith.constant 31 : i32
      %and3A_47 = vector.broadcast %and3A : i32 to vector<16xi32>
      %and3A_48 = arith.andi %add3A_46, %and3A_47 : vector<16xi32>
      %shift_right_arithmetic3A = arith.constant 5 : i32
      %shift_right_arithmetic3A_49 = vector.broadcast %shift_right_arithmetic3A : i32 to vector<16xi32>
      %shift_right_arithmetic3A_50 = arith.shrsi %add3A_46, %shift_right_arithmetic3A_49 : vector<16xi32>
      %and3A_51 = arith.constant 31 : i32
      %and3A_52 = vector.broadcast %and3A_51 : i32 to vector<16xi32>
      %and3A_53 = arith.andi %shift_right_arithmetic3A_50, %and3A_52 : vector<16xi32>
      %shift_right_arithmetic3A_54 = arith.constant 10 : i32
      %shift_right_arithmetic3A_55 = vector.broadcast %shift_right_arithmetic3A_54 : i32 to vector<16xi32>
      %shift_right_arithmetic3A_56 = arith.shrsi %add3A_46, %shift_right_arithmetic3A_55 : vector<16xi32>
      %shift_right_arithmetic3A_57 = arith.constant 4 : i32
      %shift_right_arithmetic3A_58 = vector.broadcast %shift_right_arithmetic3A_57 : i32 to vector<16xi32>
      %shift_right_arithmetic3A_59 = arith.shrsi %and3A_48, %shift_right_arithmetic3A_58 : vector<16xi32>
      %shift_right_arithmetic3A_60 = arith.constant 4 : i32
      %shift_right_arithmetic3A_61 = vector.broadcast %shift_right_arithmetic3A_60 : i32 to vector<16xi32>
      %shift_right_arithmetic3A_62 = arith.shrsi %and3A_53, %shift_right_arithmetic3A_61 : vector<16xi32>
      %mul3A_63 = arith.constant 2 : i32
      %mul3A_64 = vector.broadcast %mul3A_63 : i32 to vector<16xi32>
      %mul3A_65 = arith.muli %shift_right_arithmetic3A_62, %mul3A_64 : vector<16xi32>
      %add3A_66 = arith.addi %shift_right_arithmetic3A_59, %mul3A_65 : vector<16xi32>
      %shift_right_arithmetic3A_67 = arith.constant 4 : i32
      %shift_right_arithmetic3A_68 = vector.broadcast %shift_right_arithmetic3A_67 : i32 to vector<16xi32>
      %shift_right_arithmetic3A_69 = arith.shrsi %shift_right_arithmetic3A_56, %shift_right_arithmetic3A_68 : vector<16xi32>
      %mul3A_70 = arith.constant 4 : i32
      %mul3A_71 = vector.broadcast %mul3A_70 : i32 to vector<16xi32>
      %mul3A_72 = arith.muli %shift_right_arithmetic3A_69, %mul3A_71 : vector<16xi32>
      %add3A_73 = arith.addi %add3A_66, %mul3A_72 : vector<16xi32>
      %swap3A = arith.index_cast %mul3A_41 : i32 to index
      %swap3A_74 = tpu.vector_load %arg8[%swap3A] {strides = array<i32>} : memref<1024xi32, #tpu.memory_space<vmem>>, vector<16xi32>,
      tpu.vector_store %arg8[%swap3A], %add3A_73 {strides = array<i32>} : memref<1024xi32, #tpu.memory_space<vmem>>, vector<16xi32>,
      %shift_right_arithmetic3A_75 = arith.constant 3 : i32
      %shift_right_arithmetic3A_76 = vector.broadcast %shift_right_arithmetic3A_75 : i32 to vector<16xi32>
      %shift_right_arithmetic3A_77 = arith.shrsi %and3A_48, %shift_right_arithmetic3A_76 : vector<16xi32>
      %shift_right_arithmetic3A_78 = arith.constant 3 : i32
      %shift_right_arithmetic3A_79 = vector.broadcast %shift_right_arithmetic3A_78 : i32 to vector<16xi32>
      %shift_right_arithmetic3A_80 = arith.shrsi %and3A_53, %shift_right_arithmetic3A_79 : vector<16xi32>
      %mul3A_81 = arith.constant 4 : i32
      %mul3A_82 = vector.broadcast %mul3A_81 : i32 to vector<16xi32>
      %mul3A_83 = arith.muli %shift_right_arithmetic3A_80, %mul3A_82 : vector<16xi32>
      %add3A_84 = arith.addi %shift_right_arithmetic3A_77, %mul3A_83 : vector<16xi32>
      %shift_right_arithmetic3A_85 = arith.constant 3 : i32
      %shift_right_arithmetic3A_86 = vector.broadcast %shift_right_arithmetic3A_85 : i32 to vector<16xi32>
      %shift_right_arithmetic3A_87 = arith.shrsi %shift_right_arithmetic3A_56, %shift_right_arithmetic3A_86 : vector<16xi32>
      %mul3A_88 = arith.constant 16 : i32
      %mul3A_89 = vector.broadcast %mul3A_88 : i32 to vector<16xi32>
      %mul3A_90 = arith.muli %shift_right_arithmetic3A_87, %mul3A_89 : vector<16xi32>
      %add3A_91 = arith.addi %add3A_84, %mul3A_90 : vector<16xi32>
      %swap3A_92 = arith.index_cast %mul3A_41 : i32 to index
      %swap3A_93 = tpu.vector_load %arg9[%swap3A_92] {strides = array<i32>} : memref<1024xi32, #tpu.memory_space<vmem>>, vector<16xi32>,
      tpu.vector_store %arg9[%swap3A_92], %add3A_91 {strides = array<i32>} : memref<1024xi32, #tpu.memory_space<vmem>>, vector<16xi32>,
      %shift_right_arithmetic3A_94 = arith.constant 2 : i32
      %shift_right_arithmetic3A_95 = vector.broadcast %shift_right_arithmetic3A_94 : i32 to vector<16xi32>
      %shift_right_arithmetic3A_96 = arith.shrsi %and3A_48, %shift_right_arithmetic3A_95 : vector<16xi32>
      %shift_right_arithmetic3A_97 = arith.constant 2 : i32
      %shift_right_arithmetic3A_98 = vector.broadcast %shift_right_arithmetic3A_97 : i32 to vector<16xi32>
      %shift_right_arithmetic3A_99 = arith.shrsi %and3A_53, %shift_right_arithmetic3A_98 : vector<16xi32>
      %mul3A_100 = arith.constant 8 : i32
      %mul3A_101 = vector.broadcast %mul3A_100 : i32 to vector<16xi32>
      %mul3A_102 = arith.muli %shift_right_arithmetic3A_99, %mul3A_101 : vector<16xi32>
      %add3A_103 = arith.addi %shift_right_arithmetic3A_96, %mul3A_102 : vector<16xi32>
      %shift_right_arithmetic3A_104 = arith.constant 2 : i32
      %shift_right_arithmetic3A_105 = vector.broadcast %shift_right_arithmetic3A_104 : i32 to vector<16xi32>
      %shift_right_arithmetic3A_106 = arith.shrsi %shift_right_arithmetic3A_56, %shift_right_arithmetic3A_105 : vector<16xi32>
      %mul3A_107 = arith.constant 64 : i32
      %mul3A_108 = vector.broadcast %mul3A_107 : i32 to vector<16xi32>
      %mul3A_109 = arith.muli %shift_right_arithmetic3A_106, %mul3A_108 : vector<16xi32>
      %add3A_110 = arith.addi %add3A_103, %mul3A_109 : vector<16xi32>
      %swap3A_111 = arith.index_cast %mul3A_41 : i32 to index
      %swap3A_112 = tpu.vector_load %arg10[%swap3A_111] {strides = array<i32>} : memref<1024xi32, #tpu.memory_space<vmem>>, vector<16xi32>,
      tpu.vector_store %arg10[%swap3A_111], %add3A_110 {strides = array<i32>} : memref<1024xi32, #tpu.memory_space<vmem>>, vector<16xi32>,
      %shift_right_arithmetic3A_113 = arith.constant 1 : i32
      %shift_right_arithmetic3A_114 = vector.broadcast %shift_right_arithmetic3A_113 : i32 to vector<16xi32>
      %shift_right_arithmetic3A_115 = arith.shrsi %and3A_48, %shift_right_arithmetic3A_114 : vector<16xi32>
      %shift_right_arithmetic3A_116 = arith.constant 1 : i32
      %shift_right_arithmetic3A_117 = vector.broadcast %shift_right_arithmetic3A_116 : i32 to vector<16xi32>
      %shift_right_arithmetic3A_118 = arith.shrsi %and3A_53, %shift_right_arithmetic3A_117 : vector<16xi32>
      %mul3A_119 = arith.constant 16 : i32
      %mul3A_120 = vector.broadcast %mul3A_119 : i32 to vector<16xi32>
      %mul3A_121 = arith.muli %shift_right_arithmetic3A_118, %mul3A_120 : vector<16xi32>
      %add3A_122 = arith.addi %shift_right_arithmetic3A_115, %mul3A_121 : vector<16xi32>
      %shift_right_arithmetic3A_123 = arith.constant 1 : i32
      %shift_right_arithmetic3A_124 = vector.broadcast %shift_right_arithmetic3A_123 : i32 to vector<16xi32>
      %shift_right_arithmetic3A_125 = arith.shrsi %shift_right_arithmetic3A_56, %shift_right_arithmetic3A_124 : vector<16xi32>
      %mul3A_126 = arith.constant 256 : i32
      %mul3A_127 = vector.broadcast %mul3A_126 : i32 to vector<16xi32>
      %mul3A_128 = arith.muli %shift_right_arithmetic3A_125, %mul3A_127 : vector<16xi32>
      %add3A_129 = arith.addi %add3A_122, %mul3A_128 : vector<16xi32>
      %swap3A_130 = arith.index_cast %mul3A_41 : i32 to index
      %swap3A_131 = tpu.vector_load %arg11[%swap3A_130] {strides = array<i32>} : memref<1024xi32, #tpu.memory_space<vmem>>, vector<16xi32>,
      tpu.vector_store %arg11[%swap3A_130], %add3A_129 {strides = array<i32>} : memref<1024xi32, #tpu.memory_space<vmem>>, vector<16xi32>,
      %shift_right_arithmetic3A_132 = arith.constant 0 : i32
      %shift_right_arithmetic3A_133 = vector.broadcast %shift_right_arithmetic3A_132 : i32 to vector<16xi32>
      %shift_right_arithmetic3A_134 = arith.shrsi %and3A_48, %shift_right_arithmetic3A_133 : vector<16xi32>
      %shift_right_arithmetic3A_135 = arith.constant 0 : i32
      %shift_right_arithmetic3A_136 = vector.broadcast %shift_right_arithmetic3A_135 : i32 to vector<16xi32>
      %shift_right_arithmetic3A_137 = arith.shrsi %and3A_53, %shift_right_arithmetic3A_136 : vector<16xi32>
      %mul3A_138 = arith.constant 32 : i32
      %mul3A_139 = vector.broadcast %mul3A_138 : i32 to vector<16xi32>
      %mul3A_140 = arith.muli %shift_right_arithmetic3A_137, %mul3A_139 : vector<16xi32>
      %add3A_141 = arith.addi %shift_right_arithmetic3A_134, %mul3A_140 : vector<16xi32>
      %shift_right_arithmetic3A_142 = arith.constant 0 : i32
      %shift_right_arithmetic3A_143 = vector.broadcast %shift_right_arithmetic3A_142 : i32 to vector<16xi32>
      %shift_right_arithmetic3A_144 = arith.shrsi %shift_right_arithmetic3A_56, %shift_right_arithmetic3A_143 : vector<16xi32>
      %mul3A_145 = arith.constant 1024 : i32
      %mul3A_146 = vector.broadcast %mul3A_145 : i32 to vector<16xi32>
      %mul3A_147 = arith.muli %shift_right_arithmetic3A_144, %mul3A_146 : vector<16xi32>
      %add3A_148 = arith.addi %add3A_141, %mul3A_147 : vector<16xi32>
      %swap3A_149 = arith.index_cast %mul3A_41 : i32 to index
      %swap3A_150 = tpu.vector_load %arg12[%swap3A_149] {strides = array<i32>} : memref<1024xi32, #tpu.memory_space<vmem>>, vector<16xi32>,
      tpu.vector_store %arg12[%swap3A_149], %add3A_148 {strides = array<i32>} : memref<1024xi32, #tpu.memory_space<vmem>>, vector<16xi32>,
    }
    %scan3A_6 = arith.constant 64 : i32
    %dma_start3A = arith.constant 0 : i32
    %dma_start3A_7 = arith.constant 0 : i32
    %dma_start3A_8 = tpu.memref_slice %arg2[%dma_start3A, %dma_start3A_7] : memref<8x16xf32, #tpu.memory_space<hbm>> -> memref<8x16xf32, #tpu.memory_space<hbm>>
    tpu.enqueue_indirect_dma source(%dma_start3A_8 : memref<8x16xf32, #tpu.memory_space<hbm>>) target(%arg13 : memref<1024x16xf32, #tpu.memory_space<vmem>>) offsets(%arg8 : memref<1024xi32, #tpu.memory_space<vmem>>) semaphore(%arg18 : memref<!tpu.dma_semaphore, #tpu.memory_space<semaphore_mem>>)
    %dma_start3A_9 = arith.constant 0 : i32
    %dma_start3A_10 = arith.constant 0 : i32
    %dma_start3A_11 = tpu.memref_slice %arg3[%dma_start3A_9, %dma_start3A_10] : memref<64x16xf32, #tpu.memory_space<hbm>> -> memref<64x16xf32, #tpu.memory_space<hbm>>
    tpu.enqueue_indirect_dma source(%dma_start3A_11 : memref<64x16xf32, #tpu.memory_space<hbm>>) target(%arg14 : memref<1024x16xf32, #tpu.memory_space<vmem>>) offsets(%arg9 : memref<1024xi32, #tpu.memory_space<vmem>>) semaphore(%arg18 : memref<!tpu.dma_semaphore, #tpu.memory_space<semaphore_mem>>)
    %dma_start3A_12 = arith.constant 0 : i32
    %dma_start3A_13 = arith.constant 0 : i32
    %dma_start3A_14 = tpu.memref_slice %arg4[%dma_start3A_12, %dma_start3A_13] : memref<512x16xf32, #tpu.memory_space<hbm>> -> memref<512x16xf32, #tpu.memory_space<hbm>>
    tpu.enqueue_indirect_dma source(%dma_start3A_14 : memref<512x16xf32, #tpu.memory_space<hbm>>) target(%arg15 : memref<1024x16xf32, #tpu.memory_space<vmem>>) offsets(%arg10 : memref<1024xi32, #tpu.memory_space<vmem>>) semaphore(%arg18 : memref<!tpu.dma_semaphore, #tpu.memory_space<semaphore_mem>>)
    %dma_start3A_15 = arith.constant 0 : i32
    %dma_start3A_16 = arith.constant 0 : i32
    %dma_start3A_17 = tpu.memref_slice %arg5[%dma_start3A_15, %dma_start3A_16] : memref<4096x16xf32, #tpu.memory_space<hbm>> -> memref<4096x16xf32, #tpu.memory_space<hbm>>
    tpu.enqueue_indirect_dma source(%dma_start3A_17 : memref<4096x16xf32, #tpu.memory_space<hbm>>) target(%arg16 : memref<1024x16xf32, #tpu.memory_space<vmem>>) offsets(%arg11 : memref<1024xi32, #tpu.memory_space<vmem>>) semaphore(%arg18 : memref<!tpu.dma_semaphore, #tpu.memory_space<semaphore_mem>>)
    %dma_start3A_18 = arith.constant 0 : i32
    %dma_start3A_19 = arith.constant 0 : i32
    %dma_start3A_20 = tpu.memref_slice %arg6[%dma_start3A_18, %dma_start3A_19] : memref<32768x16xf32, #tpu.memory_space<hbm>> -> memref<32768x16xf32, #tpu.memory_space<hbm>>
    tpu.enqueue_indirect_dma source(%dma_start3A_20 : memref<32768x16xf32, #tpu.memory_space<hbm>>) target(%arg17 : memref<1024x16xf32, #tpu.memory_space<vmem>>) offsets(%arg12 : memref<1024xi32, #tpu.memory_space<vmem>>) semaphore(%arg18 : memref<!tpu.dma_semaphore, #tpu.memory_space<semaphore_mem>>)
    %dma_wait3A = arith.constant 0 : i32
    %dma_wait3A_21 = arith.constant 0 : i32
    %dma_wait3A_22 = tpu.memref_slice %arg2[%dma_wait3A, %dma_wait3A_21] : memref<8x16xf32, #tpu.memory_space<hbm>> -> memref<8x16xf32, #tpu.memory_space<hbm>>
    tpu.wait_indirect_dma semaphore(%arg18 : memref<!tpu.dma_semaphore, #tpu.memory_space<semaphore_mem>>) src(%dma_wait3A_22 : memref<8x16xf32, #tpu.memory_space<hbm>>) dst(%arg13 : memref<1024x16xf32, #tpu.memory_space<vmem>>)
    %dma_wait3A_23 = arith.constant 0 : i32
    %dma_wait3A_24 = arith.constant 0 : i32
    %dma_wait3A_25 = tpu.memref_slice %arg3[%dma_wait3A_23, %dma_wait3A_24] : memref<64x16xf32, #tpu.memory_space<hbm>> -> memref<64x16xf32, #tpu.memory_space<hbm>>
    tpu.wait_indirect_dma semaphore(%arg18 : memref<!tpu.dma_semaphore, #tpu.memory_space<semaphore_mem>>) src(%dma_wait3A_25 : memref<64x16xf32, #tpu.memory_space<hbm>>) dst(%arg14 : memref<1024x16xf32, #tpu.memory_space<vmem>>)
    %dma_wait3A_26 = arith.constant 0 : i32
    %dma_wait3A_27 = arith.constant 0 : i32
    %dma_wait3A_28 = tpu.memref_slice %arg4[%dma_wait3A_26, %dma_wait3A_27] : memref<512x16xf32, #tpu.memory_space<hbm>> -> memref<512x16xf32, #tpu.memory_space<hbm>>
    tpu.wait_indirect_dma semaphore(%arg18 : memref<!tpu.dma_semaphore, #tpu.memory_space<semaphore_mem>>) src(%dma_wait3A_28 : memref<512x16xf32, #tpu.memory_space<hbm>>) dst(%arg15 : memref<1024x16xf32, #tpu.memory_space<vmem>>)
    %dma_wait3A_29 = arith.constant 0 : i32
    %dma_wait3A_30 = arith.constant 0 : i32
    %dma_wait3A_31 = tpu.memref_slice %arg5[%dma_wait3A_29, %dma_wait3A_30] : memref<4096x16xf32, #tpu.memory_space<hbm>> -> memref<4096x16xf32, #tpu.memory_space<hbm>>
    tpu.wait_indirect_dma semaphore(%arg18 : memref<!tpu.dma_semaphore, #tpu.memory_space<semaphore_mem>>) src(%dma_wait3A_31 : memref<4096x16xf32, #tpu.memory_space<hbm>>) dst(%arg16 : memref<1024x16xf32, #tpu.memory_space<vmem>>)
    %dma_wait3A_32 = arith.constant 0 : i32
    %dma_wait3A_33 = arith.constant 0 : i32
    %dma_wait3A_34 = tpu.memref_slice %arg6[%dma_wait3A_32, %dma_wait3A_33] : memref<32768x16xf32, #tpu.memory_space<hbm>> -> memref<32768x16xf32, #tpu.memory_space<hbm>>
    tpu.wait_indirect_dma semaphore(%arg18 : memref<!tpu.dma_semaphore, #tpu.memory_space<semaphore_mem>>) src(%dma_wait3A_34 : memref<32768x16xf32, #tpu.memory_space<hbm>>) dst(%arg17 : memref<1024x16xf32, #tpu.memory_space<vmem>>)
    "tpu.region"() ({
      %run_scoped3A = tpu.sem_alloc : memref<!tpu.dma_semaphore, #tpu.memory_space<semaphore_mem>>
      %dma_start3A_35 = arith.constant 0 : i32
      %dma_start3A_36 = tpu.memref_slice %arg7[%mul3A_2, %dma_start3A_35] : memref<32768x80xf32, #tpu.memory_space<hbm>> -> memref<1024x16xf32, #tpu.memory_space<hbm>>
      %dma_start3A_37 = arith.constant 0 : i32
      %dma_start3A_38 = tpu.memref_slice %arg7[%mul3A_2, %dma_start3A_37] : memref<32768x80xf32, #tpu.memory_space<hbm>> -> memref<1024x16xf32, #tpu.memory_space<hbm>>
      tpu.enqueue_dma source(%arg13 : memref<1024x16xf32, #tpu.memory_space<vmem>>) target(%dma_start3A_38 : memref<1024x16xf32, #tpu.memory_space<hbm>>) target_semaphore(%run_scoped3A : memref<!tpu.dma_semaphore, #tpu.memory_space<semaphore_mem>>)
      %dma_wait3A_39 = arith.constant 0 : i32
      %dma_wait3A_40 = tpu.memref_slice %arg7[%mul3A_2, %dma_wait3A_39] : memref<32768x80xf32, #tpu.memory_space<hbm>> -> memref<1024x16xf32, #tpu.memory_space<hbm>>
      %dma_wait3A_41 = arith.constant 0 : i32
      %dma_wait3A_42 = tpu.memref_slice %arg7[%mul3A_2, %dma_wait3A_41] : memref<32768x80xf32, #tpu.memory_space<hbm>> -> memref<1024x16xf32, #tpu.memory_space<hbm>>
      tpu.wait_dma2 semaphore(%run_scoped3A : memref<!tpu.dma_semaphore, #tpu.memory_space<semaphore_mem>>) src(%arg13 : memref<1024x16xf32, #tpu.memory_space<vmem>>) dst(%dma_wait3A_42 : memref<1024x16xf32, #tpu.memory_space<hbm>>)
      tpu.yield
    }) : () -> ()
    "tpu.region"() ({
      %run_scoped3A = tpu.sem_alloc : memref<!tpu.dma_semaphore, #tpu.memory_space<semaphore_mem>>
      %dma_start3A_35 = arith.constant 16 : i32
      %dma_start3A_36 = tpu.memref_slice %arg7[%mul3A_2, %dma_start3A_35] : memref<32768x80xf32, #tpu.memory_space<hbm>> -> memref<1024x16xf32, #tpu.memory_space<hbm>>
      %dma_start3A_37 = arith.constant 16 : i32
      %dma_start3A_38 = tpu.memref_slice %arg7[%mul3A_2, %dma_start3A_37] : memref<32768x80xf32, #tpu.memory_space<hbm>> -> memref<1024x16xf32, #tpu.memory_space<hbm>>
      tpu.enqueue_dma source(%arg14 : memref<1024x16xf32, #tpu.memory_space<vmem>>) target(%dma_start3A_38 : memref<1024x16xf32, #tpu.memory_space<hbm>>) target_semaphore(%run_scoped3A : memref<!tpu.dma_semaphore, #tpu.memory_space<semaphore_mem>>)
      %dma_wait3A_39 = arith.constant 16 : i32
      %dma_wait3A_40 = tpu.memref_slice %arg7[%mul3A_2, %dma_wait3A_39] : memref<32768x80xf32, #tpu.memory_space<hbm>> -> memref<1024x16xf32, #tpu.memory_space<hbm>>
      %dma_wait3A_41 = arith.constant 16 : i32
      %dma_wait3A_42 = tpu.memref_slice %arg7[%mul3A_2, %dma_wait3A_41] : memref<32768x80xf32, #tpu.memory_space<hbm>> -> memref<1024x16xf32, #tpu.memory_space<hbm>>
      tpu.wait_dma2 semaphore(%run_scoped3A : memref<!tpu.dma_semaphore, #tpu.memory_space<semaphore_mem>>) src(%arg14 : memref<1024x16xf32, #tpu.memory_space<vmem>>) dst(%dma_wait3A_42 : memref<1024x16xf32, #tpu.memory_space<hbm>>)
      tpu.yield
    }) : () -> ()
    "tpu.region"() ({
      %run_scoped3A = tpu.sem_alloc : memref<!tpu.dma_semaphore, #tpu.memory_space<semaphore_mem>>
      %dma_start3A_35 = arith.constant 32 : i32
      %dma_start3A_36 = tpu.memref_slice %arg7[%mul3A_2, %dma_start3A_35] : memref<32768x80xf32, #tpu.memory_space<hbm>> -> memref<1024x16xf32, #tpu.memory_space<hbm>>
      %dma_start3A_37 = arith.constant 32 : i32
      %dma_start3A_38 = tpu.memref_slice %arg7[%mul3A_2, %dma_start3A_37] : memref<32768x80xf32, #tpu.memory_space<hbm>> -> memref<1024x16xf32, #tpu.memory_space<hbm>>
      tpu.enqueue_dma source(%arg15 : memref<1024x16xf32, #tpu.memory_space<vmem>>) target(%dma_start3A_38 : memref<1024x16xf32, #tpu.memory_space<hbm>>) target_semaphore(%run_scoped3A : memref<!tpu.dma_semaphore, #tpu.memory_space<semaphore_mem>>)
      %dma_wait3A_39 = arith.constant 32 : i32
      %dma_wait3A_40 = tpu.memref_slice %arg7[%mul3A_2, %dma_wait3A_39] : memref<32768x80xf32, #tpu.memory_space<hbm>> -> memref<1024x16xf32, #tpu.memory_space<hbm>>
      %dma_wait3A_41 = arith.constant 32 : i32
      %dma_wait3A_42 = tpu.memref_slice %arg7[%mul3A_2, %dma_wait3A_41] : memref<32768x80xf32, #tpu.memory_space<hbm>> -> memref<1024x16xf32, #tpu.memory_space<hbm>>
      tpu.wait_dma2 semaphore(%run_scoped3A : memref<!tpu.dma_semaphore, #tpu.memory_space<semaphore_mem>>) src(%arg15 : memref<1024x16xf32, #tpu.memory_space<vmem>>) dst(%dma_wait3A_42 : memref<1024x16xf32, #tpu.memory_space<hbm>>)
      tpu.yield
    }) : () -> ()
    "tpu.region"() ({
      %run_scoped3A = tpu.sem_alloc : memref<!tpu.dma_semaphore, #tpu.memory_space<semaphore_mem>>
      %dma_start3A_35 = arith.constant 48 : i32
      %dma_start3A_36 = tpu.memref_slice %arg7[%mul3A_2, %dma_start3A_35] : memref<32768x80xf32, #tpu.memory_space<hbm>> -> memref<1024x16xf32, #tpu.memory_space<hbm>>
      %dma_start3A_37 = arith.constant 48 : i32
      %dma_start3A_38 = tpu.memref_slice %arg7[%mul3A_2, %dma_start3A_37] : memref<32768x80xf32, #tpu.memory_space<hbm>> -> memref<1024x16xf32, #tpu.memory_space<hbm>>
      tpu.enqueue_dma source(%arg16 : memref<1024x16xf32, #tpu.memory_space<vmem>>) target(%dma_start3A_38 : memref<1024x16xf32, #tpu.memory_space<hbm>>) target_semaphore(%run_scoped3A : memref<!tpu.dma_semaphore, #tpu.memory_space<semaphore_mem>>)
      %dma_wait3A_39 = arith.constant 48 : i32
      %dma_wait3A_40 = tpu.memref_slice %arg7[%mul3A_2, %dma_wait3A_39] : memref<32768x80xf32, #tpu.memory_space<hbm>> -> memref<1024x16xf32, #tpu.memory_space<hbm>>
      %dma_wait3A_41 = arith.constant 48 : i32
      %dma_wait3A_42 = tpu.memref_slice %arg7[%mul3A_2, %dma_wait3A_41] : memref<32768x80xf32, #tpu.memory_space<hbm>> -> memref<1024x16xf32, #tpu.memory_space<hbm>>
      tpu.wait_dma2 semaphore(%run_scoped3A : memref<!tpu.dma_semaphore, #tpu.memory_space<semaphore_mem>>) src(%arg16 : memref<1024x16xf32, #tpu.memory_space<vmem>>) dst(%dma_wait3A_42 : memref<1024x16xf32, #tpu.memory_space<hbm>>)
      tpu.yield
    }) : () -> ()
    "tpu.region"() ({
      %run_scoped3A = tpu.sem_alloc : memref<!tpu.dma_semaphore, #tpu.memory_space<semaphore_mem>>
      %dma_start3A_35 = arith.constant 64 : i32
      %dma_start3A_36 = tpu.memref_slice %arg7[%mul3A_2, %dma_start3A_35] : memref<32768x80xf32, #tpu.memory_space<hbm>> -> memref<1024x16xf32, #tpu.memory_space<hbm>>
      %dma_start3A_37 = arith.constant 64 : i32
      %dma_start3A_38 = tpu.memref_slice %arg7[%mul3A_2, %dma_start3A_37] : memref<32768x80xf32, #tpu.memory_space<hbm>> -> memref<1024x16xf32, #tpu.memory_space<hbm>>
      tpu.enqueue_dma source(%arg17 : memref<1024x16xf32, #tpu.memory_space<vmem>>) target(%dma_start3A_38 : memref<1024x16xf32, #tpu.memory_space<hbm>>) target_semaphore(%run_scoped3A : memref<!tpu.dma_semaphore, #tpu.memory_space<semaphore_mem>>)
      %dma_wait3A_39 = arith.constant 64 : i32
      %dma_wait3A_40 = tpu.memref_slice %arg7[%mul3A_2, %dma_wait3A_39] : memref<32768x80xf32, #tpu.memory_space<hbm>> -> memref<1024x16xf32, #tpu.memory_space<hbm>>
      %dma_wait3A_41 = arith.constant 64 : i32
      %dma_wait3A_42 = tpu.memref_slice %arg7[%mul3A_2, %dma_wait3A_41] : memref<32768x80xf32, #tpu.memory_space<hbm>> -> memref<1024x16xf32, #tpu.memory_space<hbm>>
      tpu.wait_dma2 semaphore(%run_scoped3A : memref<!tpu.dma_semaphore, #tpu.memory_space<semaphore_mem>>) src(%arg17 : memref<1024x16xf32, #tpu.memory_space<vmem>>) dst(%dma_wait3A_42 : memref<1024x16xf32, #tpu.memory_space<hbm>>)
      tpu.yield
    }) : () -> ()
    return
  }
}

#map = affine_map<(d0, d1) -> (0)>
#map1 = affine_map<(d0, d1) -> (0, 0)>
module attributes {stable_mosaic.version = 14 : i64} {
  func.func @main_kernel(%arg0: i32, %arg1: i32, %arg2: memref<1500000xf32, #tpu.memory_space<hbm>>, %arg3: memref<32768x80xf32, #tpu.memory_space<hbm>>, %arg4: memref<262144x16xf32, #tpu.memory_space<hbm>>, %arg5: memref<2097152x16xf32, #tpu.memory_space<hbm>>, %arg6: memref<500000x112xf32, #tpu.memory_space<hbm>>, %arg7: memref<1536xf32, #tpu.memory_space<vmem>>, %arg8: memref<1536xf32, #tpu.memory_space<vmem>>, %arg9: memref<512xi32, #tpu.memory_space<vmem>>, %arg10: memref<512xi32, #tpu.memory_space<vmem>>, %arg11: memref<512xi32, #tpu.memory_space<vmem>>, %arg12: memref<512xi32, #tpu.memory_space<vmem>>, %arg13: memref<512xi32, #tpu.memory_space<vmem>>, %arg14: memref<512xi32, #tpu.memory_space<vmem>>, %arg15: memref<512x80xf32, #tpu.memory_space<vmem>>, %arg16: memref<512x80xf32, #tpu.memory_space<vmem>>, %arg17: memref<512x16xf32, #tpu.memory_space<vmem>>, %arg18: memref<512x16xf32, #tpu.memory_space<vmem>>, %arg19: memref<512x16xf32, #tpu.memory_space<vmem>>, %arg20: memref<512x16xf32, #tpu.memory_space<vmem>>, %arg21: memref<!tpu.dma_semaphore, #tpu.memory_space<semaphore_mem>>, %arg22: memref<!tpu.dma_semaphore, #tpu.memory_space<semaphore_mem>>, %arg23: memref<!tpu.dma_semaphore, #tpu.memory_space<semaphore_mem>>, %arg24: memref<!tpu.dma_semaphore, #tpu.memory_space<semaphore_mem>>) attributes {dimension_semantics = [#tpu.dimension_semantics<core_parallel>, #tpu.dimension_semantics<subcore_parallel>], iteration_bounds = array<i64: 2, 16>, scalar_prefetch = 0 : i64, scratch_operands = 18 : i64, tpu.core_type = #tpu.core_type<sc_vector_subcore>, window_params = [{transform_indices = #map}, {transform_indices = #map1}, {transform_indices = #map1}, {transform_indices = #map1}, {transform_indices = #map1}]} {
    %mul3A = arith.constant 2 : i32
    %mul3A_0 = arith.muli %arg1, %mul3A : i32
    %add3A = arith.addi %mul3A_0, %arg0 : i32
    %mul3A_1 = arith.constant 1536 : i32
    %mul3A_2 = arith.muli %add3A, %mul3A_1 : i32
    %lt3A = arith.constant 976 : i32
    %lt3A_3 = arith.cmpi slt, %add3A, %lt3A : i32
    %convert_element_type3A = arith.extui %lt3A_3 : i1 to i32
    %cond3A = arith.constant 0 : i32
    %cond3A_4 = arith.cmpi ne, %convert_element_type3A, %cond3A : i32
    scf.if %cond3A_4 {
      "tpu.region"() ({
        %run_scoped3A = tpu.sem_alloc : memref<!tpu.dma_semaphore, #tpu.memory_space<semaphore_mem>>
        %dma_start3A_33 = tpu.memref_slice %arg2[%mul3A_2] : memref<1500000xf32, #tpu.memory_space<hbm>> -> memref<1536xf32, #tpu.memory_space<hbm>>
        %dma_start3A_34 = tpu.memref_slice %arg2[%mul3A_2] : memref<1500000xf32, #tpu.memory_space<hbm>> -> memref<1536xf32, #tpu.memory_space<hbm>>
        tpu.enqueue_dma source(%dma_start3A_34 : memref<1536xf32, #tpu.memory_space<hbm>>) target(%arg7 : memref<1536xf32, #tpu.memory_space<vmem>>) target_semaphore(%run_scoped3A : memref<!tpu.dma_semaphore, #tpu.memory_space<semaphore_mem>>)
        %dma_wait3A = tpu.memref_slice %arg2[%mul3A_2] : memref<1500000xf32, #tpu.memory_space<hbm>> -> memref<1536xf32, #tpu.memory_space<hbm>>
        %dma_wait3A_35 = tpu.memref_slice %arg2[%mul3A_2] : memref<1500000xf32, #tpu.memory_space<hbm>> -> memref<1536xf32, #tpu.memory_space<hbm>>
        tpu.wait_dma2 semaphore(%run_scoped3A : memref<!tpu.dma_semaphore, #tpu.memory_space<semaphore_mem>>) src(%dma_wait3A_35 : memref<1536xf32, #tpu.memory_space<hbm>>) dst(%arg7 : memref<1536xf32, #tpu.memory_space<vmem>>)
        tpu.yield
      }) : () -> ()
    } else {
    }
    %eq3A = arith.constant 976 : i32
    %eq3A_5 = arith.cmpi eq, %add3A, %eq3A : i32
    %convert_element_type3A_6 = arith.extui %eq3A_5 : i1 to i32
    %cond3A_7 = arith.constant 0 : i32
    %cond3A_8 = arith.cmpi ne, %convert_element_type3A_6, %cond3A_7 : i32
    scf.if %cond3A_8 {
      "tpu.region"() ({
        %run_scoped3A = tpu.sem_alloc : memref<!tpu.dma_semaphore, #tpu.memory_space<semaphore_mem>>
        %dma_start3A_33 = arith.constant 0 : i32
        %dma_start3A_34 = tpu.memref_slice %arg7[%dma_start3A_33] : memref<1536xf32, #tpu.memory_space<vmem>> -> memref<864xf32, #tpu.memory_space<vmem>>
        %dma_start3A_35 = tpu.memref_slice %arg2[%mul3A_2] : memref<1500000xf32, #tpu.memory_space<hbm>> -> memref<864xf32, #tpu.memory_space<hbm>>
        %dma_start3A_36 = arith.constant 0 : i32
        %dma_start3A_37 = tpu.memref_slice %arg7[%dma_start3A_36] : memref<1536xf32, #tpu.memory_space<vmem>> -> memref<864xf32, #tpu.memory_space<vmem>>
        %dma_start3A_38 = tpu.memref_slice %arg2[%mul3A_2] : memref<1500000xf32, #tpu.memory_space<hbm>> -> memref<864xf32, #tpu.memory_space<hbm>>
        tpu.enqueue_dma source(%dma_start3A_38 : memref<864xf32, #tpu.memory_space<hbm>>) target(%dma_start3A_37 : memref<864xf32, #tpu.memory_space<vmem>>) target_semaphore(%run_scoped3A : memref<!tpu.dma_semaphore, #tpu.memory_space<semaphore_mem>>)
        %dma_wait3A = arith.constant 0 : i32
        %dma_wait3A_39 = tpu.memref_slice %arg7[%dma_wait3A] : memref<1536xf32, #tpu.memory_space<vmem>> -> memref<864xf32, #tpu.memory_space<vmem>>
        %dma_wait3A_40 = tpu.memref_slice %arg2[%mul3A_2] : memref<1500000xf32, #tpu.memory_space<hbm>> -> memref<864xf32, #tpu.memory_space<hbm>>
        %dma_wait3A_41 = arith.constant 0 : i32
        %dma_wait3A_42 = tpu.memref_slice %arg7[%dma_wait3A_41] : memref<1536xf32, #tpu.memory_space<vmem>> -> memref<864xf32, #tpu.memory_space<vmem>>
        %dma_wait3A_43 = tpu.memref_slice %arg2[%mul3A_2] : memref<1500000xf32, #tpu.memory_space<hbm>> -> memref<864xf32, #tpu.memory_space<hbm>>
        tpu.wait_dma2 semaphore(%run_scoped3A : memref<!tpu.dma_semaphore, #tpu.memory_space<semaphore_mem>>) src(%dma_wait3A_43 : memref<864xf32, #tpu.memory_space<hbm>>) dst(%dma_wait3A_42 : memref<864xf32, #tpu.memory_space<vmem>>)
        tpu.yield
      }) : () -> ()
    } else {
    }
    %scan3A = arith.constant 0 : i32
    %scan3A_9 = arith.constant 32 : i32
    %scan3A_10 = arith.addi %scan3A, %scan3A_9 : i32
    %scan3A_11 = arith.constant 1 : i32
    scf.for %scan3A_33 = %scan3A to %scan3A_10 step %scan3A_11  : i32 {
      %mul3A_34 = arith.constant 1 : i32
      %mul3A_35 = arith.muli %scan3A_33, %mul3A_34 : i32
      %add3A_36 = arith.constant 0 : i32
      %add3A_37 = arith.addi %add3A_36, %mul3A_35 : i32
      %mul3A_38 = arith.constant 16 : i32
      %mul3A_39 = arith.muli %add3A_37, %mul3A_38 : i32
      %mul3A_40 = arith.constant 16 : i32
      %mul3A_41 = arith.muli %add3A_37, %mul3A_40 : i32
      %iota3A = tpu.iota {dimensions = array<i32: 0>} : vector<16xi32>
      %add3A_42 = vector.broadcast %mul3A_41 : i32 to vector<16xi32>
      %add3A_43 = arith.addi %add3A_42, %iota3A : vector<16xi32>
      %mul3A_44 = arith.constant 3 : i32
      %mul3A_45 = vector.broadcast %mul3A_44 : i32 to vector<16xi32>
      %mul3A_46 = arith.muli %add3A_43, %mul3A_45 : vector<16xi32>
      %add3A_47 = arith.constant 0 : i32
      %add3A_48 = vector.broadcast %add3A_47 : i32 to vector<16xi32>
      %add3A_49 = arith.addi %mul3A_46, %add3A_48 : vector<16xi32>
      %gather3A = tpu.vector_load_idx %arg7[%add3A_49] : memref<1536xf32, #tpu.memory_space<vmem>>[vector<16xi32>], vector<16xf32>,
      %mul3A_50 = arith.constant 5.000000e-01 : f32
      %mul3A_51 = vector.broadcast %mul3A_50 : f32 to vector<16xf32>
      %mul3A_52 = arith.mulf %gather3A, %mul3A_51 : vector<16xf32>
      %add3A_53 = arith.constant 5.000000e-01 : f32
      %add3A_54 = vector.broadcast %add3A_53 : f32 to vector<16xf32>
      %add3A_55 = arith.addf %mul3A_52, %add3A_54 : vector<16xf32>
      %max3A = arith.constant 0.000000e+00 : f32
      %max3A_56 = vector.broadcast %max3A : f32 to vector<16xf32>
      %max3A_57 = arith.maximumf %add3A_55, %max3A_56 : vector<16xf32>
      %min3A = arith.constant 0.999998986 : f32
      %min3A_58 = vector.broadcast %min3A : f32 to vector<16xf32>
      %min3A_59 = arith.minimumf %max3A_57, %min3A_58 : vector<16xf32>
      %mul3A_60 = arith.constant 3 : i32
      %mul3A_61 = vector.broadcast %mul3A_60 : i32 to vector<16xi32>
      %mul3A_62 = arith.muli %add3A_43, %mul3A_61 : vector<16xi32>
      %add3A_63 = arith.constant 1 : i32
      %add3A_64 = vector.broadcast %add3A_63 : i32 to vector<16xi32>
      %add3A_65 = arith.addi %mul3A_62, %add3A_64 : vector<16xi32>
      %gather3A_66 = tpu.vector_load_idx %arg7[%add3A_65] : memref<1536xf32, #tpu.memory_space<vmem>>[vector<16xi32>], vector<16xf32>,
      %mul3A_67 = arith.constant 5.000000e-01 : f32
      %mul3A_68 = vector.broadcast %mul3A_67 : f32 to vector<16xf32>
      %mul3A_69 = arith.mulf %gather3A_66, %mul3A_68 : vector<16xf32>
      %add3A_70 = arith.constant 5.000000e-01 : f32
      %add3A_71 = vector.broadcast %add3A_70 : f32 to vector<16xf32>
      %add3A_72 = arith.addf %mul3A_69, %add3A_71 : vector<16xf32>
      %max3A_73 = arith.constant 0.000000e+00 : f32
      %max3A_74 = vector.broadcast %max3A_73 : f32 to vector<16xf32>
      %max3A_75 = arith.maximumf %add3A_72, %max3A_74 : vector<16xf32>
      %min3A_76 = arith.constant 0.999998986 : f32
      %min3A_77 = vector.broadcast %min3A_76 : f32 to vector<16xf32>
      %min3A_78 = arith.minimumf %max3A_75, %min3A_77 : vector<16xf32>
      %mul3A_79 = arith.constant 3 : i32
      %mul3A_80 = vector.broadcast %mul3A_79 : i32 to vector<16xi32>
      %mul3A_81 = arith.muli %add3A_43, %mul3A_80 : vector<16xi32>
      %add3A_82 = arith.constant 2 : i32
      %add3A_83 = vector.broadcast %add3A_82 : i32 to vector<16xi32>
      %add3A_84 = arith.addi %mul3A_81, %add3A_83 : vector<16xi32>
      %gather3A_85 = tpu.vector_load_idx %arg7[%add3A_84] : memref<1536xf32, #tpu.memory_space<vmem>>[vector<16xi32>], vector<16xf32>,
      %mul3A_86 = arith.constant 5.000000e-01 : f32
      %mul3A_87 = vector.broadcast %mul3A_86 : f32 to vector<16xf32>
      %mul3A_88 = arith.mulf %gather3A_85, %mul3A_87 : vector<16xf32>
      %add3A_89 = arith.constant 5.000000e-01 : f32
      %add3A_90 = vector.broadcast %add3A_89 : f32 to vector<16xf32>
      %add3A_91 = arith.addf %mul3A_88, %add3A_90 : vector<16xf32>
      %max3A_92 = arith.constant 0.000000e+00 : f32
      %max3A_93 = vector.broadcast %max3A_92 : f32 to vector<16xf32>
      %max3A_94 = arith.maximumf %add3A_91, %max3A_93 : vector<16xf32>
      %min3A_95 = arith.constant 0.999998986 : f32
      %min3A_96 = vector.broadcast %min3A_95 : f32 to vector<16xf32>
      %min3A_97 = arith.minimumf %max3A_94, %min3A_96 : vector<16xf32>
      %mul3A_98 = arith.constant 3.200000e+01 : f32
      %mul3A_99 = vector.broadcast %mul3A_98 : f32 to vector<16xf32>
      %mul3A_100 = arith.mulf %min3A_59, %mul3A_99 : vector<16xf32>
      %mul3A_101 = arith.constant 3.200000e+01 : f32
      %mul3A_102 = vector.broadcast %mul3A_101 : f32 to vector<16xf32>
      %mul3A_103 = arith.mulf %min3A_78, %mul3A_102 : vector<16xf32>
      %mul3A_104 = arith.constant 3.200000e+01 : f32
      %mul3A_105 = vector.broadcast %mul3A_104 : f32 to vector<16xf32>
      %mul3A_106 = arith.mulf %min3A_97, %mul3A_105 : vector<16xf32>
      %convert_element_type3A_107 = arith.fptosi %mul3A_100 : vector<16xf32> to vector<16xi32>
      %convert_element_type3A_108 = arith.fptosi %mul3A_103 : vector<16xf32> to vector<16xi32>
      %convert_element_type3A_109 = arith.fptosi %mul3A_106 : vector<16xf32> to vector<16xi32>
      %mul3A_110 = arith.constant 32 : i32
      %mul3A_111 = vector.broadcast %mul3A_110 : i32 to vector<16xi32>
      %mul3A_112 = arith.muli %convert_element_type3A_108, %mul3A_111 : vector<16xi32>
      %add3A_113 = arith.addi %convert_element_type3A_107, %mul3A_112 : vector<16xi32>
      %mul3A_114 = arith.constant 1024 : i32
      %mul3A_115 = vector.broadcast %mul3A_114 : i32 to vector<16xi32>
      %mul3A_116 = arith.muli %convert_element_type3A_109, %mul3A_115 : vector<16xi32>
      %add3A_117 = arith.addi %add3A_113, %mul3A_116 : vector<16xi32>
      %swap3A = arith.index_cast %mul3A_39 : i32 to index
      %swap3A_118 = tpu.vector_load %arg9[%swap3A] {strides = array<i32>} : memref<512xi32, #tpu.memory_space<vmem>>, vector<16xi32>,
      tpu.vector_store %arg9[%swap3A], %add3A_117 {strides = array<i32>} : memref<512xi32, #tpu.memory_space<vmem>>, vector<16xi32>,
      %mul3A_119 = arith.constant 2.000000e+00 : f32
      %mul3A_120 = vector.broadcast %mul3A_119 : f32 to vector<16xf32>
      %mul3A_121 = arith.mulf %mul3A_100, %mul3A_120 : vector<16xf32>
      %mul3A_122 = arith.constant 2.000000e+00 : f32
      %mul3A_123 = vector.broadcast %mul3A_122 : f32 to vector<16xf32>
      %mul3A_124 = arith.mulf %mul3A_103, %mul3A_123 : vector<16xf32>
      %mul3A_125 = arith.constant 2.000000e+00 : f32
      %mul3A_126 = vector.broadcast %mul3A_125 : f32 to vector<16xf32>
      %mul3A_127 = arith.mulf %mul3A_106, %mul3A_126 : vector<16xf32>
      %convert_element_type3A_128 = arith.fptosi %mul3A_121 : vector<16xf32> to vector<16xi32>
      %convert_element_type3A_129 = arith.fptosi %mul3A_124 : vector<16xf32> to vector<16xi32>
      %convert_element_type3A_130 = arith.fptosi %mul3A_127 : vector<16xf32> to vector<16xi32>
      %mul3A_131 = arith.constant 64 : i32
      %mul3A_132 = vector.broadcast %mul3A_131 : i32 to vector<16xi32>
      %mul3A_133 = arith.muli %convert_element_type3A_129, %mul3A_132 : vector<16xi32>
      %add3A_134 = arith.addi %convert_element_type3A_128, %mul3A_133 : vector<16xi32>
      %mul3A_135 = arith.constant 4096 : i32
      %mul3A_136 = vector.broadcast %mul3A_135 : i32 to vector<16xi32>
      %mul3A_137 = arith.muli %convert_element_type3A_130, %mul3A_136 : vector<16xi32>
      %add3A_138 = arith.addi %add3A_134, %mul3A_137 : vector<16xi32>
      %swap3A_139 = arith.index_cast %mul3A_39 : i32 to index
      %swap3A_140 = tpu.vector_load %arg10[%swap3A_139] {strides = array<i32>} : memref<512xi32, #tpu.memory_space<vmem>>, vector<16xi32>,
      tpu.vector_store %arg10[%swap3A_139], %add3A_138 {strides = array<i32>} : memref<512xi32, #tpu.memory_space<vmem>>, vector<16xi32>,
      %mul3A_141 = arith.constant 2.000000e+00 : f32
      %mul3A_142 = vector.broadcast %mul3A_141 : f32 to vector<16xf32>
      %mul3A_143 = arith.mulf %mul3A_121, %mul3A_142 : vector<16xf32>
      %mul3A_144 = arith.constant 2.000000e+00 : f32
      %mul3A_145 = vector.broadcast %mul3A_144 : f32 to vector<16xf32>
      %mul3A_146 = arith.mulf %mul3A_124, %mul3A_145 : vector<16xf32>
      %mul3A_147 = arith.constant 2.000000e+00 : f32
      %mul3A_148 = vector.broadcast %mul3A_147 : f32 to vector<16xf32>
      %mul3A_149 = arith.mulf %mul3A_127, %mul3A_148 : vector<16xf32>
      %convert_element_type3A_150 = arith.fptosi %mul3A_143 : vector<16xf32> to vector<16xi32>
      %convert_element_type3A_151 = arith.fptosi %mul3A_146 : vector<16xf32> to vector<16xi32>
      %convert_element_type3A_152 = arith.fptosi %mul3A_149 : vector<16xf32> to vector<16xi32>
      %mul3A_153 = arith.constant 128 : i32
      %mul3A_154 = vector.broadcast %mul3A_153 : i32 to vector<16xi32>
      %mul3A_155 = arith.muli %convert_element_type3A_151, %mul3A_154 : vector<16xi32>
      %add3A_156 = arith.addi %convert_element_type3A_150, %mul3A_155 : vector<16xi32>
      %mul3A_157 = arith.constant 16384 : i32
      %mul3A_158 = vector.broadcast %mul3A_157 : i32 to vector<16xi32>
      %mul3A_159 = arith.muli %convert_element_type3A_152, %mul3A_158 : vector<16xi32>
      %add3A_160 = arith.addi %add3A_156, %mul3A_159 : vector<16xi32>
      %swap3A_161 = arith.index_cast %mul3A_39 : i32 to index
      %swap3A_162 = tpu.vector_load %arg11[%swap3A_161] {strides = array<i32>} : memref<512xi32, #tpu.memory_space<vmem>>, vector<16xi32>,
      tpu.vector_store %arg11[%swap3A_161], %add3A_160 {strides = array<i32>} : memref<512xi32, #tpu.memory_space<vmem>>, vector<16xi32>,
    }
    %scan3A_12 = arith.constant 32 : i32
    %dma_start3A = arith.constant 0 : i32
    %dma_start3A_13 = arith.constant 0 : i32
    %dma_start3A_14 = tpu.memref_slice %arg3[%dma_start3A, %dma_start3A_13] : memref<32768x80xf32, #tpu.memory_space<hbm>> -> memref<32768x80xf32, #tpu.memory_space<hbm>>
    tpu.enqueue_indirect_dma source(%dma_start3A_14 : memref<32768x80xf32, #tpu.memory_space<hbm>>) target(%arg15 : memref<512x80xf32, #tpu.memory_space<vmem>>) offsets(%arg9 : memref<512xi32, #tpu.memory_space<vmem>>) semaphore(%arg21 : memref<!tpu.dma_semaphore, #tpu.memory_space<semaphore_mem>>)
    %dma_start3A_15 = arith.constant 0 : i32
    %dma_start3A_16 = arith.constant 0 : i32
    %dma_start3A_17 = tpu.memref_slice %arg4[%dma_start3A_15, %dma_start3A_16] : memref<262144x16xf32, #tpu.memory_space<hbm>> -> memref<262144x16xf32, #tpu.memory_space<hbm>>
    tpu.enqueue_indirect_dma source(%dma_start3A_17 : memref<262144x16xf32, #tpu.memory_space<hbm>>) target(%arg17 : memref<512x16xf32, #tpu.memory_space<vmem>>) offsets(%arg10 : memref<512xi32, #tpu.memory_space<vmem>>) semaphore(%arg21 : memref<!tpu.dma_semaphore, #tpu.memory_space<semaphore_mem>>)
    %dma_start3A_18 = arith.constant 0 : i32
    %dma_start3A_19 = arith.constant 0 : i32
    %dma_start3A_20 = tpu.memref_slice %arg5[%dma_start3A_18, %dma_start3A_19] : memref<2097152x16xf32, #tpu.memory_space<hbm>> -> memref<2097152x16xf32, #tpu.memory_space<hbm>>
    tpu.enqueue_indirect_dma source(%dma_start3A_20 : memref<2097152x16xf32, #tpu.memory_space<hbm>>) target(%arg19 : memref<512x16xf32, #tpu.memory_space<vmem>>) offsets(%arg11 : memref<512xi32, #tpu.memory_space<vmem>>) semaphore(%arg21 : memref<!tpu.dma_semaphore, #tpu.memory_space<semaphore_mem>>)
    %scan3A_21 = arith.constant 0 : i32
    %scan3A_22 = arith.constant 16 : i32
    %scan3A_23 = arith.addi %scan3A_21, %scan3A_22 : i32
    %scan3A_24 = arith.constant 1 : i32
    scf.for %scan3A_33 = %scan3A_21 to %scan3A_23 step %scan3A_24  : i32 {
      %mul3A_34 = arith.constant 2 : i32
      %mul3A_35 = arith.muli %scan3A_33, %mul3A_34 : i32
      %add3A_36 = arith.constant 0 : i32
      %add3A_37 = arith.addi %add3A_36, %mul3A_35 : i32
      %add3A_38 = arith.constant 0 : i32
      %add3A_39 = arith.addi %add3A_37, %add3A_38 : i32
      %mul3A_40 = arith.constant 32 : i32
      %mul3A_41 = arith.muli %add3A_39, %mul3A_40 : i32
      %add3A_42 = arith.addi %add3A, %mul3A_41 : i32
      %add3A_43 = arith.constant 1 : i32
      %add3A_44 = arith.addi %add3A_39, %add3A_43 : i32
      %mul3A_45 = arith.constant 32 : i32
      %mul3A_46 = arith.muli %add3A_44, %mul3A_45 : i32
      %add3A_47 = arith.addi %add3A, %mul3A_46 : i32
      %sub3A = arith.constant 1 : i32
      %sub3A_48 = arith.subi %add3A_39, %sub3A : i32
      %mul3A_49 = arith.constant 32 : i32
      %mul3A_50 = arith.muli %sub3A_48, %mul3A_49 : i32
      %add3A_51 = arith.addi %add3A, %mul3A_50 : i32
      %ge3A = arith.constant 1 : i32
      %ge3A_52 = arith.cmpi sge, %add3A_39, %ge3A : i32
      %lt3A_53 = arith.constant 977 : i32
      %lt3A_54 = arith.cmpi slt, %add3A_51, %lt3A_53 : i32
      %and3A = arith.andi %ge3A_52, %lt3A_54 : i1
      %convert_element_type3A_55 = arith.extui %and3A : i1 to i32
      %cond3A_56 = arith.constant 0 : i32
      %cond3A_57 = arith.cmpi ne, %convert_element_type3A_55, %cond3A_56 : i32
      scf.if %cond3A_57 {
        %lt3A_101 = arith.constant 976 : i32
        %lt3A_102 = arith.cmpi slt, %add3A_51, %lt3A_101 : i32
        %convert_element_type3A_103 = arith.extui %lt3A_102 : i1 to i32
        %cond3A_104 = arith.constant 0 : i32
        %cond3A_105 = arith.cmpi ne, %convert_element_type3A_103, %cond3A_104 : i32
        scf.if %cond3A_105 {
          %dma_wait3A = arith.constant 0 : i32
          %dma_wait3A_111 = arith.constant 0 : i32
          %dma_wait3A_112 = tpu.memref_slice %arg6[%dma_wait3A, %dma_wait3A_111] : memref<500000x112xf32, #tpu.memory_space<hbm>> -> memref<512x80xf32, #tpu.memory_space<hbm>>
          %dma_wait3A_113 = arith.constant 0 : i32
          %dma_wait3A_114 = arith.constant 0 : i32
          %dma_wait3A_115 = tpu.memref_slice %arg6[%dma_wait3A_113, %dma_wait3A_114] : memref<500000x112xf32, #tpu.memory_space<hbm>> -> memref<512x80xf32, #tpu.memory_space<hbm>>
          tpu.wait_dma2 semaphore(%arg24 : memref<!tpu.dma_semaphore, #tpu.memory_space<semaphore_mem>>) src(%arg16 : memref<512x80xf32, #tpu.memory_space<vmem>>) dst(%dma_wait3A_115 : memref<512x80xf32, #tpu.memory_space<hbm>>)
          %dma_wait3A_116 = arith.constant 0 : i32
          %dma_wait3A_117 = arith.constant 80 : i32
          %dma_wait3A_118 = tpu.memref_slice %arg6[%dma_wait3A_116, %dma_wait3A_117] : memref<500000x112xf32, #tpu.memory_space<hbm>> -> memref<512x16xf32, #tpu.memory_space<hbm>>
          %dma_wait3A_119 = arith.constant 0 : i32
          %dma_wait3A_120 = arith.constant 80 : i32
          %dma_wait3A_121 = tpu.memref_slice %arg6[%dma_wait3A_119, %dma_wait3A_120] : memref<500000x112xf32, #tpu.memory_space<hbm>> -> memref<512x16xf32, #tpu.memory_space<hbm>>
          tpu.wait_dma2 semaphore(%arg24 : memref<!tpu.dma_semaphore, #tpu.memory_space<semaphore_mem>>) src(%arg18 : memref<512x16xf32, #tpu.memory_space<vmem>>) dst(%dma_wait3A_121 : memref<512x16xf32, #tpu.memory_space<hbm>>)
          %dma_wait3A_122 = arith.constant 0 : i32
          %dma_wait3A_123 = arith.constant 96 : i32
          %dma_wait3A_124 = tpu.memref_slice %arg6[%dma_wait3A_122, %dma_wait3A_123] : memref<500000x112xf32, #tpu.memory_space<hbm>> -> memref<512x16xf32, #tpu.memory_space<hbm>>
          %dma_wait3A_125 = arith.constant 0 : i32
          %dma_wait3A_126 = arith.constant 96 : i32
          %dma_wait3A_127 = tpu.memref_slice %arg6[%dma_wait3A_125, %dma_wait3A_126] : memref<500000x112xf32, #tpu.memory_space<hbm>> -> memref<512x16xf32, #tpu.memory_space<hbm>>
          tpu.wait_dma2 semaphore(%arg24 : memref<!tpu.dma_semaphore, #tpu.memory_space<semaphore_mem>>) src(%arg20 : memref<512x16xf32, #tpu.memory_space<vmem>>) dst(%dma_wait3A_127 : memref<512x16xf32, #tpu.memory_space<hbm>>)
        } else {
        }
        %eq3A_106 = arith.constant 976 : i32
        %eq3A_107 = arith.cmpi eq, %add3A_51, %eq3A_106 : i32
        %convert_element_type3A_108 = arith.extui %eq3A_107 : i1 to i32
        %cond3A_109 = arith.constant 0 : i32
        %cond3A_110 = arith.cmpi ne, %convert_element_type3A_108, %cond3A_109 : i32
        scf.if %cond3A_110 {
          %dma_wait3A = arith.constant 0 : i32
          %dma_wait3A_111 = arith.constant 0 : i32
          %dma_wait3A_112 = tpu.memref_slice %arg16[%dma_wait3A, %dma_wait3A_111] : memref<512x80xf32, #tpu.memory_space<vmem>> -> memref<288x80xf32, #tpu.memory_space<vmem>>
          %dma_wait3A_113 = arith.constant 0 : i32
          %dma_wait3A_114 = arith.constant 0 : i32
          %dma_wait3A_115 = tpu.memref_slice %arg6[%dma_wait3A_113, %dma_wait3A_114] : memref<500000x112xf32, #tpu.memory_space<hbm>> -> memref<288x80xf32, #tpu.memory_space<hbm>>
          %dma_wait3A_116 = arith.constant 0 : i32
          %dma_wait3A_117 = arith.constant 0 : i32
          %dma_wait3A_118 = tpu.memref_slice %arg6[%dma_wait3A_116, %dma_wait3A_117] : memref<500000x112xf32, #tpu.memory_space<hbm>> -> memref<288x80xf32, #tpu.memory_space<hbm>>
          %dma_wait3A_119 = arith.constant 0 : i32
          %dma_wait3A_120 = arith.constant 0 : i32
          %dma_wait3A_121 = tpu.memref_slice %arg16[%dma_wait3A_119, %dma_wait3A_120] : memref<512x80xf32, #tpu.memory_space<vmem>> -> memref<288x80xf32, #tpu.memory_space<vmem>>
          tpu.wait_dma2 semaphore(%arg24 : memref<!tpu.dma_semaphore, #tpu.memory_space<semaphore_mem>>) src(%dma_wait3A_121 : memref<288x80xf32, #tpu.memory_space<vmem>>) dst(%dma_wait3A_118 : memref<288x80xf32, #tpu.memory_space<hbm>>)
          %dma_wait3A_122 = arith.constant 0 : i32
          %dma_wait3A_123 = arith.constant 0 : i32
          %dma_wait3A_124 = tpu.memref_slice %arg18[%dma_wait3A_122, %dma_wait3A_123] : memref<512x16xf32, #tpu.memory_space<vmem>> -> memref<288x16xf32, #tpu.memory_space<vmem>>
          %dma_wait3A_125 = arith.constant 0 : i32
          %dma_wait3A_126 = arith.constant 80 : i32
          %dma_wait3A_127 = tpu.memref_slice %arg6[%dma_wait3A_125, %dma_wait3A_126] : memref<500000x112xf32, #tpu.memory_space<hbm>> -> memref<288x16xf32, #tpu.memory_space<hbm>>
          %dma_wait3A_128 = arith.constant 0 : i32
          %dma_wait3A_129 = arith.constant 80 : i32
          %dma_wait3A_130 = tpu.memref_slice %arg6[%dma_wait3A_128, %dma_wait3A_129] : memref<500000x112xf32, #tpu.memory_space<hbm>> -> memref<288x16xf32, #tpu.memory_space<hbm>>
          %dma_wait3A_131 = arith.constant 0 : i32
          %dma_wait3A_132 = arith.constant 0 : i32
          %dma_wait3A_133 = tpu.memref_slice %arg18[%dma_wait3A_131, %dma_wait3A_132] : memref<512x16xf32, #tpu.memory_space<vmem>> -> memref<288x16xf32, #tpu.memory_space<vmem>>
          tpu.wait_dma2 semaphore(%arg24 : memref<!tpu.dma_semaphore, #tpu.memory_space<semaphore_mem>>) src(%dma_wait3A_133 : memref<288x16xf32, #tpu.memory_space<vmem>>) dst(%dma_wait3A_130 : memref<288x16xf32, #tpu.memory_space<hbm>>)
          %dma_wait3A_134 = arith.constant 0 : i32
          %dma_wait3A_135 = arith.constant 0 : i32
          %dma_wait3A_136 = tpu.memref_slice %arg20[%dma_wait3A_134, %dma_wait3A_135] : memref<512x16xf32, #tpu.memory_space<vmem>> -> memref<288x16xf32, #tpu.memory_space<vmem>>
          %dma_wait3A_137 = arith.constant 0 : i32
          %dma_wait3A_138 = arith.constant 96 : i32
          %dma_wait3A_139 = tpu.memref_slice %arg6[%dma_wait3A_137, %dma_wait3A_138] : memref<500000x112xf32, #tpu.memory_space<hbm>> -> memref<288x16xf32, #tpu.memory_space<hbm>>
          %dma_wait3A_140 = arith.constant 0 : i32
          %dma_wait3A_141 = arith.constant 96 : i32
          %dma_wait3A_142 = tpu.memref_slice %arg6[%dma_wait3A_140, %dma_wait3A_141] : memref<500000x112xf32, #tpu.memory_space<hbm>> -> memref<288x16xf32, #tpu.memory_space<hbm>>
          %dma_wait3A_143 = arith.constant 0 : i32
          %dma_wait3A_144 = arith.constant 0 : i32
          %dma_wait3A_145 = tpu.memref_slice %arg20[%dma_wait3A_143, %dma_wait3A_144] : memref<512x16xf32, #tpu.memory_space<vmem>> -> memref<288x16xf32, #tpu.memory_space<vmem>>
          tpu.wait_dma2 semaphore(%arg24 : memref<!tpu.dma_semaphore, #tpu.memory_space<semaphore_mem>>) src(%dma_wait3A_145 : memref<288x16xf32, #tpu.memory_space<vmem>>) dst(%dma_wait3A_142 : memref<288x16xf32, #tpu.memory_space<hbm>>)
        } else {
        }
      } else {
      }
      %lt3A_58 = arith.constant 977 : i32
      %lt3A_59 = arith.cmpi slt, %add3A_47, %lt3A_58 : i32
      %convert_element_type3A_60 = arith.extui %lt3A_59 : i1 to i32
      %cond3A_61 = arith.constant 0 : i32
      %cond3A_62 = arith.cmpi ne, %convert_element_type3A_60, %cond3A_61 : i32
      scf.if %cond3A_62 {
        %mul3A_101 = arith.constant 1536 : i32
        %mul3A_102 = arith.muli %add3A_47, %mul3A_101 : i32
        %lt3A_103 = arith.constant 976 : i32
        %lt3A_104 = arith.cmpi slt, %add3A_47, %lt3A_103 : i32
        %convert_element_type3A_105 = arith.extui %lt3A_104 : i1 to i32
        %cond3A_106 = arith.constant 0 : i32
        %cond3A_107 = arith.cmpi ne, %convert_element_type3A_105, %cond3A_106 : i32
        scf.if %cond3A_107 {
          "tpu.region"() ({
            %run_scoped3A = tpu.sem_alloc : memref<!tpu.dma_semaphore, #tpu.memory_space<semaphore_mem>>
            %dma_start3A_127 = tpu.memref_slice %arg2[%mul3A_102] : memref<1500000xf32, #tpu.memory_space<hbm>> -> memref<1536xf32, #tpu.memory_space<hbm>>
            %dma_start3A_128 = tpu.memref_slice %arg2[%mul3A_102] : memref<1500000xf32, #tpu.memory_space<hbm>> -> memref<1536xf32, #tpu.memory_space<hbm>>
            tpu.enqueue_dma source(%dma_start3A_128 : memref<1536xf32, #tpu.memory_space<hbm>>) target(%arg8 : memref<1536xf32, #tpu.memory_space<vmem>>) target_semaphore(%run_scoped3A : memref<!tpu.dma_semaphore, #tpu.memory_space<semaphore_mem>>)
            %dma_wait3A = tpu.memref_slice %arg2[%mul3A_102] : memref<1500000xf32, #tpu.memory_space<hbm>> -> memref<1536xf32, #tpu.memory_space<hbm>>
            %dma_wait3A_129 = tpu.memref_slice %arg2[%mul3A_102] : memref<1500000xf32, #tpu.memory_space<hbm>> -> memref<1536xf32, #tpu.memory_space<hbm>>
            tpu.wait_dma2 semaphore(%run_scoped3A : memref<!tpu.dma_semaphore, #tpu.memory_space<semaphore_mem>>) src(%dma_wait3A_129 : memref<1536xf32, #tpu.memory_space<hbm>>) dst(%arg8 : memref<1536xf32, #tpu.memory_space<vmem>>)
            tpu.yield
          }) : () -> ()
        } else {
        }
        %eq3A_108 = arith.constant 976 : i32
        %eq3A_109 = arith.cmpi eq, %add3A_47, %eq3A_108 : i32
        %convert_element_type3A_110 = arith.extui %eq3A_109 : i1 to i32
        %cond3A_111 = arith.constant 0 : i32
        %cond3A_112 = arith.cmpi ne, %convert_element_type3A_110, %cond3A_111 : i32
        scf.if %cond3A_112 {
          "tpu.region"() ({
            %run_scoped3A = tpu.sem_alloc : memref<!tpu.dma_semaphore, #tpu.memory_space<semaphore_mem>>
            %dma_start3A_127 = arith.constant 0 : i32
            %dma_start3A_128 = tpu.memref_slice %arg8[%dma_start3A_127] : memref<1536xf32, #tpu.memory_space<vmem>> -> memref<864xf32, #tpu.memory_space<vmem>>
            %dma_start3A_129 = tpu.memref_slice %arg2[%mul3A_102] : memref<1500000xf32, #tpu.memory_space<hbm>> -> memref<864xf32, #tpu.memory_space<hbm>>
            %dma_start3A_130 = arith.constant 0 : i32
            %dma_start3A_131 = tpu.memref_slice %arg8[%dma_start3A_130] : memref<1536xf32, #tpu.memory_space<vmem>> -> memref<864xf32, #tpu.memory_space<vmem>>
            %dma_start3A_132 = tpu.memref_slice %arg2[%mul3A_102] : memref<1500000xf32, #tpu.memory_space<hbm>> -> memref<864xf32, #tpu.memory_space<hbm>>
            tpu.enqueue_dma source(%dma_start3A_132 : memref<864xf32, #tpu.memory_space<hbm>>) target(%dma_start3A_131 : memref<864xf32, #tpu.memory_space<vmem>>) target_semaphore(%run_scoped3A : memref<!tpu.dma_semaphore, #tpu.memory_space<semaphore_mem>>)
            %dma_wait3A = arith.constant 0 : i32
            %dma_wait3A_133 = tpu.memref_slice %arg8[%dma_wait3A] : memref<1536xf32, #tpu.memory_space<vmem>> -> memref<864xf32, #tpu.memory_space<vmem>>
            %dma_wait3A_134 = tpu.memref_slice %arg2[%mul3A_102] : memref<1500000xf32, #tpu.memory_space<hbm>> -> memref<864xf32, #tpu.memory_space<hbm>>
            %dma_wait3A_135 = arith.constant 0 : i32
            %dma_wait3A_136 = tpu.memref_slice %arg8[%dma_wait3A_135] : memref<1536xf32, #tpu.memory_space<vmem>> -> memref<864xf32, #tpu.memory_space<vmem>>
            %dma_wait3A_137 = tpu.memref_slice %arg2[%mul3A_102] : memref<1500000xf32, #tpu.memory_space<hbm>> -> memref<864xf32, #tpu.memory_space<hbm>>
            tpu.wait_dma2 semaphore(%run_scoped3A : memref<!tpu.dma_semaphore, #tpu.memory_space<semaphore_mem>>) src(%dma_wait3A_137 : memref<864xf32, #tpu.memory_space<hbm>>) dst(%dma_wait3A_136 : memref<864xf32, #tpu.memory_space<vmem>>)
            tpu.yield
          }) : () -> ()
        } else {
        }
        %scan3A_113 = arith.constant 0 : i32
        %scan3A_114 = arith.constant 32 : i32
        %scan3A_115 = arith.addi %scan3A_113, %scan3A_114 : i32
        %scan3A_116 = arith.constant 1 : i32
        scf.for %scan3A_127 = %scan3A_113 to %scan3A_115 step %scan3A_116  : i32 {
          %mul3A_128 = arith.constant 1 : i32
          %mul3A_129 = arith.muli %scan3A_127, %mul3A_128 : i32
          %add3A_130 = arith.constant 0 : i32
          %add3A_131 = arith.addi %add3A_130, %mul3A_129 : i32
          %mul3A_132 = arith.constant 16 : i32
          %mul3A_133 = arith.muli %add3A_131, %mul3A_132 : i32
          %mul3A_134 = arith.constant 16 : i32
          %mul3A_135 = arith.muli %add3A_131, %mul3A_134 : i32
          %iota3A = tpu.iota {dimensions = array<i32: 0>} : vector<16xi32>
          %add3A_136 = vector.broadcast %mul3A_135 : i32 to vector<16xi32>
          %add3A_137 = arith.addi %add3A_136, %iota3A : vector<16xi32>
          %mul3A_138 = arith.constant 3 : i32
          %mul3A_139 = vector.broadcast %mul3A_138 : i32 to vector<16xi32>
          %mul3A_140 = arith.muli %add3A_137, %mul3A_139 : vector<16xi32>
          %add3A_141 = arith.constant 0 : i32
          %add3A_142 = vector.broadcast %add3A_141 : i32 to vector<16xi32>
          %add3A_143 = arith.addi %mul3A_140, %add3A_142 : vector<16xi32>
          %gather3A = tpu.vector_load_idx %arg8[%add3A_143] : memref<1536xf32, #tpu.memory_space<vmem>>[vector<16xi32>], vector<16xf32>,
          %mul3A_144 = arith.constant 5.000000e-01 : f32
          %mul3A_145 = vector.broadcast %mul3A_144 : f32 to vector<16xf32>
          %mul3A_146 = arith.mulf %gather3A, %mul3A_145 : vector<16xf32>
          %add3A_147 = arith.constant 5.000000e-01 : f32
          %add3A_148 = vector.broadcast %add3A_147 : f32 to vector<16xf32>
          %add3A_149 = arith.addf %mul3A_146, %add3A_148 : vector<16xf32>
          %max3A = arith.constant 0.000000e+00 : f32
          %max3A_150 = vector.broadcast %max3A : f32 to vector<16xf32>
          %max3A_151 = arith.maximumf %add3A_149, %max3A_150 : vector<16xf32>
          %min3A = arith.constant 0.999998986 : f32
          %min3A_152 = vector.broadcast %min3A : f32 to vector<16xf32>
          %min3A_153 = arith.minimumf %max3A_151, %min3A_152 : vector<16xf32>
          %mul3A_154 = arith.constant 3 : i32
          %mul3A_155 = vector.broadcast %mul3A_154 : i32 to vector<16xi32>
          %mul3A_156 = arith.muli %add3A_137, %mul3A_155 : vector<16xi32>
          %add3A_157 = arith.constant 1 : i32
          %add3A_158 = vector.broadcast %add3A_157 : i32 to vector<16xi32>
          %add3A_159 = arith.addi %mul3A_156, %add3A_158 : vector<16xi32>
          %gather3A_160 = tpu.vector_load_idx %arg8[%add3A_159] : memref<1536xf32, #tpu.memory_space<vmem>>[vector<16xi32>], vector<16xf32>,
          %mul3A_161 = arith.constant 5.000000e-01 : f32
          %mul3A_162 = vector.broadcast %mul3A_161 : f32 to vector<16xf32>
          %mul3A_163 = arith.mulf %gather3A_160, %mul3A_162 : vector<16xf32>
          %add3A_164 = arith.constant 5.000000e-01 : f32
          %add3A_165 = vector.broadcast %add3A_164 : f32 to vector<16xf32>
          %add3A_166 = arith.addf %mul3A_163, %add3A_165 : vector<16xf32>
          %max3A_167 = arith.constant 0.000000e+00 : f32
          %max3A_168 = vector.broadcast %max3A_167 : f32 to vector<16xf32>
          %max3A_169 = arith.maximumf %add3A_166, %max3A_168 : vector<16xf32>
          %min3A_170 = arith.constant 0.999998986 : f32
          %min3A_171 = vector.broadcast %min3A_170 : f32 to vector<16xf32>
          %min3A_172 = arith.minimumf %max3A_169, %min3A_171 : vector<16xf32>
          %mul3A_173 = arith.constant 3 : i32
          %mul3A_174 = vector.broadcast %mul3A_173 : i32 to vector<16xi32>
          %mul3A_175 = arith.muli %add3A_137, %mul3A_174 : vector<16xi32>
          %add3A_176 = arith.constant 2 : i32
          %add3A_177 = vector.broadcast %add3A_176 : i32 to vector<16xi32>
          %add3A_178 = arith.addi %mul3A_175, %add3A_177 : vector<16xi32>
          %gather3A_179 = tpu.vector_load_idx %arg8[%add3A_178] : memref<1536xf32, #tpu.memory_space<vmem>>[vector<16xi32>], vector<16xf32>,
          %mul3A_180 = arith.constant 5.000000e-01 : f32
          %mul3A_181 = vector.broadcast %mul3A_180 : f32 to vector<16xf32>
          %mul3A_182 = arith.mulf %gather3A_179, %mul3A_181 : vector<16xf32>
          %add3A_183 = arith.constant 5.000000e-01 : f32
          %add3A_184 = vector.broadcast %add3A_183 : f32 to vector<16xf32>
          %add3A_185 = arith.addf %mul3A_182, %add3A_184 : vector<16xf32>
          %max3A_186 = arith.constant 0.000000e+00 : f32
          %max3A_187 = vector.broadcast %max3A_186 : f32 to vector<16xf32>
          %max3A_188 = arith.maximumf %add3A_185, %max3A_187 : vector<16xf32>
          %min3A_189 = arith.constant 0.999998986 : f32
          %min3A_190 = vector.broadcast %min3A_189 : f32 to vector<16xf32>
          %min3A_191 = arith.minimumf %max3A_188, %min3A_190 : vector<16xf32>
          %mul3A_192 = arith.constant 3.200000e+01 : f32
          %mul3A_193 = vector.broadcast %mul3A_192 : f32 to vector<16xf32>
          %mul3A_194 = arith.mulf %min3A_153, %mul3A_193 : vector<16xf32>
          %mul3A_195 = arith.constant 3.200000e+01 : f32
          %mul3A_196 = vector.broadcast %mul3A_195 : f32 to vector<16xf32>
          %mul3A_197 = arith.mulf %min3A_172, %mul3A_196 : vector<16xf32>
          %mul3A_198 = arith.constant 3.200000e+01 : f32
          %mul3A_199 = vector.broadcast %mul3A_198 : f32 to vector<16xf32>
          %mul3A_200 = arith.mulf %min3A_191, %mul3A_199 : vector<16xf32>
          %convert_element_type3A_201 = arith.fptosi %mul3A_194 : vector<16xf32> to vector<16xi32>
          %convert_element_type3A_202 = arith.fptosi %mul3A_197 : vector<16xf32> to vector<16xi32>
          %convert_element_type3A_203 = arith.fptosi %mul3A_200 : vector<16xf32> to vector<16xi32>
          %mul3A_204 = arith.constant 32 : i32
          %mul3A_205 = vector.broadcast %mul3A_204 : i32 to vector<16xi32>
          %mul3A_206 = arith.muli %convert_element_type3A_202, %mul3A_205 : vector<16xi32>
          %add3A_207 = arith.addi %convert_element_type3A_201, %mul3A_206 : vector<16xi32>
          %mul3A_208 = arith.constant 1024 : i32
          %mul3A_209 = vector.broadcast %mul3A_208 : i32 to vector<16xi32>
          %mul3A_210 = arith.muli %convert_element_type3A_203, %mul3A_209 : vector<16xi32>
          %add3A_211 = arith.addi %add3A_207, %mul3A_210 : vector<16xi32>
          %swap3A = arith.index_cast %mul3A_133 : i32 to index
          %swap3A_212 = tpu.vector_load %arg12[%swap3A] {strides = array<i32>} : memref<512xi32, #tpu.memory_space<vmem>>, vector<16xi32>,
          tpu.vector_store %arg12[%swap3A], %add3A_211 {strides = array<i32>} : memref<512xi32, #tpu.memory_space<vmem>>, vector<16xi32>,
          %mul3A_213 = arith.constant 2.000000e+00 : f32
          %mul3A_214 = vector.broadcast %mul3A_213 : f32 to vector<16xf32>
          %mul3A_215 = arith.mulf %mul3A_194, %mul3A_214 : vector<16xf32>
          %mul3A_216 = arith.constant 2.000000e+00 : f32
          %mul3A_217 = vector.broadcast %mul3A_216 : f32 to vector<16xf32>
          %mul3A_218 = arith.mulf %mul3A_197, %mul3A_217 : vector<16xf32>
          %mul3A_219 = arith.constant 2.000000e+00 : f32
          %mul3A_220 = vector.broadcast %mul3A_219 : f32 to vector<16xf32>
          %mul3A_221 = arith.mulf %mul3A_200, %mul3A_220 : vector<16xf32>
          %convert_element_type3A_222 = arith.fptosi %mul3A_215 : vector<16xf32> to vector<16xi32>
          %convert_element_type3A_223 = arith.fptosi %mul3A_218 : vector<16xf32> to vector<16xi32>
          %convert_element_type3A_224 = arith.fptosi %mul3A_221 : vector<16xf32> to vector<16xi32>
          %mul3A_225 = arith.constant 64 : i32
          %mul3A_226 = vector.broadcast %mul3A_225 : i32 to vector<16xi32>
          %mul3A_227 = arith.muli %convert_element_type3A_223, %mul3A_226 : vector<16xi32>
          %add3A_228 = arith.addi %convert_element_type3A_222, %mul3A_227 : vector<16xi32>
          %mul3A_229 = arith.constant 4096 : i32
          %mul3A_230 = vector.broadcast %mul3A_229 : i32 to vector<16xi32>
          %mul3A_231 = arith.muli %convert_element_type3A_224, %mul3A_230 : vector<16xi32>
          %add3A_232 = arith.addi %add3A_228, %mul3A_231 : vector<16xi32>
          %swap3A_233 = arith.index_cast %mul3A_133 : i32 to index
          %swap3A_234 = tpu.vector_load %arg13[%swap3A_233] {strides = array<i32>} : memref<512xi32, #tpu.memory_space<vmem>>, vector<16xi32>,
          tpu.vector_store %arg13[%swap3A_233], %add3A_232 {strides = array<i32>} : memref<512xi32, #tpu.memory_space<vmem>>, vector<16xi32>,
          %mul3A_235 = arith.constant 2.000000e+00 : f32
          %mul3A_236 = vector.broadcast %mul3A_235 : f32 to vector<16xf32>
          %mul3A_237 = arith.mulf %mul3A_215, %mul3A_236 : vector<16xf32>
          %mul3A_238 = arith.constant 2.000000e+00 : f32
          %mul3A_239 = vector.broadcast %mul3A_238 : f32 to vector<16xf32>
          %mul3A_240 = arith.mulf %mul3A_218, %mul3A_239 : vector<16xf32>
          %mul3A_241 = arith.constant 2.000000e+00 : f32
          %mul3A_242 = vector.broadcast %mul3A_241 : f32 to vector<16xf32>
          %mul3A_243 = arith.mulf %mul3A_221, %mul3A_242 : vector<16xf32>
          %convert_element_type3A_244 = arith.fptosi %mul3A_237 : vector<16xf32> to vector<16xi32>
          %convert_element_type3A_245 = arith.fptosi %mul3A_240 : vector<16xf32> to vector<16xi32>
          %convert_element_type3A_246 = arith.fptosi %mul3A_243 : vector<16xf32> to vector<16xi32>
          %mul3A_247 = arith.constant 128 : i32
          %mul3A_248 = vector.broadcast %mul3A_247 : i32 to vector<16xi32>
          %mul3A_249 = arith.muli %convert_element_type3A_245, %mul3A_248 : vector<16xi32>
          %add3A_250 = arith.addi %convert_element_type3A_244, %mul3A_249 : vector<16xi32>
          %mul3A_251 = arith.constant 16384 : i32
          %mul3A_252 = vector.broadcast %mul3A_251 : i32 to vector<16xi32>
          %mul3A_253 = arith.muli %convert_element_type3A_246, %mul3A_252 : vector<16xi32>
          %add3A_254 = arith.addi %add3A_250, %mul3A_253 : vector<16xi32>
          %swap3A_255 = arith.index_cast %mul3A_133 : i32 to index
          %swap3A_256 = tpu.vector_load %arg14[%swap3A_255] {strides = array<i32>} : memref<512xi32, #tpu.memory_space<vmem>>, vector<16xi32>,
          tpu.vector_store %arg14[%swap3A_255], %add3A_254 {strides = array<i32>} : memref<512xi32, #tpu.memory_space<vmem>>, vector<16xi32>,
        }
        %scan3A_117 = arith.constant 32 : i32
        %dma_start3A_118 = arith.constant 0 : i32
        %dma_start3A_119 = arith.constant 0 : i32
        %dma_start3A_120 = tpu.memref_slice %arg3[%dma_start3A_118, %dma_start3A_119] : memref<32768x80xf32, #tpu.memory_space<hbm>> -> memref<32768x80xf32, #tpu.memory_space<hbm>>
        tpu.enqueue_indirect_dma source(%dma_start3A_120 : memref<32768x80xf32, #tpu.memory_space<hbm>>) target(%arg16 : memref<512x80xf32, #tpu.memory_space<vmem>>) offsets(%arg12 : memref<512xi32, #tpu.memory_space<vmem>>) semaphore(%arg22 : memref<!tpu.dma_semaphore, #tpu.memory_space<semaphore_mem>>)
        %dma_start3A_121 = arith.constant 0 : i32
        %dma_start3A_122 = arith.constant 0 : i32
        %dma_start3A_123 = tpu.memref_slice %arg4[%dma_start3A_121, %dma_start3A_122] : memref<262144x16xf32, #tpu.memory_space<hbm>> -> memref<262144x16xf32, #tpu.memory_space<hbm>>
        tpu.enqueue_indirect_dma source(%dma_start3A_123 : memref<262144x16xf32, #tpu.memory_space<hbm>>) target(%arg18 : memref<512x16xf32, #tpu.memory_space<vmem>>) offsets(%arg13 : memref<512xi32, #tpu.memory_space<vmem>>) semaphore(%arg22 : memref<!tpu.dma_semaphore, #tpu.memory_space<semaphore_mem>>)
        %dma_start3A_124 = arith.constant 0 : i32
        %dma_start3A_125 = arith.constant 0 : i32
        %dma_start3A_126 = tpu.memref_slice %arg5[%dma_start3A_124, %dma_start3A_125] : memref<2097152x16xf32, #tpu.memory_space<hbm>> -> memref<2097152x16xf32, #tpu.memory_space<hbm>>
        tpu.enqueue_indirect_dma source(%dma_start3A_126 : memref<2097152x16xf32, #tpu.memory_space<hbm>>) target(%arg20 : memref<512x16xf32, #tpu.memory_space<vmem>>) offsets(%arg14 : memref<512xi32, #tpu.memory_space<vmem>>) semaphore(%arg22 : memref<!tpu.dma_semaphore, #tpu.memory_space<semaphore_mem>>)
      } else {
      }
      %lt3A_63 = arith.constant 977 : i32
      %lt3A_64 = arith.cmpi slt, %add3A_42, %lt3A_63 : i32
      %convert_element_type3A_65 = arith.extui %lt3A_64 : i1 to i32
      %cond3A_66 = arith.constant 0 : i32
      %cond3A_67 = arith.cmpi ne, %convert_element_type3A_65, %cond3A_66 : i32
      scf.if %cond3A_67 {
        %dma_wait3A = arith.constant 0 : i32
        %dma_wait3A_101 = arith.constant 0 : i32
        %dma_wait3A_102 = tpu.memref_slice %arg3[%dma_wait3A, %dma_wait3A_101] : memref<32768x80xf32, #tpu.memory_space<hbm>> -> memref<512x80xf32, #tpu.memory_space<hbm>>
        %dma_wait3A_103 = arith.constant 0 : i32
        %dma_wait3A_104 = arith.constant 0 : i32
        %dma_wait3A_105 = tpu.memref_slice %arg3[%dma_wait3A_103, %dma_wait3A_104] : memref<32768x80xf32, #tpu.memory_space<hbm>> -> memref<512x80xf32, #tpu.memory_space<hbm>>
        tpu.wait_dma2 semaphore(%arg21 : memref<!tpu.dma_semaphore, #tpu.memory_space<semaphore_mem>>) src(%dma_wait3A_105 : memref<512x80xf32, #tpu.memory_space<hbm>>) dst(%arg15 : memref<512x80xf32, #tpu.memory_space<vmem>>)
        %dma_wait3A_106 = arith.constant 0 : i32
        %dma_wait3A_107 = arith.constant 0 : i32
        %dma_wait3A_108 = tpu.memref_slice %arg4[%dma_wait3A_106, %dma_wait3A_107] : memref<262144x16xf32, #tpu.memory_space<hbm>> -> memref<512x16xf32, #tpu.memory_space<hbm>>
        %dma_wait3A_109 = arith.constant 0 : i32
        %dma_wait3A_110 = arith.constant 0 : i32
        %dma_wait3A_111 = tpu.memref_slice %arg4[%dma_wait3A_109, %dma_wait3A_110] : memref<262144x16xf32, #tpu.memory_space<hbm>> -> memref<512x16xf32, #tpu.memory_space<hbm>>
        tpu.wait_dma2 semaphore(%arg21 : memref<!tpu.dma_semaphore, #tpu.memory_space<semaphore_mem>>) src(%dma_wait3A_111 : memref<512x16xf32, #tpu.memory_space<hbm>>) dst(%arg17 : memref<512x16xf32, #tpu.memory_space<vmem>>)
        %dma_wait3A_112 = arith.constant 0 : i32
        %dma_wait3A_113 = arith.constant 0 : i32
        %dma_wait3A_114 = tpu.memref_slice %arg5[%dma_wait3A_112, %dma_wait3A_113] : memref<2097152x16xf32, #tpu.memory_space<hbm>> -> memref<512x16xf32, #tpu.memory_space<hbm>>
        %dma_wait3A_115 = arith.constant 0 : i32
        %dma_wait3A_116 = arith.constant 0 : i32
        %dma_wait3A_117 = tpu.memref_slice %arg5[%dma_wait3A_115, %dma_wait3A_116] : memref<2097152x16xf32, #tpu.memory_space<hbm>> -> memref<512x16xf32, #tpu.memory_space<hbm>>
        tpu.wait_dma2 semaphore(%arg21 : memref<!tpu.dma_semaphore, #tpu.memory_space<semaphore_mem>>) src(%dma_wait3A_117 : memref<512x16xf32, #tpu.memory_space<hbm>>) dst(%arg19 : memref<512x16xf32, #tpu.memory_space<vmem>>)
        %mul3A_118 = arith.constant 512 : i32
        %mul3A_119 = arith.muli %add3A_42, %mul3A_118 : i32
        %lt3A_120 = arith.constant 976 : i32
        %lt3A_121 = arith.cmpi slt, %add3A_42, %lt3A_120 : i32
        %convert_element_type3A_122 = arith.extui %lt3A_121 : i1 to i32
        %cond3A_123 = arith.constant 0 : i32
        %cond3A_124 = arith.cmpi ne, %convert_element_type3A_122, %cond3A_123 : i32
        scf.if %cond3A_124 {
          %dma_start3A_130 = arith.constant 0 : i32
          %dma_start3A_131 = tpu.memref_slice %arg6[%mul3A_119, %dma_start3A_130] : memref<500000x112xf32, #tpu.memory_space<hbm>> -> memref<512x80xf32, #tpu.memory_space<hbm>>
          %dma_start3A_132 = arith.constant 0 : i32
          %dma_start3A_133 = tpu.memref_slice %arg6[%mul3A_119, %dma_start3A_132] : memref<500000x112xf32, #tpu.memory_space<hbm>> -> memref<512x80xf32, #tpu.memory_space<hbm>>
          tpu.enqueue_dma source(%arg15 : memref<512x80xf32, #tpu.memory_space<vmem>>) target(%dma_start3A_133 : memref<512x80xf32, #tpu.memory_space<hbm>>) target_semaphore(%arg23 : memref<!tpu.dma_semaphore, #tpu.memory_space<semaphore_mem>>)
          %dma_start3A_134 = arith.constant 80 : i32
          %dma_start3A_135 = tpu.memref_slice %arg6[%mul3A_119, %dma_start3A_134] : memref<500000x112xf32, #tpu.memory_space<hbm>> -> memref<512x16xf32, #tpu.memory_space<hbm>>
          %dma_start3A_136 = arith.constant 80 : i32
          %dma_start3A_137 = tpu.memref_slice %arg6[%mul3A_119, %dma_start3A_136] : memref<500000x112xf32, #tpu.memory_space<hbm>> -> memref<512x16xf32, #tpu.memory_space<hbm>>
          tpu.enqueue_dma source(%arg17 : memref<512x16xf32, #tpu.memory_space<vmem>>) target(%dma_start3A_137 : memref<512x16xf32, #tpu.memory_space<hbm>>) target_semaphore(%arg23 : memref<!tpu.dma_semaphore, #tpu.memory_space<semaphore_mem>>)
          %dma_start3A_138 = arith.constant 96 : i32
          %dma_start3A_139 = tpu.memref_slice %arg6[%mul3A_119, %dma_start3A_138] : memref<500000x112xf32, #tpu.memory_space<hbm>> -> memref<512x16xf32, #tpu.memory_space<hbm>>
          %dma_start3A_140 = arith.constant 96 : i32
          %dma_start3A_141 = tpu.memref_slice %arg6[%mul3A_119, %dma_start3A_140] : memref<500000x112xf32, #tpu.memory_space<hbm>> -> memref<512x16xf32, #tpu.memory_space<hbm>>
          tpu.enqueue_dma source(%arg19 : memref<512x16xf32, #tpu.memory_space<vmem>>) target(%dma_start3A_141 : memref<512x16xf32, #tpu.memory_space<hbm>>) target_semaphore(%arg23 : memref<!tpu.dma_semaphore, #tpu.memory_space<semaphore_mem>>)
        } else {
        }
        %eq3A_125 = arith.constant 976 : i32
        %eq3A_126 = arith.cmpi eq, %add3A_42, %eq3A_125 : i32
        %convert_element_type3A_127 = arith.extui %eq3A_126 : i1 to i32
        %cond3A_128 = arith.constant 0 : i32
        %cond3A_129 = arith.cmpi ne, %convert_element_type3A_127, %cond3A_128 : i32
        scf.if %cond3A_129 {
          %dma_start3A_130 = arith.constant 0 : i32
          %dma_start3A_131 = arith.constant 0 : i32
          %dma_start3A_132 = tpu.memref_slice %arg15[%dma_start3A_130, %dma_start3A_131] : memref<512x80xf32, #tpu.memory_space<vmem>> -> memref<288x80xf32, #tpu.memory_space<vmem>>
          %dma_start3A_133 = arith.constant 0 : i32
          %dma_start3A_134 = tpu.memref_slice %arg6[%mul3A_119, %dma_start3A_133] : memref<500000x112xf32, #tpu.memory_space<hbm>> -> memref<288x80xf32, #tpu.memory_space<hbm>>
          %dma_start3A_135 = arith.constant 0 : i32
          %dma_start3A_136 = tpu.memref_slice %arg6[%mul3A_119, %dma_start3A_135] : memref<500000x112xf32, #tpu.memory_space<hbm>> -> memref<288x80xf32, #tpu.memory_space<hbm>>
          %dma_start3A_137 = arith.constant 0 : i32
          %dma_start3A_138 = arith.constant 0 : i32
          %dma_start3A_139 = tpu.memref_slice %arg15[%dma_start3A_137, %dma_start3A_138] : memref<512x80xf32, #tpu.memory_space<vmem>> -> memref<288x80xf32, #tpu.memory_space<vmem>>
          tpu.enqueue_dma source(%dma_start3A_139 : memref<288x80xf32, #tpu.memory_space<vmem>>) target(%dma_start3A_136 : memref<288x80xf32, #tpu.memory_space<hbm>>) target_semaphore(%arg23 : memref<!tpu.dma_semaphore, #tpu.memory_space<semaphore_mem>>)
          %dma_start3A_140 = arith.constant 0 : i32
          %dma_start3A_141 = arith.constant 0 : i32
          %dma_start3A_142 = tpu.memref_slice %arg17[%dma_start3A_140, %dma_start3A_141] : memref<512x16xf32, #tpu.memory_space<vmem>> -> memref<288x16xf32, #tpu.memory_space<vmem>>
          %dma_start3A_143 = arith.constant 80 : i32
          %dma_start3A_144 = tpu.memref_slice %arg6[%mul3A_119, %dma_start3A_143] : memref<500000x112xf32, #tpu.memory_space<hbm>> -> memref<288x16xf32, #tpu.memory_space<hbm>>
          %dma_start3A_145 = arith.constant 80 : i32
          %dma_start3A_146 = tpu.memref_slice %arg6[%mul3A_119, %dma_start3A_145] : memref<500000x112xf32, #tpu.memory_space<hbm>> -> memref<288x16xf32, #tpu.memory_space<hbm>>
          %dma_start3A_147 = arith.constant 0 : i32
          %dma_start3A_148 = arith.constant 0 : i32
          %dma_start3A_149 = tpu.memref_slice %arg17[%dma_start3A_147, %dma_start3A_148] : memref<512x16xf32, #tpu.memory_space<vmem>> -> memref<288x16xf32, #tpu.memory_space<vmem>>
          tpu.enqueue_dma source(%dma_start3A_149 : memref<288x16xf32, #tpu.memory_space<vmem>>) target(%dma_start3A_146 : memref<288x16xf32, #tpu.memory_space<hbm>>) target_semaphore(%arg23 : memref<!tpu.dma_semaphore, #tpu.memory_space<semaphore_mem>>)
          %dma_start3A_150 = arith.constant 0 : i32
          %dma_start3A_151 = arith.constant 0 : i32
          %dma_start3A_152 = tpu.memref_slice %arg19[%dma_start3A_150, %dma_start3A_151] : memref<512x16xf32, #tpu.memory_space<vmem>> -> memref<288x16xf32, #tpu.memory_space<vmem>>
          %dma_start3A_153 = arith.constant 96 : i32
          %dma_start3A_154 = tpu.memref_slice %arg6[%mul3A_119, %dma_start3A_153] : memref<500000x112xf32, #tpu.memory_space<hbm>> -> memref<288x16xf32, #tpu.memory_space<hbm>>
          %dma_start3A_155 = arith.constant 96 : i32
          %dma_start3A_156 = tpu.memref_slice %arg6[%mul3A_119, %dma_start3A_155] : memref<500000x112xf32, #tpu.memory_space<hbm>> -> memref<288x16xf32, #tpu.memory_space<hbm>>
          %dma_start3A_157 = arith.constant 0 : i32
          %dma_start3A_158 = arith.constant 0 : i32
          %dma_start3A_159 = tpu.memref_slice %arg19[%dma_start3A_157, %dma_start3A_158] : memref<512x16xf32, #tpu.memory_space<vmem>> -> memref<288x16xf32, #tpu.memory_space<vmem>>
          tpu.enqueue_dma source(%dma_start3A_159 : memref<288x16xf32, #tpu.memory_space<vmem>>) target(%dma_start3A_156 : memref<288x16xf32, #tpu.memory_space<hbm>>) target_semaphore(%arg23 : memref<!tpu.dma_semaphore, #tpu.memory_space<semaphore_mem>>)
        } else {
        }
      } else {
      }
      %add3A_68 = arith.constant 1 : i32
      %add3A_69 = arith.addi %add3A_37, %add3A_68 : i32
      %mul3A_70 = arith.constant 32 : i32
      %mul3A_71 = arith.muli %add3A_69, %mul3A_70 : i32
      %add3A_72 = arith.addi %add3A, %mul3A_71 : i32
      %add3A_73 = arith.constant 1 : i32
      %add3A_74 = arith.addi %add3A_69, %add3A_73 : i32
      %mul3A_75 = arith.constant 32 : i32
      %mul3A_76 = arith.muli %add3A_74, %mul3A_75 : i32
      %add3A_77 = arith.addi %add3A, %mul3A_76 : i32
      %sub3A_78 = arith.constant 1 : i32
      %sub3A_79 = arith.subi %add3A_69, %sub3A_78 : i32
      %mul3A_80 = arith.constant 32 : i32
      %mul3A_81 = arith.muli %sub3A_79, %mul3A_80 : i32
      %add3A_82 = arith.addi %add3A, %mul3A_81 : i32
      %ge3A_83 = arith.constant 1 : i32
      %ge3A_84 = arith.cmpi sge, %add3A_69, %ge3A_83 : i32
      %lt3A_85 = arith.constant 977 : i32
      %lt3A_86 = arith.cmpi slt, %add3A_82, %lt3A_85 : i32
      %and3A_87 = arith.andi %ge3A_84, %lt3A_86 : i1
      %convert_element_type3A_88 = arith.extui %and3A_87 : i1 to i32
      %cond3A_89 = arith.constant 0 : i32
      %cond3A_90 = arith.cmpi ne, %convert_element_type3A_88, %cond3A_89 : i32
      scf.if %cond3A_90 {
        %lt3A_101 = arith.constant 976 : i32
        %lt3A_102 = arith.cmpi slt, %add3A_82, %lt3A_101 : i32
        %convert_element_type3A_103 = arith.extui %lt3A_102 : i1 to i32
        %cond3A_104 = arith.constant 0 : i32
        %cond3A_105 = arith.cmpi ne, %convert_element_type3A_103, %cond3A_104 : i32
        scf.if %cond3A_105 {
          %dma_wait3A = arith.constant 0 : i32
          %dma_wait3A_111 = arith.constant 0 : i32
          %dma_wait3A_112 = tpu.memref_slice %arg6[%dma_wait3A, %dma_wait3A_111] : memref<500000x112xf32, #tpu.memory_space<hbm>> -> memref<512x80xf32, #tpu.memory_space<hbm>>
          %dma_wait3A_113 = arith.constant 0 : i32
          %dma_wait3A_114 = arith.constant 0 : i32
          %dma_wait3A_115 = tpu.memref_slice %arg6[%dma_wait3A_113, %dma_wait3A_114] : memref<500000x112xf32, #tpu.memory_space<hbm>> -> memref<512x80xf32, #tpu.memory_space<hbm>>
          tpu.wait_dma2 semaphore(%arg23 : memref<!tpu.dma_semaphore, #tpu.memory_space<semaphore_mem>>) src(%arg15 : memref<512x80xf32, #tpu.memory_space<vmem>>) dst(%dma_wait3A_115 : memref<512x80xf32, #tpu.memory_space<hbm>>)
          %dma_wait3A_116 = arith.constant 0 : i32
          %dma_wait3A_117 = arith.constant 80 : i32
          %dma_wait3A_118 = tpu.memref_slice %arg6[%dma_wait3A_116, %dma_wait3A_117] : memref<500000x112xf32, #tpu.memory_space<hbm>> -> memref<512x16xf32, #tpu.memory_space<hbm>>
          %dma_wait3A_119 = arith.constant 0 : i32
          %dma_wait3A_120 = arith.constant 80 : i32
          %dma_wait3A_121 = tpu.memref_slice %arg6[%dma_wait3A_119, %dma_wait3A_120] : memref<500000x112xf32, #tpu.memory_space<hbm>> -> memref<512x16xf32, #tpu.memory_space<hbm>>
          tpu.wait_dma2 semaphore(%arg23 : memref<!tpu.dma_semaphore, #tpu.memory_space<semaphore_mem>>) src(%arg17 : memref<512x16xf32, #tpu.memory_space<vmem>>) dst(%dma_wait3A_121 : memref<512x16xf32, #tpu.memory_space<hbm>>)
          %dma_wait3A_122 = arith.constant 0 : i32
          %dma_wait3A_123 = arith.constant 96 : i32
          %dma_wait3A_124 = tpu.memref_slice %arg6[%dma_wait3A_122, %dma_wait3A_123] : memref<500000x112xf32, #tpu.memory_space<hbm>> -> memref<512x16xf32, #tpu.memory_space<hbm>>
          %dma_wait3A_125 = arith.constant 0 : i32
          %dma_wait3A_126 = arith.constant 96 : i32
          %dma_wait3A_127 = tpu.memref_slice %arg6[%dma_wait3A_125, %dma_wait3A_126] : memref<500000x112xf32, #tpu.memory_space<hbm>> -> memref<512x16xf32, #tpu.memory_space<hbm>>
          tpu.wait_dma2 semaphore(%arg23 : memref<!tpu.dma_semaphore, #tpu.memory_space<semaphore_mem>>) src(%arg19 : memref<512x16xf32, #tpu.memory_space<vmem>>) dst(%dma_wait3A_127 : memref<512x16xf32, #tpu.memory_space<hbm>>)
        } else {
        }
        %eq3A_106 = arith.constant 976 : i32
        %eq3A_107 = arith.cmpi eq, %add3A_82, %eq3A_106 : i32
        %convert_element_type3A_108 = arith.extui %eq3A_107 : i1 to i32
        %cond3A_109 = arith.constant 0 : i32
        %cond3A_110 = arith.cmpi ne, %convert_element_type3A_108, %cond3A_109 : i32
        scf.if %cond3A_110 {
          %dma_wait3A = arith.constant 0 : i32
          %dma_wait3A_111 = arith.constant 0 : i32
          %dma_wait3A_112 = tpu.memref_slice %arg15[%dma_wait3A, %dma_wait3A_111] : memref<512x80xf32, #tpu.memory_space<vmem>> -> memref<288x80xf32, #tpu.memory_space<vmem>>
          %dma_wait3A_113 = arith.constant 0 : i32
          %dma_wait3A_114 = arith.constant 0 : i32
          %dma_wait3A_115 = tpu.memref_slice %arg6[%dma_wait3A_113, %dma_wait3A_114] : memref<500000x112xf32, #tpu.memory_space<hbm>> -> memref<288x80xf32, #tpu.memory_space<hbm>>
          %dma_wait3A_116 = arith.constant 0 : i32
          %dma_wait3A_117 = arith.constant 0 : i32
          %dma_wait3A_118 = tpu.memref_slice %arg6[%dma_wait3A_116, %dma_wait3A_117] : memref<500000x112xf32, #tpu.memory_space<hbm>> -> memref<288x80xf32, #tpu.memory_space<hbm>>
          %dma_wait3A_119 = arith.constant 0 : i32
          %dma_wait3A_120 = arith.constant 0 : i32
          %dma_wait3A_121 = tpu.memref_slice %arg15[%dma_wait3A_119, %dma_wait3A_120] : memref<512x80xf32, #tpu.memory_space<vmem>> -> memref<288x80xf32, #tpu.memory_space<vmem>>
          tpu.wait_dma2 semaphore(%arg23 : memref<!tpu.dma_semaphore, #tpu.memory_space<semaphore_mem>>) src(%dma_wait3A_121 : memref<288x80xf32, #tpu.memory_space<vmem>>) dst(%dma_wait3A_118 : memref<288x80xf32, #tpu.memory_space<hbm>>)
          %dma_wait3A_122 = arith.constant 0 : i32
          %dma_wait3A_123 = arith.constant 0 : i32
          %dma_wait3A_124 = tpu.memref_slice %arg17[%dma_wait3A_122, %dma_wait3A_123] : memref<512x16xf32, #tpu.memory_space<vmem>> -> memref<288x16xf32, #tpu.memory_space<vmem>>
          %dma_wait3A_125 = arith.constant 0 : i32
          %dma_wait3A_126 = arith.constant 80 : i32
          %dma_wait3A_127 = tpu.memref_slice %arg6[%dma_wait3A_125, %dma_wait3A_126] : memref<500000x112xf32, #tpu.memory_space<hbm>> -> memref<288x16xf32, #tpu.memory_space<hbm>>
          %dma_wait3A_128 = arith.constant 0 : i32
          %dma_wait3A_129 = arith.constant 80 : i32
          %dma_wait3A_130 = tpu.memref_slice %arg6[%dma_wait3A_128, %dma_wait3A_129] : memref<500000x112xf32, #tpu.memory_space<hbm>> -> memref<288x16xf32, #tpu.memory_space<hbm>>
          %dma_wait3A_131 = arith.constant 0 : i32
          %dma_wait3A_132 = arith.constant 0 : i32
          %dma_wait3A_133 = tpu.memref_slice %arg17[%dma_wait3A_131, %dma_wait3A_132] : memref<512x16xf32, #tpu.memory_space<vmem>> -> memref<288x16xf32, #tpu.memory_space<vmem>>
          tpu.wait_dma2 semaphore(%arg23 : memref<!tpu.dma_semaphore, #tpu.memory_space<semaphore_mem>>) src(%dma_wait3A_133 : memref<288x16xf32, #tpu.memory_space<vmem>>) dst(%dma_wait3A_130 : memref<288x16xf32, #tpu.memory_space<hbm>>)
          %dma_wait3A_134 = arith.constant 0 : i32
          %dma_wait3A_135 = arith.constant 0 : i32
          %dma_wait3A_136 = tpu.memref_slice %arg19[%dma_wait3A_134, %dma_wait3A_135] : memref<512x16xf32, #tpu.memory_space<vmem>> -> memref<288x16xf32, #tpu.memory_space<vmem>>
          %dma_wait3A_137 = arith.constant 0 : i32
          %dma_wait3A_138 = arith.constant 96 : i32
          %dma_wait3A_139 = tpu.memref_slice %arg6[%dma_wait3A_137, %dma_wait3A_138] : memref<500000x112xf32, #tpu.memory_space<hbm>> -> memref<288x16xf32, #tpu.memory_space<hbm>>
          %dma_wait3A_140 = arith.constant 0 : i32
          %dma_wait3A_141 = arith.constant 96 : i32
          %dma_wait3A_142 = tpu.memref_slice %arg6[%dma_wait3A_140, %dma_wait3A_141] : memref<500000x112xf32, #tpu.memory_space<hbm>> -> memref<288x16xf32, #tpu.memory_space<hbm>>
          %dma_wait3A_143 = arith.constant 0 : i32
          %dma_wait3A_144 = arith.constant 0 : i32
          %dma_wait3A_145 = tpu.memref_slice %arg19[%dma_wait3A_143, %dma_wait3A_144] : memref<512x16xf32, #tpu.memory_space<vmem>> -> memref<288x16xf32, #tpu.memory_space<vmem>>
          tpu.wait_dma2 semaphore(%arg23 : memref<!tpu.dma_semaphore, #tpu.memory_space<semaphore_mem>>) src(%dma_wait3A_145 : memref<288x16xf32, #tpu.memory_space<vmem>>) dst(%dma_wait3A_142 : memref<288x16xf32, #tpu.memory_space<hbm>>)
        } else {
        }
      } else {
      }
      %lt3A_91 = arith.constant 977 : i32
      %lt3A_92 = arith.cmpi slt, %add3A_77, %lt3A_91 : i32
      %convert_element_type3A_93 = arith.extui %lt3A_92 : i1 to i32
      %cond3A_94 = arith.constant 0 : i32
      %cond3A_95 = arith.cmpi ne, %convert_element_type3A_93, %cond3A_94 : i32
      scf.if %cond3A_95 {
        %mul3A_101 = arith.constant 1536 : i32
        %mul3A_102 = arith.muli %add3A_77, %mul3A_101 : i32
        %lt3A_103 = arith.constant 976 : i32
        %lt3A_104 = arith.cmpi slt, %add3A_77, %lt3A_103 : i32
        %convert_element_type3A_105 = arith.extui %lt3A_104 : i1 to i32
        %cond3A_106 = arith.constant 0 : i32
        %cond3A_107 = arith.cmpi ne, %convert_element_type3A_105, %cond3A_106 : i32
        scf.if %cond3A_107 {
          "tpu.region"() ({
            %run_scoped3A = tpu.sem_alloc : memref<!tpu.dma_semaphore, #tpu.memory_space<semaphore_mem>>
            %dma_start3A_127 = tpu.memref_slice %arg2[%mul3A_102] : memref<1500000xf32, #tpu.memory_space<hbm>> -> memref<1536xf32, #tpu.memory_space<hbm>>
            %dma_start3A_128 = tpu.memref_slice %arg2[%mul3A_102] : memref<1500000xf32, #tpu.memory_space<hbm>> -> memref<1536xf32, #tpu.memory_space<hbm>>
            tpu.enqueue_dma source(%dma_start3A_128 : memref<1536xf32, #tpu.memory_space<hbm>>) target(%arg7 : memref<1536xf32, #tpu.memory_space<vmem>>) target_semaphore(%run_scoped3A : memref<!tpu.dma_semaphore, #tpu.memory_space<semaphore_mem>>)
            %dma_wait3A = tpu.memref_slice %arg2[%mul3A_102] : memref<1500000xf32, #tpu.memory_space<hbm>> -> memref<1536xf32, #tpu.memory_space<hbm>>
            %dma_wait3A_129 = tpu.memref_slice %arg2[%mul3A_102] : memref<1500000xf32, #tpu.memory_space<hbm>> -> memref<1536xf32, #tpu.memory_space<hbm>>
            tpu.wait_dma2 semaphore(%run_scoped3A : memref<!tpu.dma_semaphore, #tpu.memory_space<semaphore_mem>>) src(%dma_wait3A_129 : memref<1536xf32, #tpu.memory_space<hbm>>) dst(%arg7 : memref<1536xf32, #tpu.memory_space<vmem>>)
            tpu.yield
          }) : () -> ()
        } else {
        }
        %eq3A_108 = arith.constant 976 : i32
        %eq3A_109 = arith.cmpi eq, %add3A_77, %eq3A_108 : i32
        %convert_element_type3A_110 = arith.extui %eq3A_109 : i1 to i32
        %cond3A_111 = arith.constant 0 : i32
        %cond3A_112 = arith.cmpi ne, %convert_element_type3A_110, %cond3A_111 : i32
        scf.if %cond3A_112 {
          "tpu.region"() ({
            %run_scoped3A = tpu.sem_alloc : memref<!tpu.dma_semaphore, #tpu.memory_space<semaphore_mem>>
            %dma_start3A_127 = arith.constant 0 : i32
            %dma_start3A_128 = tpu.memref_slice %arg7[%dma_start3A_127] : memref<1536xf32, #tpu.memory_space<vmem>> -> memref<864xf32, #tpu.memory_space<vmem>>
            %dma_start3A_129 = tpu.memref_slice %arg2[%mul3A_102] : memref<1500000xf32, #tpu.memory_space<hbm>> -> memref<864xf32, #tpu.memory_space<hbm>>
            %dma_start3A_130 = arith.constant 0 : i32
            %dma_start3A_131 = tpu.memref_slice %arg7[%dma_start3A_130] : memref<1536xf32, #tpu.memory_space<vmem>> -> memref<864xf32, #tpu.memory_space<vmem>>
            %dma_start3A_132 = tpu.memref_slice %arg2[%mul3A_102] : memref<1500000xf32, #tpu.memory_space<hbm>> -> memref<864xf32, #tpu.memory_space<hbm>>
            tpu.enqueue_dma source(%dma_start3A_132 : memref<864xf32, #tpu.memory_space<hbm>>) target(%dma_start3A_131 : memref<864xf32, #tpu.memory_space<vmem>>) target_semaphore(%run_scoped3A : memref<!tpu.dma_semaphore, #tpu.memory_space<semaphore_mem>>)
            %dma_wait3A = arith.constant 0 : i32
            %dma_wait3A_133 = tpu.memref_slice %arg7[%dma_wait3A] : memref<1536xf32, #tpu.memory_space<vmem>> -> memref<864xf32, #tpu.memory_space<vmem>>
            %dma_wait3A_134 = tpu.memref_slice %arg2[%mul3A_102] : memref<1500000xf32, #tpu.memory_space<hbm>> -> memref<864xf32, #tpu.memory_space<hbm>>
            %dma_wait3A_135 = arith.constant 0 : i32
            %dma_wait3A_136 = tpu.memref_slice %arg7[%dma_wait3A_135] : memref<1536xf32, #tpu.memory_space<vmem>> -> memref<864xf32, #tpu.memory_space<vmem>>
            %dma_wait3A_137 = tpu.memref_slice %arg2[%mul3A_102] : memref<1500000xf32, #tpu.memory_space<hbm>> -> memref<864xf32, #tpu.memory_space<hbm>>
            tpu.wait_dma2 semaphore(%run_scoped3A : memref<!tpu.dma_semaphore, #tpu.memory_space<semaphore_mem>>) src(%dma_wait3A_137 : memref<864xf32, #tpu.memory_space<hbm>>) dst(%dma_wait3A_136 : memref<864xf32, #tpu.memory_space<vmem>>)
            tpu.yield
          }) : () -> ()
        } else {
        }
        %scan3A_113 = arith.constant 0 : i32
        %scan3A_114 = arith.constant 32 : i32
        %scan3A_115 = arith.addi %scan3A_113, %scan3A_114 : i32
        %scan3A_116 = arith.constant 1 : i32
        scf.for %scan3A_127 = %scan3A_113 to %scan3A_115 step %scan3A_116  : i32 {
          %mul3A_128 = arith.constant 1 : i32
          %mul3A_129 = arith.muli %scan3A_127, %mul3A_128 : i32
          %add3A_130 = arith.constant 0 : i32
          %add3A_131 = arith.addi %add3A_130, %mul3A_129 : i32
          %mul3A_132 = arith.constant 16 : i32
          %mul3A_133 = arith.muli %add3A_131, %mul3A_132 : i32
          %mul3A_134 = arith.constant 16 : i32
          %mul3A_135 = arith.muli %add3A_131, %mul3A_134 : i32
          %iota3A = tpu.iota {dimensions = array<i32: 0>} : vector<16xi32>
          %add3A_136 = vector.broadcast %mul3A_135 : i32 to vector<16xi32>
          %add3A_137 = arith.addi %add3A_136, %iota3A : vector<16xi32>
          %mul3A_138 = arith.constant 3 : i32
          %mul3A_139 = vector.broadcast %mul3A_138 : i32 to vector<16xi32>
          %mul3A_140 = arith.muli %add3A_137, %mul3A_139 : vector<16xi32>
          %add3A_141 = arith.constant 0 : i32
          %add3A_142 = vector.broadcast %add3A_141 : i32 to vector<16xi32>
          %add3A_143 = arith.addi %mul3A_140, %add3A_142 : vector<16xi32>
          %gather3A = tpu.vector_load_idx %arg7[%add3A_143] : memref<1536xf32, #tpu.memory_space<vmem>>[vector<16xi32>], vector<16xf32>,
          %mul3A_144 = arith.constant 5.000000e-01 : f32
          %mul3A_145 = vector.broadcast %mul3A_144 : f32 to vector<16xf32>
          %mul3A_146 = arith.mulf %gather3A, %mul3A_145 : vector<16xf32>
          %add3A_147 = arith.constant 5.000000e-01 : f32
          %add3A_148 = vector.broadcast %add3A_147 : f32 to vector<16xf32>
          %add3A_149 = arith.addf %mul3A_146, %add3A_148 : vector<16xf32>
          %max3A = arith.constant 0.000000e+00 : f32
          %max3A_150 = vector.broadcast %max3A : f32 to vector<16xf32>
          %max3A_151 = arith.maximumf %add3A_149, %max3A_150 : vector<16xf32>
          %min3A = arith.constant 0.999998986 : f32
          %min3A_152 = vector.broadcast %min3A : f32 to vector<16xf32>
          %min3A_153 = arith.minimumf %max3A_151, %min3A_152 : vector<16xf32>
          %mul3A_154 = arith.constant 3 : i32
          %mul3A_155 = vector.broadcast %mul3A_154 : i32 to vector<16xi32>
          %mul3A_156 = arith.muli %add3A_137, %mul3A_155 : vector<16xi32>
          %add3A_157 = arith.constant 1 : i32
          %add3A_158 = vector.broadcast %add3A_157 : i32 to vector<16xi32>
          %add3A_159 = arith.addi %mul3A_156, %add3A_158 : vector<16xi32>
          %gather3A_160 = tpu.vector_load_idx %arg7[%add3A_159] : memref<1536xf32, #tpu.memory_space<vmem>>[vector<16xi32>], vector<16xf32>,
          %mul3A_161 = arith.constant 5.000000e-01 : f32
          %mul3A_162 = vector.broadcast %mul3A_161 : f32 to vector<16xf32>
          %mul3A_163 = arith.mulf %gather3A_160, %mul3A_162 : vector<16xf32>
          %add3A_164 = arith.constant 5.000000e-01 : f32
          %add3A_165 = vector.broadcast %add3A_164 : f32 to vector<16xf32>
          %add3A_166 = arith.addf %mul3A_163, %add3A_165 : vector<16xf32>
          %max3A_167 = arith.constant 0.000000e+00 : f32
          %max3A_168 = vector.broadcast %max3A_167 : f32 to vector<16xf32>
          %max3A_169 = arith.maximumf %add3A_166, %max3A_168 : vector<16xf32>
          %min3A_170 = arith.constant 0.999998986 : f32
          %min3A_171 = vector.broadcast %min3A_170 : f32 to vector<16xf32>
          %min3A_172 = arith.minimumf %max3A_169, %min3A_171 : vector<16xf32>
          %mul3A_173 = arith.constant 3 : i32
          %mul3A_174 = vector.broadcast %mul3A_173 : i32 to vector<16xi32>
          %mul3A_175 = arith.muli %add3A_137, %mul3A_174 : vector<16xi32>
          %add3A_176 = arith.constant 2 : i32
          %add3A_177 = vector.broadcast %add3A_176 : i32 to vector<16xi32>
          %add3A_178 = arith.addi %mul3A_175, %add3A_177 : vector<16xi32>
          %gather3A_179 = tpu.vector_load_idx %arg7[%add3A_178] : memref<1536xf32, #tpu.memory_space<vmem>>[vector<16xi32>], vector<16xf32>,
          %mul3A_180 = arith.constant 5.000000e-01 : f32
          %mul3A_181 = vector.broadcast %mul3A_180 : f32 to vector<16xf32>
          %mul3A_182 = arith.mulf %gather3A_179, %mul3A_181 : vector<16xf32>
          %add3A_183 = arith.constant 5.000000e-01 : f32
          %add3A_184 = vector.broadcast %add3A_183 : f32 to vector<16xf32>
          %add3A_185 = arith.addf %mul3A_182, %add3A_184 : vector<16xf32>
          %max3A_186 = arith.constant 0.000000e+00 : f32
          %max3A_187 = vector.broadcast %max3A_186 : f32 to vector<16xf32>
          %max3A_188 = arith.maximumf %add3A_185, %max3A_187 : vector<16xf32>
          %min3A_189 = arith.constant 0.999998986 : f32
          %min3A_190 = vector.broadcast %min3A_189 : f32 to vector<16xf32>
          %min3A_191 = arith.minimumf %max3A_188, %min3A_190 : vector<16xf32>
          %mul3A_192 = arith.constant 3.200000e+01 : f32
          %mul3A_193 = vector.broadcast %mul3A_192 : f32 to vector<16xf32>
          %mul3A_194 = arith.mulf %min3A_153, %mul3A_193 : vector<16xf32>
          %mul3A_195 = arith.constant 3.200000e+01 : f32
          %mul3A_196 = vector.broadcast %mul3A_195 : f32 to vector<16xf32>
          %mul3A_197 = arith.mulf %min3A_172, %mul3A_196 : vector<16xf32>
          %mul3A_198 = arith.constant 3.200000e+01 : f32
          %mul3A_199 = vector.broadcast %mul3A_198 : f32 to vector<16xf32>
          %mul3A_200 = arith.mulf %min3A_191, %mul3A_199 : vector<16xf32>
          %convert_element_type3A_201 = arith.fptosi %mul3A_194 : vector<16xf32> to vector<16xi32>
          %convert_element_type3A_202 = arith.fptosi %mul3A_197 : vector<16xf32> to vector<16xi32>
          %convert_element_type3A_203 = arith.fptosi %mul3A_200 : vector<16xf32> to vector<16xi32>
          %mul3A_204 = arith.constant 32 : i32
          %mul3A_205 = vector.broadcast %mul3A_204 : i32 to vector<16xi32>
          %mul3A_206 = arith.muli %convert_element_type3A_202, %mul3A_205 : vector<16xi32>
          %add3A_207 = arith.addi %convert_element_type3A_201, %mul3A_206 : vector<16xi32>
          %mul3A_208 = arith.constant 1024 : i32
          %mul3A_209 = vector.broadcast %mul3A_208 : i32 to vector<16xi32>
          %mul3A_210 = arith.muli %convert_element_type3A_203, %mul3A_209 : vector<16xi32>
          %add3A_211 = arith.addi %add3A_207, %mul3A_210 : vector<16xi32>
          %swap3A = arith.index_cast %mul3A_133 : i32 to index
          %swap3A_212 = tpu.vector_load %arg9[%swap3A] {strides = array<i32>} : memref<512xi32, #tpu.memory_space<vmem>>, vector<16xi32>,
          tpu.vector_store %arg9[%swap3A], %add3A_211 {strides = array<i32>} : memref<512xi32, #tpu.memory_space<vmem>>, vector<16xi32>,
          %mul3A_213 = arith.constant 2.000000e+00 : f32
          %mul3A_214 = vector.broadcast %mul3A_213 : f32 to vector<16xf32>
          %mul3A_215 = arith.mulf %mul3A_194, %mul3A_214 : vector<16xf32>
          %mul3A_216 = arith.constant 2.000000e+00 : f32
          %mul3A_217 = vector.broadcast %mul3A_216 : f32 to vector<16xf32>
          %mul3A_218 = arith.mulf %mul3A_197, %mul3A_217 : vector<16xf32>
          %mul3A_219 = arith.constant 2.000000e+00 : f32
          %mul3A_220 = vector.broadcast %mul3A_219 : f32 to vector<16xf32>
          %mul3A_221 = arith.mulf %mul3A_200, %mul3A_220 : vector<16xf32>
          %convert_element_type3A_222 = arith.fptosi %mul3A_215 : vector<16xf32> to vector<16xi32>
          %convert_element_type3A_223 = arith.fptosi %mul3A_218 : vector<16xf32> to vector<16xi32>
          %convert_element_type3A_224 = arith.fptosi %mul3A_221 : vector<16xf32> to vector<16xi32>
          %mul3A_225 = arith.constant 64 : i32
          %mul3A_226 = vector.broadcast %mul3A_225 : i32 to vector<16xi32>
          %mul3A_227 = arith.muli %convert_element_type3A_223, %mul3A_226 : vector<16xi32>
          %add3A_228 = arith.addi %convert_element_type3A_222, %mul3A_227 : vector<16xi32>
          %mul3A_229 = arith.constant 4096 : i32
          %mul3A_230 = vector.broadcast %mul3A_229 : i32 to vector<16xi32>
          %mul3A_231 = arith.muli %convert_element_type3A_224, %mul3A_230 : vector<16xi32>
          %add3A_232 = arith.addi %add3A_228, %mul3A_231 : vector<16xi32>
          %swap3A_233 = arith.index_cast %mul3A_133 : i32 to index
          %swap3A_234 = tpu.vector_load %arg10[%swap3A_233] {strides = array<i32>} : memref<512xi32, #tpu.memory_space<vmem>>, vector<16xi32>,
          tpu.vector_store %arg10[%swap3A_233], %add3A_232 {strides = array<i32>} : memref<512xi32, #tpu.memory_space<vmem>>, vector<16xi32>,
          %mul3A_235 = arith.constant 2.000000e+00 : f32
          %mul3A_236 = vector.broadcast %mul3A_235 : f32 to vector<16xf32>
          %mul3A_237 = arith.mulf %mul3A_215, %mul3A_236 : vector<16xf32>
          %mul3A_238 = arith.constant 2.000000e+00 : f32
          %mul3A_239 = vector.broadcast %mul3A_238 : f32 to vector<16xf32>
          %mul3A_240 = arith.mulf %mul3A_218, %mul3A_239 : vector<16xf32>
          %mul3A_241 = arith.constant 2.000000e+00 : f32
          %mul3A_242 = vector.broadcast %mul3A_241 : f32 to vector<16xf32>
          %mul3A_243 = arith.mulf %mul3A_221, %mul3A_242 : vector<16xf32>
          %convert_element_type3A_244 = arith.fptosi %mul3A_237 : vector<16xf32> to vector<16xi32>
          %convert_element_type3A_245 = arith.fptosi %mul3A_240 : vector<16xf32> to vector<16xi32>
          %convert_element_type3A_246 = arith.fptosi %mul3A_243 : vector<16xf32> to vector<16xi32>
          %mul3A_247 = arith.constant 128 : i32
          %mul3A_248 = vector.broadcast %mul3A_247 : i32 to vector<16xi32>
          %mul3A_249 = arith.muli %convert_element_type3A_245, %mul3A_248 : vector<16xi32>
          %add3A_250 = arith.addi %convert_element_type3A_244, %mul3A_249 : vector<16xi32>
          %mul3A_251 = arith.constant 16384 : i32
          %mul3A_252 = vector.broadcast %mul3A_251 : i32 to vector<16xi32>
          %mul3A_253 = arith.muli %convert_element_type3A_246, %mul3A_252 : vector<16xi32>
          %add3A_254 = arith.addi %add3A_250, %mul3A_253 : vector<16xi32>
          %swap3A_255 = arith.index_cast %mul3A_133 : i32 to index
          %swap3A_256 = tpu.vector_load %arg11[%swap3A_255] {strides = array<i32>} : memref<512xi32, #tpu.memory_space<vmem>>, vector<16xi32>,
          tpu.vector_store %arg11[%swap3A_255], %add3A_254 {strides = array<i32>} : memref<512xi32, #tpu.memory_space<vmem>>, vector<16xi32>,
        }
        %scan3A_117 = arith.constant 32 : i32
        %dma_start3A_118 = arith.constant 0 : i32
        %dma_start3A_119 = arith.constant 0 : i32
        %dma_start3A_120 = tpu.memref_slice %arg3[%dma_start3A_118, %dma_start3A_119] : memref<32768x80xf32, #tpu.memory_space<hbm>> -> memref<32768x80xf32, #tpu.memory_space<hbm>>
        tpu.enqueue_indirect_dma source(%dma_start3A_120 : memref<32768x80xf32, #tpu.memory_space<hbm>>) target(%arg15 : memref<512x80xf32, #tpu.memory_space<vmem>>) offsets(%arg9 : memref<512xi32, #tpu.memory_space<vmem>>) semaphore(%arg21 : memref<!tpu.dma_semaphore, #tpu.memory_space<semaphore_mem>>)
        %dma_start3A_121 = arith.constant 0 : i32
        %dma_start3A_122 = arith.constant 0 : i32
        %dma_start3A_123 = tpu.memref_slice %arg4[%dma_start3A_121, %dma_start3A_122] : memref<262144x16xf32, #tpu.memory_space<hbm>> -> memref<262144x16xf32, #tpu.memory_space<hbm>>
        tpu.enqueue_indirect_dma source(%dma_start3A_123 : memref<262144x16xf32, #tpu.memory_space<hbm>>) target(%arg17 : memref<512x16xf32, #tpu.memory_space<vmem>>) offsets(%arg10 : memref<512xi32, #tpu.memory_space<vmem>>) semaphore(%arg21 : memref<!tpu.dma_semaphore, #tpu.memory_space<semaphore_mem>>)
        %dma_start3A_124 = arith.constant 0 : i32
        %dma_start3A_125 = arith.constant 0 : i32
        %dma_start3A_126 = tpu.memref_slice %arg5[%dma_start3A_124, %dma_start3A_125] : memref<2097152x16xf32, #tpu.memory_space<hbm>> -> memref<2097152x16xf32, #tpu.memory_space<hbm>>
        tpu.enqueue_indirect_dma source(%dma_start3A_126 : memref<2097152x16xf32, #tpu.memory_space<hbm>>) target(%arg19 : memref<512x16xf32, #tpu.memory_space<vmem>>) offsets(%arg11 : memref<512xi32, #tpu.memory_space<vmem>>) semaphore(%arg21 : memref<!tpu.dma_semaphore, #tpu.memory_space<semaphore_mem>>)
      } else {
      }
      %lt3A_96 = arith.constant 977 : i32
      %lt3A_97 = arith.cmpi slt, %add3A_72, %lt3A_96 : i32
      %convert_element_type3A_98 = arith.extui %lt3A_97 : i1 to i32
      %cond3A_99 = arith.constant 0 : i32
      %cond3A_100 = arith.cmpi ne, %convert_element_type3A_98, %cond3A_99 : i32
      scf.if %cond3A_100 {
        %dma_wait3A = arith.constant 0 : i32
        %dma_wait3A_101 = arith.constant 0 : i32
        %dma_wait3A_102 = tpu.memref_slice %arg3[%dma_wait3A, %dma_wait3A_101] : memref<32768x80xf32, #tpu.memory_space<hbm>> -> memref<512x80xf32, #tpu.memory_space<hbm>>
        %dma_wait3A_103 = arith.constant 0 : i32
        %dma_wait3A_104 = arith.constant 0 : i32
        %dma_wait3A_105 = tpu.memref_slice %arg3[%dma_wait3A_103, %dma_wait3A_104] : memref<32768x80xf32, #tpu.memory_space<hbm>> -> memref<512x80xf32, #tpu.memory_space<hbm>>
        tpu.wait_dma2 semaphore(%arg22 : memref<!tpu.dma_semaphore, #tpu.memory_space<semaphore_mem>>) src(%dma_wait3A_105 : memref<512x80xf32, #tpu.memory_space<hbm>>) dst(%arg16 : memref<512x80xf32, #tpu.memory_space<vmem>>)
        %dma_wait3A_106 = arith.constant 0 : i32
        %dma_wait3A_107 = arith.constant 0 : i32
        %dma_wait3A_108 = tpu.memref_slice %arg4[%dma_wait3A_106, %dma_wait3A_107] : memref<262144x16xf32, #tpu.memory_space<hbm>> -> memref<512x16xf32, #tpu.memory_space<hbm>>
        %dma_wait3A_109 = arith.constant 0 : i32
        %dma_wait3A_110 = arith.constant 0 : i32
        %dma_wait3A_111 = tpu.memref_slice %arg4[%dma_wait3A_109, %dma_wait3A_110] : memref<262144x16xf32, #tpu.memory_space<hbm>> -> memref<512x16xf32, #tpu.memory_space<hbm>>
        tpu.wait_dma2 semaphore(%arg22 : memref<!tpu.dma_semaphore, #tpu.memory_space<semaphore_mem>>) src(%dma_wait3A_111 : memref<512x16xf32, #tpu.memory_space<hbm>>) dst(%arg18 : memref<512x16xf32, #tpu.memory_space<vmem>>)
        %dma_wait3A_112 = arith.constant 0 : i32
        %dma_wait3A_113 = arith.constant 0 : i32
        %dma_wait3A_114 = tpu.memref_slice %arg5[%dma_wait3A_112, %dma_wait3A_113] : memref<2097152x16xf32, #tpu.memory_space<hbm>> -> memref<512x16xf32, #tpu.memory_space<hbm>>
        %dma_wait3A_115 = arith.constant 0 : i32
        %dma_wait3A_116 = arith.constant 0 : i32
        %dma_wait3A_117 = tpu.memref_slice %arg5[%dma_wait3A_115, %dma_wait3A_116] : memref<2097152x16xf32, #tpu.memory_space<hbm>> -> memref<512x16xf32, #tpu.memory_space<hbm>>
        tpu.wait_dma2 semaphore(%arg22 : memref<!tpu.dma_semaphore, #tpu.memory_space<semaphore_mem>>) src(%dma_wait3A_117 : memref<512x16xf32, #tpu.memory_space<hbm>>) dst(%arg20 : memref<512x16xf32, #tpu.memory_space<vmem>>)
        %mul3A_118 = arith.constant 512 : i32
        %mul3A_119 = arith.muli %add3A_72, %mul3A_118 : i32
        %lt3A_120 = arith.constant 976 : i32
        %lt3A_121 = arith.cmpi slt, %add3A_72, %lt3A_120 : i32
        %convert_element_type3A_122 = arith.extui %lt3A_121 : i1 to i32
        %cond3A_123 = arith.constant 0 : i32
        %cond3A_124 = arith.cmpi ne, %convert_element_type3A_122, %cond3A_123 : i32
        scf.if %cond3A_124 {
          %dma_start3A_130 = arith.constant 0 : i32
          %dma_start3A_131 = tpu.memref_slice %arg6[%mul3A_119, %dma_start3A_130] : memref<500000x112xf32, #tpu.memory_space<hbm>> -> memref<512x80xf32, #tpu.memory_space<hbm>>
          %dma_start3A_132 = arith.constant 0 : i32
          %dma_start3A_133 = tpu.memref_slice %arg6[%mul3A_119, %dma_start3A_132] : memref<500000x112xf32, #tpu.memory_space<hbm>> -> memref<512x80xf32, #tpu.memory_space<hbm>>
          tpu.enqueue_dma source(%arg16 : memref<512x80xf32, #tpu.memory_space<vmem>>) target(%dma_start3A_133 : memref<512x80xf32, #tpu.memory_space<hbm>>) target_semaphore(%arg24 : memref<!tpu.dma_semaphore, #tpu.memory_space<semaphore_mem>>)
          %dma_start3A_134 = arith.constant 80 : i32
          %dma_start3A_135 = tpu.memref_slice %arg6[%mul3A_119, %dma_start3A_134] : memref<500000x112xf32, #tpu.memory_space<hbm>> -> memref<512x16xf32, #tpu.memory_space<hbm>>
          %dma_start3A_136 = arith.constant 80 : i32
          %dma_start3A_137 = tpu.memref_slice %arg6[%mul3A_119, %dma_start3A_136] : memref<500000x112xf32, #tpu.memory_space<hbm>> -> memref<512x16xf32, #tpu.memory_space<hbm>>
          tpu.enqueue_dma source(%arg18 : memref<512x16xf32, #tpu.memory_space<vmem>>) target(%dma_start3A_137 : memref<512x16xf32, #tpu.memory_space<hbm>>) target_semaphore(%arg24 : memref<!tpu.dma_semaphore, #tpu.memory_space<semaphore_mem>>)
          %dma_start3A_138 = arith.constant 96 : i32
          %dma_start3A_139 = tpu.memref_slice %arg6[%mul3A_119, %dma_start3A_138] : memref<500000x112xf32, #tpu.memory_space<hbm>> -> memref<512x16xf32, #tpu.memory_space<hbm>>
          %dma_start3A_140 = arith.constant 96 : i32
          %dma_start3A_141 = tpu.memref_slice %arg6[%mul3A_119, %dma_start3A_140] : memref<500000x112xf32, #tpu.memory_space<hbm>> -> memref<512x16xf32, #tpu.memory_space<hbm>>
          tpu.enqueue_dma source(%arg20 : memref<512x16xf32, #tpu.memory_space<vmem>>) target(%dma_start3A_141 : memref<512x16xf32, #tpu.memory_space<hbm>>) target_semaphore(%arg24 : memref<!tpu.dma_semaphore, #tpu.memory_space<semaphore_mem>>)
        } else {
        }
        %eq3A_125 = arith.constant 976 : i32
        %eq3A_126 = arith.cmpi eq, %add3A_72, %eq3A_125 : i32
        %convert_element_type3A_127 = arith.extui %eq3A_126 : i1 to i32
        %cond3A_128 = arith.constant 0 : i32
        %cond3A_129 = arith.cmpi ne, %convert_element_type3A_127, %cond3A_128 : i32
        scf.if %cond3A_129 {
          %dma_start3A_130 = arith.constant 0 : i32
          %dma_start3A_131 = arith.constant 0 : i32
          %dma_start3A_132 = tpu.memref_slice %arg16[%dma_start3A_130, %dma_start3A_131] : memref<512x80xf32, #tpu.memory_space<vmem>> -> memref<288x80xf32, #tpu.memory_space<vmem>>
          %dma_start3A_133 = arith.constant 0 : i32
          %dma_start3A_134 = tpu.memref_slice %arg6[%mul3A_119, %dma_start3A_133] : memref<500000x112xf32, #tpu.memory_space<hbm>> -> memref<288x80xf32, #tpu.memory_space<hbm>>
          %dma_start3A_135 = arith.constant 0 : i32
          %dma_start3A_136 = tpu.memref_slice %arg6[%mul3A_119, %dma_start3A_135] : memref<500000x112xf32, #tpu.memory_space<hbm>> -> memref<288x80xf32, #tpu.memory_space<hbm>>
          %dma_start3A_137 = arith.constant 0 : i32
          %dma_start3A_138 = arith.constant 0 : i32
          %dma_start3A_139 = tpu.memref_slice %arg16[%dma_start3A_137, %dma_start3A_138] : memref<512x80xf32, #tpu.memory_space<vmem>> -> memref<288x80xf32, #tpu.memory_space<vmem>>
          tpu.enqueue_dma source(%dma_start3A_139 : memref<288x80xf32, #tpu.memory_space<vmem>>) target(%dma_start3A_136 : memref<288x80xf32, #tpu.memory_space<hbm>>) target_semaphore(%arg24 : memref<!tpu.dma_semaphore, #tpu.memory_space<semaphore_mem>>)
          %dma_start3A_140 = arith.constant 0 : i32
          %dma_start3A_141 = arith.constant 0 : i32
          %dma_start3A_142 = tpu.memref_slice %arg18[%dma_start3A_140, %dma_start3A_141] : memref<512x16xf32, #tpu.memory_space<vmem>> -> memref<288x16xf32, #tpu.memory_space<vmem>>
          %dma_start3A_143 = arith.constant 80 : i32
          %dma_start3A_144 = tpu.memref_slice %arg6[%mul3A_119, %dma_start3A_143] : memref<500000x112xf32, #tpu.memory_space<hbm>> -> memref<288x16xf32, #tpu.memory_space<hbm>>
          %dma_start3A_145 = arith.constant 80 : i32
          %dma_start3A_146 = tpu.memref_slice %arg6[%mul3A_119, %dma_start3A_145] : memref<500000x112xf32, #tpu.memory_space<hbm>> -> memref<288x16xf32, #tpu.memory_space<hbm>>
          %dma_start3A_147 = arith.constant 0 : i32
          %dma_start3A_148 = arith.constant 0 : i32
          %dma_start3A_149 = tpu.memref_slice %arg18[%dma_start3A_147, %dma_start3A_148] : memref<512x16xf32, #tpu.memory_space<vmem>> -> memref<288x16xf32, #tpu.memory_space<vmem>>
          tpu.enqueue_dma source(%dma_start3A_149 : memref<288x16xf32, #tpu.memory_space<vmem>>) target(%dma_start3A_146 : memref<288x16xf32, #tpu.memory_space<hbm>>) target_semaphore(%arg24 : memref<!tpu.dma_semaphore, #tpu.memory_space<semaphore_mem>>)
          %dma_start3A_150 = arith.constant 0 : i32
          %dma_start3A_151 = arith.constant 0 : i32
          %dma_start3A_152 = tpu.memref_slice %arg20[%dma_start3A_150, %dma_start3A_151] : memref<512x16xf32, #tpu.memory_space<vmem>> -> memref<288x16xf32, #tpu.memory_space<vmem>>
          %dma_start3A_153 = arith.constant 96 : i32
          %dma_start3A_154 = tpu.memref_slice %arg6[%mul3A_119, %dma_start3A_153] : memref<500000x112xf32, #tpu.memory_space<hbm>> -> memref<288x16xf32, #tpu.memory_space<hbm>>
          %dma_start3A_155 = arith.constant 96 : i32
          %dma_start3A_156 = tpu.memref_slice %arg6[%mul3A_119, %dma_start3A_155] : memref<500000x112xf32, #tpu.memory_space<hbm>> -> memref<288x16xf32, #tpu.memory_space<hbm>>
          %dma_start3A_157 = arith.constant 0 : i32
          %dma_start3A_158 = arith.constant 0 : i32
          %dma_start3A_159 = tpu.memref_slice %arg20[%dma_start3A_157, %dma_start3A_158] : memref<512x16xf32, #tpu.memory_space<vmem>> -> memref<288x16xf32, #tpu.memory_space<vmem>>
          tpu.enqueue_dma source(%dma_start3A_159 : memref<288x16xf32, #tpu.memory_space<vmem>>) target(%dma_start3A_156 : memref<288x16xf32, #tpu.memory_space<hbm>>) target_semaphore(%arg24 : memref<!tpu.dma_semaphore, #tpu.memory_space<semaphore_mem>>)
        } else {
        }
      } else {
      }
    }
    %scan3A_25 = arith.constant 16 : i32
    %add3A_26 = arith.constant 992 : i32
    %add3A_27 = arith.addi %add3A, %add3A_26 : i32
    %lt3A_28 = arith.constant 977 : i32
    %lt3A_29 = arith.cmpi slt, %add3A_27, %lt3A_28 : i32
    %convert_element_type3A_30 = arith.extui %lt3A_29 : i1 to i32
    %cond3A_31 = arith.constant 0 : i32
    %cond3A_32 = arith.cmpi ne, %convert_element_type3A_30, %cond3A_31 : i32
    scf.if %cond3A_32 {
      %lt3A_33 = arith.constant 976 : i32
      %lt3A_34 = arith.cmpi slt, %add3A_27, %lt3A_33 : i32
      %convert_element_type3A_35 = arith.extui %lt3A_34 : i1 to i32
      %cond3A_36 = arith.constant 0 : i32
      %cond3A_37 = arith.cmpi ne, %convert_element_type3A_35, %cond3A_36 : i32
      scf.if %cond3A_37 {
        %dma_wait3A = arith.constant 0 : i32
        %dma_wait3A_43 = arith.constant 0 : i32
        %dma_wait3A_44 = tpu.memref_slice %arg6[%dma_wait3A, %dma_wait3A_43] : memref<500000x112xf32, #tpu.memory_space<hbm>> -> memref<512x80xf32, #tpu.memory_space<hbm>>
        %dma_wait3A_45 = arith.constant 0 : i32
        %dma_wait3A_46 = arith.constant 0 : i32
        %dma_wait3A_47 = tpu.memref_slice %arg6[%dma_wait3A_45, %dma_wait3A_46] : memref<500000x112xf32, #tpu.memory_space<hbm>> -> memref<512x80xf32, #tpu.memory_space<hbm>>
        tpu.wait_dma2 semaphore(%arg24 : memref<!tpu.dma_semaphore, #tpu.memory_space<semaphore_mem>>) src(%arg16 : memref<512x80xf32, #tpu.memory_space<vmem>>) dst(%dma_wait3A_47 : memref<512x80xf32, #tpu.memory_space<hbm>>)
        %dma_wait3A_48 = arith.constant 0 : i32
        %dma_wait3A_49 = arith.constant 80 : i32
        %dma_wait3A_50 = tpu.memref_slice %arg6[%dma_wait3A_48, %dma_wait3A_49] : memref<500000x112xf32, #tpu.memory_space<hbm>> -> memref<512x16xf32, #tpu.memory_space<hbm>>
        %dma_wait3A_51 = arith.constant 0 : i32
        %dma_wait3A_52 = arith.constant 80 : i32
        %dma_wait3A_53 = tpu.memref_slice %arg6[%dma_wait3A_51, %dma_wait3A_52] : memref<500000x112xf32, #tpu.memory_space<hbm>> -> memref<512x16xf32, #tpu.memory_space<hbm>>
        tpu.wait_dma2 semaphore(%arg24 : memref<!tpu.dma_semaphore, #tpu.memory_space<semaphore_mem>>) src(%arg18 : memref<512x16xf32, #tpu.memory_space<vmem>>) dst(%dma_wait3A_53 : memref<512x16xf32, #tpu.memory_space<hbm>>)
        %dma_wait3A_54 = arith.constant 0 : i32
        %dma_wait3A_55 = arith.constant 96 : i32
        %dma_wait3A_56 = tpu.memref_slice %arg6[%dma_wait3A_54, %dma_wait3A_55] : memref<500000x112xf32, #tpu.memory_space<hbm>> -> memref<512x16xf32, #tpu.memory_space<hbm>>
        %dma_wait3A_57 = arith.constant 0 : i32
        %dma_wait3A_58 = arith.constant 96 : i32
        %dma_wait3A_59 = tpu.memref_slice %arg6[%dma_wait3A_57, %dma_wait3A_58] : memref<500000x112xf32, #tpu.memory_space<hbm>> -> memref<512x16xf32, #tpu.memory_space<hbm>>
        tpu.wait_dma2 semaphore(%arg24 : memref<!tpu.dma_semaphore, #tpu.memory_space<semaphore_mem>>) src(%arg20 : memref<512x16xf32, #tpu.memory_space<vmem>>) dst(%dma_wait3A_59 : memref<512x16xf32, #tpu.memory_space<hbm>>)
      } else {
      }
      %eq3A_38 = arith.constant 976 : i32
      %eq3A_39 = arith.cmpi eq, %add3A_27, %eq3A_38 : i32
      %convert_element_type3A_40 = arith.extui %eq3A_39 : i1 to i32
      %cond3A_41 = arith.constant 0 : i32
      %cond3A_42 = arith.cmpi ne, %convert_element_type3A_40, %cond3A_41 : i32
      scf.if %cond3A_42 {
        %dma_wait3A = arith.constant 0 : i32
        %dma_wait3A_43 = arith.constant 0 : i32
        %dma_wait3A_44 = tpu.memref_slice %arg16[%dma_wait3A, %dma_wait3A_43] : memref<512x80xf32, #tpu.memory_space<vmem>> -> memref<288x80xf32, #tpu.memory_space<vmem>>
        %dma_wait3A_45 = arith.constant 0 : i32
        %dma_wait3A_46 = arith.constant 0 : i32
        %dma_wait3A_47 = tpu.memref_slice %arg6[%dma_wait3A_45, %dma_wait3A_46] : memref<500000x112xf32, #tpu.memory_space<hbm>> -> memref<288x80xf32, #tpu.memory_space<hbm>>
        %dma_wait3A_48 = arith.constant 0 : i32
        %dma_wait3A_49 = arith.constant 0 : i32
        %dma_wait3A_50 = tpu.memref_slice %arg6[%dma_wait3A_48, %dma_wait3A_49] : memref<500000x112xf32, #tpu.memory_space<hbm>> -> memref<288x80xf32, #tpu.memory_space<hbm>>
        %dma_wait3A_51 = arith.constant 0 : i32
        %dma_wait3A_52 = arith.constant 0 : i32
        %dma_wait3A_53 = tpu.memref_slice %arg16[%dma_wait3A_51, %dma_wait3A_52] : memref<512x80xf32, #tpu.memory_space<vmem>> -> memref<288x80xf32, #tpu.memory_space<vmem>>
        tpu.wait_dma2 semaphore(%arg24 : memref<!tpu.dma_semaphore, #tpu.memory_space<semaphore_mem>>) src(%dma_wait3A_53 : memref<288x80xf32, #tpu.memory_space<vmem>>) dst(%dma_wait3A_50 : memref<288x80xf32, #tpu.memory_space<hbm>>)
        %dma_wait3A_54 = arith.constant 0 : i32
        %dma_wait3A_55 = arith.constant 0 : i32
        %dma_wait3A_56 = tpu.memref_slice %arg18[%dma_wait3A_54, %dma_wait3A_55] : memref<512x16xf32, #tpu.memory_space<vmem>> -> memref<288x16xf32, #tpu.memory_space<vmem>>
        %dma_wait3A_57 = arith.constant 0 : i32
        %dma_wait3A_58 = arith.constant 80 : i32
        %dma_wait3A_59 = tpu.memref_slice %arg6[%dma_wait3A_57, %dma_wait3A_58] : memref<500000x112xf32, #tpu.memory_space<hbm>> -> memref<288x16xf32, #tpu.memory_space<hbm>>
        %dma_wait3A_60 = arith.constant 0 : i32
        %dma_wait3A_61 = arith.constant 80 : i32
        %dma_wait3A_62 = tpu.memref_slice %arg6[%dma_wait3A_60, %dma_wait3A_61] : memref<500000x112xf32, #tpu.memory_space<hbm>> -> memref<288x16xf32, #tpu.memory_space<hbm>>
        %dma_wait3A_63 = arith.constant 0 : i32
        %dma_wait3A_64 = arith.constant 0 : i32
        %dma_wait3A_65 = tpu.memref_slice %arg18[%dma_wait3A_63, %dma_wait3A_64] : memref<512x16xf32, #tpu.memory_space<vmem>> -> memref<288x16xf32, #tpu.memory_space<vmem>>
        tpu.wait_dma2 semaphore(%arg24 : memref<!tpu.dma_semaphore, #tpu.memory_space<semaphore_mem>>) src(%dma_wait3A_65 : memref<288x16xf32, #tpu.memory_space<vmem>>) dst(%dma_wait3A_62 : memref<288x16xf32, #tpu.memory_space<hbm>>)
        %dma_wait3A_66 = arith.constant 0 : i32
        %dma_wait3A_67 = arith.constant 0 : i32
        %dma_wait3A_68 = tpu.memref_slice %arg20[%dma_wait3A_66, %dma_wait3A_67] : memref<512x16xf32, #tpu.memory_space<vmem>> -> memref<288x16xf32, #tpu.memory_space<vmem>>
        %dma_wait3A_69 = arith.constant 0 : i32
        %dma_wait3A_70 = arith.constant 96 : i32
        %dma_wait3A_71 = tpu.memref_slice %arg6[%dma_wait3A_69, %dma_wait3A_70] : memref<500000x112xf32, #tpu.memory_space<hbm>> -> memref<288x16xf32, #tpu.memory_space<hbm>>
        %dma_wait3A_72 = arith.constant 0 : i32
        %dma_wait3A_73 = arith.constant 96 : i32
        %dma_wait3A_74 = tpu.memref_slice %arg6[%dma_wait3A_72, %dma_wait3A_73] : memref<500000x112xf32, #tpu.memory_space<hbm>> -> memref<288x16xf32, #tpu.memory_space<hbm>>
        %dma_wait3A_75 = arith.constant 0 : i32
        %dma_wait3A_76 = arith.constant 0 : i32
        %dma_wait3A_77 = tpu.memref_slice %arg20[%dma_wait3A_75, %dma_wait3A_76] : memref<512x16xf32, #tpu.memory_space<vmem>> -> memref<288x16xf32, #tpu.memory_space<vmem>>
        tpu.wait_dma2 semaphore(%arg24 : memref<!tpu.dma_semaphore, #tpu.memory_space<semaphore_mem>>) src(%dma_wait3A_77 : memref<288x16xf32, #tpu.memory_space<vmem>>) dst(%dma_wait3A_74 : memref<288x16xf32, #tpu.memory_space<hbm>>)
      } else {
      }
    } else {
    }
    return
  }
}

</mosaic_0001>

<sc_bundles>
// kernel: kernel.4.cloned.1.call-start
scs
__scs_entry_jumppad:
0x0: {  	(pc) =	sbr.rel $0x88, $3  }
0x1: {  	(tag) =	ssettag $0x0;
	lr =	simm.s32 $0x1  }
0x2: {  	[smem:$0x3F99] =	sst lr;
	_ =	strace $0xD0000000  }
0x3: {  	_ = 	snop  }
0x4: {  	_ = 	snop  }
0x5: {  	_ = 	snop  }
0x6: {  	_ = 	snop  }
0x7: {  	_ = 	snop  }
__scs_overlays_trampoline_lowered:
0x8: {  	[smem:$0x3FA8] =	sst s0  }
0x9: {  	[smem:$0x3FA9] =	sst s1  }
0xa: {  	[smem:$0x3FAA] =	sst s2  }
0xb: {  	[smem:$0x3FAB] =	sst s3  }
0xc: {  	[smem:$0x3FAC] =	sst s4  }
0xd: {  	[smem:$0x3FAD] =	sst s5  }
0xe: {  	[smem:$0x3FAE] =	sst s6  }
0xf: {  	[smem:$0x3FAF] =	sst s7  }
0x10: {  	[smem:$0x3FB0] =	sst s8  }
0x11: {  	[smem:$0x3FB1] =	sst s9;
	s0 =	simm.s32 @!p0 $0x0  }
0x12: {  	s1 =	sld [smem:$0x3F97];
	s0 =	simm.s32 @p0 $0x1  }
0x13: {  	[smem:$0x3FB2] =	sst s0;
	s0 =	simm.s32 @!p1 $0x0  }
0x14: {  	s2 =	sld [smem:$0x3F96];
	s0 =	simm.s32 @p1 $0x1  }
0x15: {  	[smem:$0x3FB3] =	sst s0;
	s0 =	simm.s32 @!p2 $0x0  }
0x16: {  	s3 =	sld [smem:$0x3FDB];
	s0 =	simm.s32 @p2 $0x1  }
0x17: {  	s4 =	simm.s32 $0x1BF5;
	[smem:$0x3FB5] =	sst s0  }
0x18: {  	s0 =	sld [smem:$0x3F98];
	_ =	swait.ge [sflag:s4], $0x0  }
0x19: {  	s7 =	sld [smem:$0x3F99]  }
0x1a: {  	s8 =	sadd.s32 $0xFFFFE003, lr  }
0x1b: {  	s9 =	sadd.s32 $0xFFFFFEF7, lr;
	s5 =	simm.s32 $0xFFFFFFFF;
	p2 =	slt.u32 s8, $0xFFFFF086  }
0x1c: {  	p1 =	slt.u32 s9, $0xF7A;
	s5 =	simm.s32 @!p2 $0x0  }
0x1d: {  	s5 =	simm.s32 @p1 $0x1;
	p0 =	seq.s32 s7, s2  }
0x1e: {  	s7 =	smul.u32 @!p0 $0xF7A, s2;
	p2 =	seq.s32 @!p0 s5, $0x0  }
0x1f: {  	s9 =	smul.u32 $0xF7A, s1;
	s8 =	simm.s32 @!p0 $0x1BF5;
	p2 =	por !p2, p0  }
0x20: {  	[sflag:s8] =	ssyncset.s32 @!p0 $0xFFFFF086;
	s6 =	sadd.s32 @!p0 s3, s7;
	s7 =	simm.s32 @!p0 $0x108  }
0x21: {  	s3 =	sadd.s32 s3, s9;
	s6 =	sadd.s32 @!p0 $0x88, s6;
	s7 =	simm.s32 @p2 $0x1082  }
0x22: {  	[simem:s7], [sflag:s8] =	dma.local @!p0 [hbm:s6], $0xF7A  }
0x23: {  	s9 =	sor.u32 $0xD0000000, s2;
	s6 =	simm.s32 $0x108;
	_ =	swait.ge @!p0 [sflag:s8], $0x0  }
0x24: {  	s3 =	sadd.s32 $0x88, s3;
	s6 =	simm.s32 @!p1 $0x1082;
	[sflag:s4] =	ssyncset.s32 $0xFFFFF086  }
0x25: {  	[simem:s6], [sflag:s4] =	dma.local [hbm:s3], $0xF7A  }
0x26: {  	[smem:$0x3F99] =	sst s1;
	(tag) =	ssettag s2;
	_ =	strace s9  }
0x27: {  	s1 =	sld [smem:$0x3FA9]  }
0x28: {  	s2 =	sld [smem:$0x3FAA]  }
0x29: {  	s4 =	sld [smem:$0x3FAC]  }
0x2a: {  	p0 =	seq.s32 s5, $0x0;
	s5 =	sld [smem:$0x3FAD]  }
0x2b: {  	s6 =	sld [smem:$0x3FAE]  }
0x2c: {  	s7 =	sld [smem:$0x3FAF]  }
0x2d: {  	s3 =	simm.s32 $0x108;
	s8 =	sld [smem:$0x3FB0]  }
0x2e: {  	s3 =	simm.s32 @!p0 $0x1082;
	s9 =	sld [smem:$0x3FB1]  }
0x2f: {  	lr =	sadd.s32 s0, s3;
	s0 =	sld [smem:$0x3FA8]  }
0x30: {  	s3 =	sld [smem:$0x3FAB]  }
0x31: {  	[smem:$0x3FB4] =	sst s10  }
0x32: {  	s10 =	sld [smem:$0x3FB2];
	_ =	sdelay $0x3  }
0x33: {  	p0 =	seq.s32 s10, $0x1;
	s10 =	sld [smem:$0x3FB4];
	_ =	sdelay $0x3  }
0x34: {  	[smem:$0x3FB4] =	sst s10  }
0x35: {  	s10 =	sld [smem:$0x3FB3];
	_ =	sdelay $0x3  }
0x36: {  	p1 =	seq.s32 s10, $0x1;
	s10 =	sld [smem:$0x3FB4];
	_ =	sdelay $0x3  }
0x37: {  	[smem:$0x3FB4] =	sst s10  }
0x38: {  	s10 =	sld [smem:$0x3FB5]  }
0x39: {  	_ = 	snop;
	(pc) =	sbr.ind lr, $3  }
0x3a: {  	_ = 	snop  }
0x3b: {  	_ = 	snop  }
0x3c: {  	p2 =	seq.s32 s10, $0x1;
	s10 =	sld [smem:$0x3FB4]  }
0x3d: {  	_ =	shalt  }
0x3e: {  	_ =	shalt  }
0x3f: {  	_ =	shalt  }
0x40: {  	_ =	shalt  }
0x41: {  	_ =	shalt  }
0x42: {  	_ =	shalt  }
0x43: {  	_ =	shalt  }
0x44: {  	_ =	shalt  }
0x45: {  	_ =	shalt  }
0x46: {  	_ =	shalt  }
0x47: {  	_ =	shalt  }
0x48: {  	_ =	shalt  }
0x49: {  	_ =	shalt  }
0x4a: {  	_ =	shalt  }
0x4b: {  	_ =	shalt  }
0x4c: {  	_ =	shalt  }
0x4d: {  	_ =	shalt  }
0x4e: {  	_ =	shalt  }
0x4f: {  	_ =	shalt  }
0x50: {  	_ =	shalt  }
0x51: {  	_ =	shalt  }
0x52: {  	_ =	shalt  }
0x53: {  	_ =	shalt  }
0x54: {  	_ =	shalt  }
0x55: {  	_ =	shalt  }
0x56: {  	_ =	shalt  }
0x57: {  	_ =	shalt  }
0x58: {  	_ =	shalt  }
0x59: {  	_ =	shalt  }
0x5a: {  	_ =	shalt  }
0x5b: {  	_ =	shalt  }
0x5c: {  	_ =	shalt  }
0x5d: {  	_ =	shalt  }
0x5e: {  	_ =	shalt  }
0x5f: {  	_ =	shalt  }
0x60: {  	_ =	shalt  }
0x61: {  	_ =	shalt  }
0x62: {  	_ =	shalt  }
0x63: {  	_ =	shalt  }
0x64: {  	_ =	shalt  }
0x65: {  	_ =	shalt  }
0x66: {  	_ =	shalt  }
0x67: {  	_ =	shalt  }
0x68: {  	_ =	shalt  }
0x69: {  	_ =	shalt  }
0x6a: {  	_ =	shalt  }
0x6b: {  	_ =	shalt  }
0x6c: {  	_ =	shalt  }
0x6d: {  	_ =	shalt  }
0x6e: {  	_ =	shalt  }
0x6f: {  	_ =	shalt  }
0x70: {  	_ =	shalt  }
0x71: {  	_ =	shalt  }
0x72: {  	_ =	shalt  }
0x73: {  	_ =	shalt  }
0x74: {  	_ =	shalt  }
0x75: {  	_ =	shalt  }
0x76: {  	_ =	shalt  }
0x77: {  	_ =	shalt  }
0x78: {  	_ =	shalt  }
0x79: {  	_ =	shalt  }
0x7a: {  	_ =	shalt  }
0x7b: {  	_ =	shalt  }
0x7c: {  	_ =	shalt  }
0x7d: {  	_ =	shalt  }
0x7e: {  	_ =	shalt  }
0x7f: {  	_ =	shalt  }
0x80: {  	_ =	shalt  }
0x81: {  	_ =	shalt  }
0x82: {  	_ =	shalt  }
0x83: {  	_ =	shalt  }
0x84: {  	_ =	shalt  }
0x85: {  	_ =	shalt  }
0x86: {  	_ =	shalt  }
0x87: {  	_ =	shalt  }
.Lfunc_end0:
.L_simem_size_0:
called_computation.1_lowered:
.L_overlay_start_0:
0x88: {  	s2 =	sld [smem:$0x3FD9]  }
0x89: {  	s3 =	sld [smem:$0x3FFE];
	_ =	sdelay $0x1  }
0x8a: {  	s1 =	srdreg.scid  }
0x8b: {  	s0 =	sand.u32 $0x1, s1  }
0x8c: {  	s16 =	sshll.u32 s0, $0xA;
	s2 =	sadd.s32 s3, s2  }
0x8d: {  	s2 =	sadd.s32 s2, s16  }
0x8e: {  	[smem:$0x3FC0] =	sst s2  }
0x8f: {  	_ = 	snop  }
0x90: {  	(tm) =	ssettm $0x1  }
0x91: {  	s17 =	sld [smem:$0x3FFB];
	_ =	sdelay $0x3  }
0x92: {  	_ =	strace s17  }
0x93: {  	s2 =	sld [smem:$0x3FFC];
	_ =	sdelay $0x3  }
0x94: {  	_ =	strace s2  }
0x95: {  	s2 =	sld [smem:$0x3FFD];
	_ =	sdelay $0x3  }
0x96: {  	_ =	strace s2  }
0x97: {  	_ =	strace $0x8FFFFFFF  }
0x98: {  	s18 =	sld [smem:$0x3FDB];
	_ =	sdelay $0x1  }
0x99: {  	s19 =	simm.s32 $_scs_section_size  }
0x9a: {  	s4 =	simm.s32 $_size__tile_overlayer_lowered;
	s5 =	simm.s32 $_tile_overlayer_lowered  }
0x9b: {  	s22 =	simm.s32 $0x1BFF;
	s21 =	sshll.u32 s5, $0x1;
	s2 =	sadd.s32 s19, s18  }
0x9c: {  	s6 =	simm.s32 $0x0;
	s20 =	sshll.u32 s4, $0x1;
	s4 =	sadd.s32 s21, s2  }
0x9d: {  	[timem:s6], [sflag:s22] =	dma.local [hbm:s4], s20  }
0x9e: {  	_ =	swait.ge [sflag:s22], s20  }
0x9f: {  	s3 =	ssub.s32 $0x0, s20;
	[sflag:s22] =	ssyncset.done $0x0  }
0xa0: {  	[sflag:s22] =	ssyncadd.s32 s3;
	_ =	sdelay $0x1  }
0xa1: {  	s23 =	simm.s32 $0x1B8B  }
0xa2: {  	_ =	swait.ge [sflag:s23], $0x1  }
0xa3: {  	[sflag:s23] =	ssyncset.done $0x0  }
0xa4: {  	s25 =	simm.s32 $0x1B8E;
	s24 =	sld [smem:$0x3FFE];
	[sflag:s23] =	ssyncadd.s32 $0xFFFFFFFF  }
0xa5: {  	s26 =	simm.s32 $execute0_lowered;
	[smem:$0x3FD2] =	sst s25  }
0xa6: {  	s4 =	sshll.u32 s26, $0x1;
	_ =	strace $0x80000046;
	[dreg:$0x1] =	wrdreg $0xFFFFFFFF  }
0xa7: {  	s28 =	simm.s32 $_size_execute0_lowered;
	s2 =	sadd.s32 s2, s4;
	[dreg:$0x0] =	wrdreg $0x0  }
0xa8: {  	s4 =	sshll.u32 s28, $0x1;
	[dreg:$0x2] =	wrdreg s2  }
0xa9: {  	[dreg:$0x3] =	wrdreg s4  }
0xaa: {  	[dreg:$0x4] =	wrdreg $0xC0  }
0xab: {  	_ =	task [dreg:s6], $0x5FFFF  }
0xac: {  	[dreg:$0x1] =	wrdreg $0xFFFFFFFF  }
0xad: {  	[dreg:$0x0] =	wrdreg $0x60  }
0xae: {  	[dreg:$0x2] =	wrdreg s24  }
0xaf: {  	[dreg:$0x3] =	wrdreg $0x9  }
0xb0: {  	_ =	task.clear_ibuf [dreg:s6], $0x4FFFF;
	_ =	strace $0x90000046  }
0xb1: {  	s29 =	simm.s32 $0x9;
	_ =	strace $0x80000048  }
0xb2: {  	_ =	swait.ge [sflag:s29], $0x1  }
0xb3: {  	[sflag:s29] =	ssyncadd.s32 $0xFFFFFFFF  }
0xb4: {  	_ =	strace $0x90000048  }
0xb5: {  	_ =	sfence  }
0xb6: {  	s30 =	sld [smem:$0x0];
	_ =	sdelay $0x2  }
0xb7: {  	s31 =	sshll.u32 s1, $0xD;
	s1 =	sshrl.u32 s1, $0x2  }
0xb8: {  	s3 =	sand.u32 $0x4000, s31;
	s1 =	sadd.s32 s1, s30  }
0xb9: {  	s0 =	sor.u32 s3, s0;
	s1 =	sshll.u32 s1, $0x11  }
0xba: {  	s0 =	sor.u32 s1, s0  }
0xbb: {  	s0 =	sadd.s32 $0x8F2B, s0  }
0xbc: {  	[sflag:s0] =	ssyncadd.remote.s32 $0x1  }
0xbd: {  	_ =	sfence.sel $0xFFFF  }
0xbe: {  	[dreg:$0x0] =	wrdreg $0xFFFFFFFF;
	(pc) =	sbr.abs _section_cstart, $3  }
0xbf: {  	[dreg:$0x1] =	wrdreg $0xFFFFFFFF  }
0xc0: {  	_ =	task.clear_ibuf [dreg:s6], $0x2FFFF;
	_ =	strace $0x9FFFFFFF  }
0xc1: {  	(tm) =	ssettm $0x7FFFFFFF  }
tec
execute0_lowered:
.L_overlay_start_1:
0x0: {  	(tag) =	ssettag $0x1  }
0x1: {  	s0 =	rddreg [dreg:$0x0]  }
0x2: {  	s1 =	srdreg.scid;
	s2 =	simm.s32 $0x0;
	s3 =	stileid.u32  }
0x3: {  	s15 =	simm.s32 $0x400;
	s16 =	simm.s32 $0x1400;
	s17 =	simm.s32 $0x5400  }
0x4: {  	s18 =	simm.s32 $0x800;
	s19 =	simm.s32 $0x9400;
	s20 =	simm.s32 $0xC00  }
0x5: {  	s21 =	simm.s32 $0xD400;
	s22 =	simm.s32 $0x1000;
	s23 =	simm.s32 $0x11400  }
0x6: {  	s24 =	simm.s32 $0x1;
	s25 =	simm.s32 $0x10;
	s26 =	simm.s32 $0x50  }
0x7: {  	s28 =	simm.s32 $0x2;
	s29 =	simm.s32 $0x0;
	s1 =	sand.u32 $0x1, s1  }
0x8: {  	[smem:$0x7FF] =	sst s2;
	s3 =	sshll.u32 s3, $0xB;
	s4 =	sshll.u32 s1, $0xA  }
0x9: {  	s5 =	sadd.s32 $0x14A00, s0;
	s6 =	sadd.s32 $0x14600, s0;
	s3 =	sor.u32 s4, s3  }
0xa: {  	s7 =	sadd.s32 $0x12600, s0;
	s1 =	ssub.s32 $0x2, s1;
	s9 =	smul.u32 $0xA, s3  }
0xb: {  	s8 =	sadd.s32 $0x2600, s0;
	_ =	strace $0x80000047;
	s31 =	sshrl.u32 s1, $0x1  }
0xc: {  	s4 =	sadd.s32 $0x14C00, s0;
	s1 =	ssub.s32 s1, s31;
	s0 =	sadd.s32 s9, s0  }
0xd: {  	s14 =	smax.u32 s1, $0x1;
	s9 =	sadd.s32 $0x14E00, s0;
	s10 =	sadd.s32 $0x14E02, s0  }
0xe: {  	v0 =	vlaneseq.u32;
	s11 =	sadd.s32 $0x14E04, s0;
	s12 =	sadd.s32 $0x14E06, s0;
	s13 =	sadd.s32 $0x14E08, s0  }
.LBB2_1:
0xf: {  	v1 =	vmov s3  }
0x10: {  	v2 =	vor.u32 s3, v0;
	v3 =	vshrl.u32 v1, $0x2;
	v4 =	vshrl.u32 v1, $0x3  }
0x11: {  	v5 =	vand.u32 $0x1F, v2;
	v6 =	vshrl.u32 v1, $0x8;
	v8 =	vshrl.u32 v1, $0x6  }
0x12: {  	v61 =	vshrl.u32 v1, $0x9;
	v3 =	vand.u32 $0xF0, v3;
	v4 =	vand.u32 $0xFFFFF00, v4  }
0x13: {  	v7 =	vshrl.u32 v5, $0x1;
	v6 =	vand.u32 $0x2, v6;
	v62 =	vand.u32 $0xC, v8  }
0x14: {  	v8 =	vand.u32 $0x1FFFFC0, v8;
	v3 =	vor.u32 v4, v3;
	v4 =	vshrl.u32 v1, $0xC  }
0x15: {  	v1 =	vshrl.u32 v1, $0x4;
	v3 =	vor.u32 v7, v3;
	v4 =	vand.u32 $0x7FFFC, v4  }
0x16: {  	s30 =	simm.s32 $0x0;
	v7 =	vand.u32 $0x3FFFF0, v61;
	v1 =	vand.u32 $0x38, v1;
	v4 =	vor.u32 v6, v4  }
0x17: {  	[tilespmem:s30+$0xC00] =	vst v3;
	v3 =	vshrl.u32 v5, $0x4;
	v6 =	vor.u32 v62, v7;
	v63 =	vor.u32 v8, v1  }
0x18: {  	s0 =	sadd.s32 $0x10, s3;
	[tilespmem:s30+$0x1000] =	vst v2;
	v2 =	vor.u32 v3, v4;
	v3 =	vshrl.u32 v5, $0x3;
	v4 =	vshrl.u32 v5, $0x2  }
0x19: {  	s31 =	simm.s32 $0x40;
	s1 =	simm.s32 $0x80;
	v1 =	vmov s0;
	[tilespmem:s30+$0x0] =	vst v2;
	v3 =	vor.u32 v3, v6;
	v2 =	vor.u32 v4, v63  }
.LBB2_2:
0x1a: {  	p0 =	sne.s32 s1, $0xFC0;
	v4 =	vor.u32 s0, v0;
	v5 =	vshrl.u32 v1, $0x2;
	v6 =	vshrl.u32 v1, $0x3;
	[tilespmem:s30+$0x400] =	vst v3  }
0x1b: {  	v3 =	vand.u32 $0x1F, v4;
	v5 =	vand.u32 $0xF0, v5;
	v6 =	vand.u32 $0xFFFFF00, v6;
	[tilespmem:s30+$0x800] =	vst v2  }
0x1c: {  	v2 =	vshrl.u32 v1, $0x8;
	v7 =	vshrl.u32 v3, $0x1;
	v5 =	vor.u32 v6, v5  }
0x1d: {  	v8 =	vshrl.u32 v1, $0x6;
	s30 =	sshra.s32 s31, $0x2;
	s31 =	smov.u32 s1;
	v6 =	vshrl.u32 v1, $0xC;
	v5 =	vor.u32 v7, v5  }
0x1e: {  	v2 =	vand.u32 $0x2, v2;
	v7 =	vshrl.u32 v1, $0x9;
	v1 =	vshrl.u32 v1, $0x4;
	[tilespmem:s30+$0xC00] =	vst v5  }
.Ltmp0:
0x1f: {  	v5 =	vand.u32 $0x7FFFC, v6;
	v6 =	vand.u32 $0xC, v8;
	v7 =	vand.u32 $0x3FFFF0, v7;
	[tilespmem:s30+$0x1000] =	vst v4;
	(pc) =	sbr.rel @p0 .LBB2_2-.Ltmp0, $4  }
0x20: {  	v1 =	vand.u32 $0x38, v1;
	v2 =	vor.u32 v2, v5;
	v4 =	vand.u32 $0x1FFFFC0, v8  }
0x21: {  	v5 =	vshrl.u32 v3, $0x4;
	v6 =	vor.u32 v6, v7;
	v4 =	vor.u32 v4, v1  }
0x22: {  	s0 =	sadd.s32 $0x10, s0;
	v7 =	vshrl.u32 v3, $0x2;
	v2 =	vor.u32 v5, v2;
	v5 =	vshrl.u32 v3, $0x3  }
0x23: {  	s1 =	sadd.s32 $0x40, s1;
	v1 =	vmov s0;
	v3 =	vor.u32 v5, v6;
	[tilespmem:s30+$0x0] =	vst v2;
	v2 =	vor.u32 v7, v4  }
0x24: {  	v4 =	vor.u32 s0, v0  }
0x25: {  	v5 =	vshrl.u32 v1, $0x2;
	v6 =	vshrl.u32 v1, $0x3;
	v8 =	vshrl.u32 v1, $0x8  }
0x26: {  	v57 =	vshrl.u32 v1, $0xC;
	v58 =	vshrl.u32 v1, $0x6;
	[tilespmem:s30+$0x400] =	vst v3;
	v3 =	vshrl.u32 v1, $0x9  }
0x27: {  	v1 =	vshrl.u32 v1, $0x4;
	v7 =	vand.u32 $0x1F, v4;
	v5 =	vand.u32 $0xF0, v5  }
0x28: {  	v6 =	vand.u32 $0xFFFFF00, v6;
	v8 =	vand.u32 $0x2, v8;
	v59 =	vand.u32 $0xC, v58  }
0x29: {  	v3 =	vand.u32 $0x3FFFF0, v3;
	v1 =	vand.u32 $0x38, v1;
	v60 =	vand.u32 $0x1FFFFC0, v58  }
0x2a: {  	[tilespmem:s30+$0x800] =	vst v2;
	s31 =	sshra.s32 s31, $0x2;
	v9 =	vshrl.u32 v7, $0x1;
	v5 =	vor.u32 v6, v5;
	v6 =	vand.u32 $0x7FFFC, v57  }
0x2b: {  	[tilespmem:s31+$0x1000] =	vst v4;
	v1 =	vor.u32 v60, v1;
	v63 =	vshrl.u32 v7, $0x2;
	v5 =	vor.u32 v9, v5  }
0x2c: {  	v61 =	vshrl.u32 v7, $0x4;
	v2 =	vor.u32 v8, v6;
	v1 =	vor.u32 v63, v1;
	[tilespmem:s31+$0xC00] =	vst v5  }
0x2d: {  	v3 =	vor.u32 v59, v3;
	v62 =	vshrl.u32 v7, $0x3;
	v2 =	vor.u32 v61, v2;
	[tilespmem:s31+$0x800] =	vst v1  }
0x2e: {  	[tilespmem:s31+$0x0] =	vst v2;
	v2 =	vor.u32 v62, v3  }
0x2f: {  	[tilespmem:s31+$0x400] =	vst v2  }
0x30: {  	[tilespmem:s16], [sflag:$0x1] =	stream.indirect.gather [hbm4b:s4+s15], $0x10, s2, s15, $0xb8;
	[tilespmem:$0x15400] =	vst v63  }
0x31: {  	_ = 	snop  }
0x32: {  	[tilespmem:s17], [sflag:$0x1] =	stream.indirect.gather [hbm4b:s5+s15], $0x10, s15, s15, $0xb8;
	[tilespmem:$0x15400] =	vst v63  }
0x33: {  	_ = 	snop  }
0x34: {  	[tilespmem:s19], [sflag:$0x1] =	stream.indirect.gather [hbm4b:s6+s15], $0x10, s18, s15, $0xb8;
	[tilespmem:$0x15400] =	vst v63  }
0x35: {  	_ = 	snop  }
0x36: {  	[tilespmem:s21], [sflag:$0x1] =	stream.indirect.gather [hbm4b:s7+s15], $0x10, s20, s15, $0xb8;
	[tilespmem:$0x15400] =	vst v63  }
0x37: {  	_ = 	snop  }
0x38: {  	[tilespmem:s23], [sflag:$0x1] =	stream.indirect.gather [hbm4b:s8+s15], $0x10, s22, s15, $0xb8;
	[tilespmem:$0x15400] =	vst v63  }
0x39: {  	_ =	swait.ge [sflag:s24], $0x4000  }
0x3a: {  	[sflag:s24] =	ssyncset.done $0x0  }
0x3b: {  	[sflag:s24] =	ssyncadd.s32 $0xFFFFC000  }
0x3c: {  	_ =	swait.ge [sflag:s24], $0x4000  }
0x3d: {  	[sflag:s24] =	ssyncset.done $0x0  }
0x3e: {  	[sflag:s24] =	ssyncadd.s32 $0xFFFFC000  }
0x3f: {  	_ =	swait.ge [sflag:s24], $0x4000  }
0x40: {  	[sflag:s24] =	ssyncset.done $0x0  }
0x41: {  	[sflag:s24] =	ssyncadd.s32 $0xFFFFC000  }
0x42: {  	_ =	swait.ge [sflag:s24], $0x4000  }
0x43: {  	[sflag:s24] =	ssyncset.done $0x0  }
0x44: {  	[sflag:s24] =	ssyncadd.s32 $0xFFFFC000  }
0x45: {  	_ =	swait.ge [sflag:s24], $0x4000  }
0x46: {  	[sflag:s24] =	ssyncset.done $0x0  }
0x47: {  	[sflag:s24] =	ssyncadd.s32 $0xFFFFC000  }
0x48: {  	[hbm4b:s9+s25] =	stream.strided.scatter [tilespmem:s16], [sflag:$0x2], $0x4000, s26, s25, $0x38;
	[tilespmem:$0x15400] =	vst v63  }
0x49: {  	_ =	swait.ge [sflag:s28], $0x4000  }
0x4a: {  	[sflag:s28] =	ssyncset.done $0x0  }
0x4b: {  	[sflag:s28] =	ssyncadd.s32 $0xFFFFC000  }
0x4c: {  	[hbm4b:s10+s25] =	stream.strided.scatter [tilespmem:s17], [sflag:$0x2], $0x4000, s26, s25, $0x38;
	[tilespmem:$0x15400] =	vst v63  }
0x4d: {  	_ =	swait.ge [sflag:s28], $0x4000  }
0x4e: {  	[sflag:s28] =	ssyncset.done $0x0  }
0x4f: {  	[sflag:s28] =	ssyncadd.s32 $0xFFFFC000  }
0x50: {  	[hbm4b:s11+s25] =	stream.strided.scatter [tilespmem:s19], [sflag:$0x2], $0x4000, s26, s25, $0x38;
	[tilespmem:$0x15400] =	vst v63  }
0x51: {  	_ =	swait.ge [sflag:s28], $0x4000  }
0x52: {  	[sflag:s28] =	ssyncset.done $0x0  }
0x53: {  	[sflag:s28] =	ssyncadd.s32 $0xFFFFC000  }
0x54: {  	[hbm4b:s12+s25] =	stream.strided.scatter [tilespmem:s21], [sflag:$0x2], $0x4000, s26, s25, $0x38;
	[tilespmem:$0x15400] =	vst v63  }
0x55: {  	s29 =	sadd.s32 $0x1, s29;
	_ =	swait.ge [sflag:s28], $0x4000  }
0x56: {  	p0 =	sne.s32 s29, s14;
	[sflag:s28] =	ssyncset.done $0x0  }
.Ltmp1:
0x57: {  	[sflag:s28] =	ssyncadd.s32 $0xFFFFC000;
	(pc) =	sbr.rel @p0 .LBB2_1-.Ltmp1, $4  }
0x58: {  	[hbm4b:s13+s25] =	stream.strided.scatter [tilespmem:s23], [sflag:$0x2], $0x4000, s26, s25, $0x38;
	[tilespmem:$0x15400] =	vst v63  }
0x59: {  	_ =	swait.ge [sflag:s28], $0x4000  }
0x5a: {  	[sflag:s28] =	ssyncset.done $0x0  }
0x5b: {  	[sflag:s28] =	ssyncadd.s32 $0xFFFFC000  }
0x5c: {  	_ =	sfence.sel $0x180000  }
0x5d: {  	[bflag:$0x0] =	sbarrier.arrive $0xFFFF  }
0x5e: {  	_ =	strace $0x90000047  }
0x5f: {  	s0 =	stileid.u32;
	[bflag:$0x2] =	sbarrier.arrive $0xFFFF  }
0x60: {  	p0 =	sne.s32 s0, $0x0;
	s0 =	rddreg [dreg:$0x1]  }
0x61: {  	s0 =	sadd.s32 @!p0 $0x100000, s0  }
0x62: {  	[sflag:s0] =	ssyncadd.tile.s32 @!p0 $0x1;
	_ =	shalt  }
.Lfunc_end2:
_tile_overlayer_lowered:
.L_overlay_start_2:
0x63: {  	(tag) =	ssettag $0x2  }
0x64: {  	s0 =	rddreg [dreg:$0x0];
	s2 =	stileid.u32  }
0x65: {  	s1 =	rddreg [dreg:$0x1];
	p0 =	sne.s32 s2, $0x0  }
0x66: {  	s3 =	rddreg [dreg:$0x2];
	[bflag:$0x3] =	sbarrier.arrive $0xFFFF;
	s2 =	simm.s32 @!p0 $0x1C02  }
0x67: {  	[timem:s3], [sflag:s2] =	dma.local @!p0 [hbm:s0], s1  }
0x68: {  	s0 =	simm.s32 @!p0 $0x2  }
0x69: {  	_ =	swait.ge @!p0 [sflag:s0], s1  }
0x6a: {  	s1 =	ssub.s32 @!p0 $0x0, s1;
	[sflag:s0] =	ssyncset.done @!p0 $0x0  }
0x6b: {  	[sflag:s0] =	ssyncadd.s32 @!p0 s1  }
0x6c: {  	[bflag:$0x3] =	sbarrier.arrive $0xFFFF  }
0x6d: {  	_ =	shalt  }

// kernel: kernel.7.cloned.1.call-start
scs
__scs_entry_jumppad:
0x0: {  	(pc) =	sbr.rel $0x88, $3  }
0x1: {  	(tag) =	ssettag $0x0;
	lr =	simm.s32 $0x1  }
0x2: {  	[smem:$0x3F99] =	sst lr;
	_ =	strace $0xD0000000  }
0x3: {  	_ = 	snop  }
0x4: {  	_ = 	snop  }
0x5: {  	_ = 	snop  }
0x6: {  	_ = 	snop  }
0x7: {  	_ = 	snop  }
__scs_overlays_trampoline_lowered:
0x8: {  	[smem:$0x3FA8] =	sst s0  }
0x9: {  	[smem:$0x3FA9] =	sst s1  }
0xa: {  	[smem:$0x3FAA] =	sst s2  }
0xb: {  	[smem:$0x3FAB] =	sst s3  }
0xc: {  	[smem:$0x3FAC] =	sst s4  }
0xd: {  	[smem:$0x3FAD] =	sst s5  }
0xe: {  	[smem:$0x3FAE] =	sst s6  }
0xf: {  	[smem:$0x3FAF] =	sst s7  }
0x10: {  	[smem:$0x3FB0] =	sst s8  }
0x11: {  	[smem:$0x3FB1] =	sst s9;
	s0 =	simm.s32 @!p0 $0x0  }
0x12: {  	s1 =	sld [smem:$0x3F97];
	s0 =	simm.s32 @p0 $0x1  }
0x13: {  	[smem:$0x3FB2] =	sst s0;
	s0 =	simm.s32 @!p1 $0x0  }
0x14: {  	s2 =	sld [smem:$0x3F96];
	s0 =	simm.s32 @p1 $0x1  }
0x15: {  	[smem:$0x3FB3] =	sst s0;
	s0 =	simm.s32 @!p2 $0x0  }
0x16: {  	s3 =	sld [smem:$0x3FDB];
	s0 =	simm.s32 @p2 $0x1  }
0x17: {  	s4 =	simm.s32 $0x1BF5;
	[smem:$0x3FB5] =	sst s0  }
0x18: {  	s0 =	sld [smem:$0x3F98];
	_ =	swait.ge [sflag:s4], $0x0  }
0x19: {  	s7 =	sld [smem:$0x3F99]  }
0x1a: {  	s8 =	sadd.s32 $0xFFFFE003, lr  }
0x1b: {  	s9 =	sadd.s32 $0xFFFFFEF7, lr;
	s5 =	simm.s32 $0xFFFFFFFF;
	p2 =	slt.u32 s8, $0xFFFFF086  }
0x1c: {  	p1 =	slt.u32 s9, $0xF7A;
	s5 =	simm.s32 @!p2 $0x0  }
0x1d: {  	s5 =	simm.s32 @p1 $0x1;
	p0 =	seq.s32 s7, s2  }
0x1e: {  	s7 =	smul.u32 @!p0 $0xF7A, s2;
	p2 =	seq.s32 @!p0 s5, $0x0  }
0x1f: {  	s9 =	smul.u32 $0xF7A, s1;
	s8 =	simm.s32 @!p0 $0x1BF5;
	p2 =	por !p2, p0  }
0x20: {  	[sflag:s8] =	ssyncset.s32 @!p0 $0xFFFFF086;
	s6 =	sadd.s32 @!p0 s3, s7;
	s7 =	simm.s32 @!p0 $0x108  }
0x21: {  	s3 =	sadd.s32 s3, s9;
	s6 =	sadd.s32 @!p0 $0x88, s6;
	s7 =	simm.s32 @p2 $0x1082  }
0x22: {  	[simem:s7], [sflag:s8] =	dma.local @!p0 [hbm:s6], $0xF7A  }
0x23: {  	s9 =	sor.u32 $0xD0000000, s2;
	s6 =	simm.s32 $0x108;
	_ =	swait.ge @!p0 [sflag:s8], $0x0  }
0x24: {  	s3 =	sadd.s32 $0x88, s3;
	s6 =	simm.s32 @!p1 $0x1082;
	[sflag:s4] =	ssyncset.s32 $0xFFFFF086  }
0x25: {  	[simem:s6], [sflag:s4] =	dma.local [hbm:s3], $0xF7A  }
0x26: {  	[smem:$0x3F99] =	sst s1;
	(tag) =	ssettag s2;
	_ =	strace s9  }
0x27: {  	s1 =	sld [smem:$0x3FA9]  }
0x28: {  	s2 =	sld [smem:$0x3FAA]  }
0x29: {  	s4 =	sld [smem:$0x3FAC]  }
0x2a: {  	p0 =	seq.s32 s5, $0x0;
	s5 =	sld [smem:$0x3FAD]  }
0x2b: {  	s6 =	sld [smem:$0x3FAE]  }
0x2c: {  	s7 =	sld [smem:$0x3FAF]  }
0x2d: {  	s3 =	simm.s32 $0x108;
	s8 =	sld [smem:$0x3FB0]  }
0x2e: {  	s3 =	simm.s32 @!p0 $0x1082;
	s9 =	sld [smem:$0x3FB1]  }
0x2f: {  	lr =	sadd.s32 s0, s3;
	s0 =	sld [smem:$0x3FA8]  }
0x30: {  	s3 =	sld [smem:$0x3FAB]  }
0x31: {  	[smem:$0x3FB4] =	sst s10  }
0x32: {  	s10 =	sld [smem:$0x3FB2];
	_ =	sdelay $0x3  }
0x33: {  	p0 =	seq.s32 s10, $0x1;
	s10 =	sld [smem:$0x3FB4];
	_ =	sdelay $0x3  }
0x34: {  	[smem:$0x3FB4] =	sst s10  }
0x35: {  	s10 =	sld [smem:$0x3FB3];
	_ =	sdelay $0x3  }
0x36: {  	p1 =	seq.s32 s10, $0x1;
	s10 =	sld [smem:$0x3FB4];
	_ =	sdelay $0x3  }
0x37: {  	[smem:$0x3FB4] =	sst s10  }
0x38: {  	s10 =	sld [smem:$0x3FB5]  }
0x39: {  	_ = 	snop;
	(pc) =	sbr.ind lr, $3  }
0x3a: {  	_ = 	snop  }
0x3b: {  	_ = 	snop  }
0x3c: {  	p2 =	seq.s32 s10, $0x1;
	s10 =	sld [smem:$0x3FB4]  }
0x3d: {  	_ =	shalt  }
0x3e: {  	_ =	shalt  }
0x3f: {  	_ =	shalt  }
0x40: {  	_ =	shalt  }
0x41: {  	_ =	shalt  }
0x42: {  	_ =	shalt  }
0x43: {  	_ =	shalt  }
0x44: {  	_ =	shalt  }
0x45: {  	_ =	shalt  }
0x46: {  	_ =	shalt  }
0x47: {  	_ =	shalt  }
0x48: {  	_ =	shalt  }
0x49: {  	_ =	shalt  }
0x4a: {  	_ =	shalt  }
0x4b: {  	_ =	shalt  }
0x4c: {  	_ =	shalt  }
0x4d: {  	_ =	shalt  }
0x4e: {  	_ =	shalt  }
0x4f: {  	_ =	shalt  }
0x50: {  	_ =	shalt  }
0x51: {  	_ =	shalt  }
0x52: {  	_ =	shalt  }
0x53: {  	_ =	shalt  }
0x54: {  	_ =	shalt  }
0x55: {  	_ =	shalt  }
0x56: {  	_ =	shalt  }
0x57: {  	_ =	shalt  }
0x58: {  	_ =	shalt  }
0x59: {  	_ =	shalt  }
0x5a: {  	_ =	shalt  }
0x5b: {  	_ =	shalt  }
0x5c: {  	_ =	shalt  }
0x5d: {  	_ =	shalt  }
0x5e: {  	_ =	shalt  }
0x5f: {  	_ =	shalt  }
0x60: {  	_ =	shalt  }
0x61: {  	_ =	shalt  }
0x62: {  	_ =	shalt  }
0x63: {  	_ =	shalt  }
0x64: {  	_ =	shalt  }
0x65: {  	_ =	shalt  }
0x66: {  	_ =	shalt  }
0x67: {  	_ =	shalt  }
0x68: {  	_ =	shalt  }
0x69: {  	_ =	shalt  }
0x6a: {  	_ =	shalt  }
0x6b: {  	_ =	shalt  }
0x6c: {  	_ =	shalt  }
0x6d: {  	_ =	shalt  }
0x6e: {  	_ =	shalt  }
0x6f: {  	_ =	shalt  }
0x70: {  	_ =	shalt  }
0x71: {  	_ =	shalt  }
0x72: {  	_ =	shalt  }
0x73: {  	_ =	shalt  }
0x74: {  	_ =	shalt  }
0x75: {  	_ =	shalt  }
0x76: {  	_ =	shalt  }
0x77: {  	_ =	shalt  }
0x78: {  	_ =	shalt  }
0x79: {  	_ =	shalt  }
0x7a: {  	_ =	shalt  }
0x7b: {  	_ =	shalt  }
0x7c: {  	_ =	shalt  }
0x7d: {  	_ =	shalt  }
0x7e: {  	_ =	shalt  }
0x7f: {  	_ =	shalt  }
0x80: {  	_ =	shalt  }
0x81: {  	_ =	shalt  }
0x82: {  	_ =	shalt  }
0x83: {  	_ =	shalt  }
0x84: {  	_ =	shalt  }
0x85: {  	_ =	shalt  }
0x86: {  	_ =	shalt  }
0x87: {  	_ =	shalt  }
.Lfunc_end0:
.L_simem_size_0:
called_computation.2_lowered:
.L_overlay_start_0:
0x88: {  	s2 =	sld [smem:$0x3FD9]  }
0x89: {  	s3 =	sld [smem:$0x3FFE];
	_ =	sdelay $0x1  }
0x8a: {  	s1 =	srdreg.scid  }
0x8b: {  	s0 =	sand.u32 $0x1, s1  }
0x8c: {  	s17 =	sshll.u32 s0, $0xA;
	s2 =	sadd.s32 s3, s2  }
0x8d: {  	s2 =	sadd.s32 s2, s17  }
0x8e: {  	[smem:$0x3FC0] =	sst s2  }
0x8f: {  	_ = 	snop  }
0x90: {  	s2 =	sld [smem:$0x3FD0];
	(tm) =	ssettm $0x1  }
0x91: {  	s18 =	sld [smem:$0x3FFB];
	_ =	sdelay $0x3  }
0x92: {  	_ =	strace s18  }
0x93: {  	s3 =	sld [smem:$0x3FFC];
	_ =	sdelay $0x3  }
0x94: {  	_ =	strace s3  }
0x95: {  	s3 =	sld [smem:$0x3FFD];
	_ =	sdelay $0x3  }
0x96: {  	_ =	strace s3  }
0x97: {  	_ =	strace $0x8FFFFFFF  }
0x98: {  	s19 =	sld [smem:$0x3FDB];
	_ =	sdelay $0x1  }
0x99: {  	s4 =	simm.s32 $_scs_section_size  }
0x9a: {  	s5 =	simm.s32 $_size__tile_overlayer_lowered;
	s6 =	simm.s32 $_tile_overlayer_lowered  }
0x9b: {  	s22 =	simm.s32 $0x1BFF;
	s21 =	sshll.u32 s6, $0x1;
	s3 =	sadd.s32 s4, s19  }
0x9c: {  	s7 =	simm.s32 $0x0;
	s20 =	sshll.u32 s5, $0x1;
	s5 =	sadd.s32 s21, s3  }
0x9d: {  	[timem:s7], [sflag:s22] =	dma.local [hbm:s5], s20  }
0x9e: {  	_ =	swait.ge [sflag:s22], s20  }
0x9f: {  	s4 =	ssub.s32 $0x0, s20;
	[sflag:s22] =	ssyncset.done $0x0  }
0xa0: {  	[sflag:s22] =	ssyncadd.s32 s4;
	_ =	sdelay $0x1  }
0xa1: {  	s23 =	simm.s32 $0x1B8B  }
0xa2: {  	_ =	swait.ge [sflag:s23], $0x1  }
0xa3: {  	[sflag:s23] =	ssyncset.done $0x0  }
0xa4: {  	s25 =	simm.s32 $0x1B8E;
	s24 =	sld [smem:$0x3FFE];
	[sflag:s23] =	ssyncadd.s32 $0xFFFFFFFF  }
0xa5: {  	s26 =	simm.s32 $execute0_lowered;
	[smem:$0x3FD2] =	sst s25  }
0xa6: {  	s5 =	sshll.u32 s26, $0x1;
	_ =	strace $0x80000049;
	[dreg:$0x1] =	wrdreg $0xFFFFFFFF  }
0xa7: {  	s28 =	simm.s32 $_size_execute0_lowered;
	s3 =	sadd.s32 s3, s5;
	[dreg:$0x0] =	wrdreg $0x0  }
0xa8: {  	s5 =	sshll.u32 s28, $0x1;
	[dreg:$0x2] =	wrdreg s3  }
0xa9: {  	[dreg:$0x3] =	wrdreg s5  }
0xaa: {  	[dreg:$0x4] =	wrdreg $0xC0  }
0xab: {  	_ =	task [dreg:s7], $0x5FFFF  }
0xac: {  	[dreg:$0x1] =	wrdreg $0xFFFFFFFF  }
0xad: {  	[dreg:$0x0] =	wrdreg $0x60  }
0xae: {  	[dreg:$0x2] =	wrdreg s24  }
0xaf: {  	[dreg:$0x3] =	wrdreg s2  }
0xb0: {  	[dreg:$0x4] =	wrdreg $0x9  }
0xb1: {  	_ =	task.clear_ibuf [dreg:s7], $0x5FFFF;
	_ =	strace $0x90000049  }
0xb2: {  	s29 =	simm.s32 $0x9;
	_ =	strace $0x8000004B  }
0xb3: {  	_ =	swait.ge [sflag:s29], $0x1  }
0xb4: {  	[sflag:s29] =	ssyncadd.s32 $0xFFFFFFFF  }
0xb5: {  	_ =	strace $0x9000004B  }
0xb6: {  	_ =	sfence  }
0xb7: {  	s30 =	sld [smem:$0x0];
	_ =	sdelay $0x2  }
0xb8: {  	s31 =	sshll.u32 s1, $0xD;
	s1 =	sshrl.u32 s1, $0x2  }
0xb9: {  	s3 =	sand.u32 $0x4000, s31;
	s1 =	sadd.s32 s1, s30  }
0xba: {  	s0 =	sor.u32 s3, s0;
	s1 =	sshll.u32 s1, $0x11  }
0xbb: {  	s0 =	sor.u32 s1, s0  }
0xbc: {  	s0 =	sadd.s32 $0x8F2B, s0  }
0xbd: {  	[sflag:s0] =	ssyncadd.remote.s32 $0x1  }
0xbe: {  	_ =	sfence.sel $0xFFFF  }
0xbf: {  	[dreg:$0x0] =	wrdreg $0xFFFFFFFF;
	(pc) =	sbr.abs _section_cstart, $3  }
0xc0: {  	[dreg:$0x1] =	wrdreg $0xFFFFFFFF  }
0xc1: {  	_ =	task.clear_ibuf [dreg:s7], $0x2FFFF;
	_ =	strace $0x9FFFFFFF  }
0xc2: {  	(tm) =	ssettm $0x7FFFFFFF  }
0xc3: {  	_ =	shalt  }
tec
execute0_lowered:
.L_overlay_start_1:
0x0: {  	(tag) =	ssettag $0x1  }
0x1: {  	s0 =	rddreg [dreg:$0x0]  }
0x2: {  	s2 =	rddreg [dreg:$0x1]  }
0x3: {  	s3 =	simm.s32 $0x0;
	s1 =	srdreg.scid;
	s4 =	stileid.u32  }
0x4: {  	s18 =	simm.s32 $0x5;
	s19 =	simm.s32 $0x200;
	s25 =	simm.s32 $0x19800  }
0x5: {  	s26 =	simm.s32 $0x600;
	[smem:$0x7FF] =	sst s3;
	s1 =	sand.u32 $0x1, s1  }
0x6: {  	s4 =	sshll.u32 s4, $0x1;
	s5 =	sadd.s32 $0x806000, s0;
	s6 =	sadd.s32 $0x14E00, s0  }
0x7: {  	s7 =	sadd.s32 $0x64E00, s0;
	s8 =	sadd.s32 $0x2064E00, s0;
	s4 =	sor.u32 s1, s4  }
0x8: {  	v1 =	vimm.s32 $0x52741630;
	s11 =	sadd.s32 $0xC, s2;
	s12 =	sadd.s32 $0x6AC000, s2;
	s9 =	smul.u32 $0xC0, s4  }
.Ltmp0:
0x9: {  	v0 =	vlaneseq.u32;
	v2 =	vimm.s32 $0x63052741;
	s14 =	sadd.s32 $0x6AC00A, s2;
	s1 =	ssub.s32 $0x2, s1;
	(pc) =	sbr.rel .LBB2_1-.Ltmp0, $4  }
0xa: {  	v3 =	vimm.s32 $0x74163052;
	s15 =	sadd.s32 $0x6AC00C, s2;
	s16 =	sadd.s32 $0x833C00, s0;
	v0 =	vmul.u32 $0x3, v0;
	v1 =	vunpack.c.l.s4.s8 v1;
	s10 =	sshrl.u32 s1, $0x1  }
0xb: {  	v4 =	vunpack.c.l.s4.s8 v2;
	v5 =	vunpack.c.l.s4.s8 v3;
	_ =	strace $0x8000004A;
	s1 =	ssub.s32 s1, s10;
	s9 =	sadd.s32 s5, s9  }
0xc: {  	s13 =	sor.u32 $0x40, s4;
	v1 =	vunpack.c.0.s8.s32 v1;
	v2 =	vadd.s32 $0x1, v0;
	s31 =	smax.u32 s1, $0x1;
	[dreg:$0x3] =	wrdreg s9  }
0xd: {  	v3 =	vunpack.c.0.s8.s32 v4;
	v4 =	vadd.s32 $0x2, v0;
	v5 =	vunpack.c.0.s8.s32 v5;
	s10 =	sadd.s32 $0xA, s2;
	s1 =	simm.s32 $0x0;
	[dreg:$0x4] =	wrdreg s31  }
.LBB2_13:
0xe: {  	s1 =	rddreg [dreg:$0x5]  }
0xf: {  	s0 =	rddreg [dreg:$0x4];
	s1 =	sadd.s32 $0x1, s1  }
0x10: {  	p0 =	sne.s32 s1, s0  }
.Ltmp1:
0x11: {  	_ = 	snop;
	(pc) =	sbr.rel @!p0 .LBB2_14-.Ltmp1, $1  }
0x12: {  	_ =	sdelay $0x3  }
.LBB2_1:
0x13: {  	v6 =	vmov s3  }
0x14: {  	v6 =	vmul.u32 $0x3, v6;
	_ =	sdelay $0x1  }
0x15: {  	v6 =	vbroadcast v6, $0x0;
	_ =	sdelay $0x1  }
0x16: {  	v7 =	vadd.s32 v0, v6  }
0x17: {  	[dreg:$0x5] =	wrdreg s1;
	v8 =	vadd.s32 v2, v6;
	v7 =	vand.u32 $0xFFFFFFF8, v7  }
0x18: {  	s0 =	simm.s32 $0x10;
	s31 =	rddreg [dreg:$0x3];
	v6 =	vadd.s32 v4, v6;
	v8 =	vand.u32 $0xFFFFFFF8, v8;
	v7 =	vor.u32 v1, v7  }
0x19: {  	[tilespmem:s3], [sflag:$0x5] =	stream.linear.gather [hbm4b:s31+s3], $0x600, $0x38;
	v9 =	vmov s0;
	v6 =	vand.u32 $0xFFFFFFF8, v6;
	v8 =	vor.u32 v3, v8;
	[tilespmem:$0x1D800] =	vst v63  }
0x1a: {  	_ =	swait.ge [sflag:s18], $0x600;
	v12 =	vor.u32 v5, v6;
	v6 =	vmul.u32 $0x3, v9  }
0x1b: {  	[sflag:s18] =	ssyncset.done $0x0  }
0x1c: {  	[sflag:s18] =	ssyncadd.s32 $0xFFFFFA00;
	v9 =	vbroadcast v6, $0x0  }
0x1d: {  	s23 =	simm.s32 $0x20;
	v6 =	vld.idx.msk [tilespmem:v7+s3+$0x0], $0xffff  }
0x1e: {  	s9 =	simm.s32 $0x1010;
	s17 =	simm.s32 $0xC00;
	s20 =	simm.s32 $0xC00;
	v7 =	vadd.s32 v2, v9;
	v8 =	vld.idx.msk [tilespmem:v8+s3+$0x0], $0xffff  }
0x1f: {  	s28 =	simm.s32 $0xE00;
	s1 =	simm.s32 $0x1000;
	s0 =	simm.s32 $0xE00;
	v10 =	vadd.s32 v0, v9;
	v11 =	vand.u32 $0xFFFFFFF8, v7;
	v7 =	vadd.s32 v4, v9;
	v9 =	vld.idx.msk [tilespmem:v12+s3+$0x0], $0xffff  }
.LBB2_2:
0x20: {  	s17 =	sadd.s32 $0x10, s17  }
0x21: {  	v10 =	vand.u32 $0xFFFFFFF8, v10;
	v11 =	vor.u32 v3, v11;
	s0 =	sadd.s32 $0x10, s0;
	s22 =	smov.u32 s23;
	s21 =	sadd.s32 $0x10, s23  }
0x22: {  	p0 =	sne.s32 s23, $0x1F0;
	v7 =	vand.u32 $0xFFFFFFF8, v7;
	v10 =	vor.u32 v1, v10  }
0x23: {  	v12 =	vor.u32 v5, v7  }
0x24: {  	v6 =	vmul.f32 $5.000000000e-01, v6  }
0x25: {  	v7 =	vmul.f32 $5.000000000e-01, v8  }
0x26: {  	v6 =	vadd.f32 $5.000000000e-01, v6;
	v8 =	vmul.f32 $5.000000000e-01, v9  }
0x27: {  	v7 =	vadd.f32 $5.000000000e-01, v7  }
0x28: {  	v6 =	vmax.f32 v6, $0.0e+00;
	v8 =	vadd.f32 $5.000000000e-01, v8  }
0x29: {  	v6 =	vmin.f32 v6, $9.999989860e-01;
	v7 =	vmax.f32 v7, $0.0e+00  }
0x2a: {  	v7 =	vmin.f32 v7, $9.999989860e-01;
	v8 =	vmax.f32 v8, $0.0e+00;
	v6 =	vmul.f32 $3.200000000e+01, v6  }
0x2b: {  	v8 =	vmin.f32 v8, $9.999989860e-01;
	v7 =	vmul.f32 $3.200000000e+01, v7  }
0x2c: {  	v8 =	vmul.f32 $3.200000000e+01, v8;
	v9 =	vtrunc.f32 v6;
	v6 =	vadd.f32 v6, v6  }
0x2d: {  	v9 =	vcvt.f32.s32 v9;
	v13 =	vtrunc.f32 v7;
	v7 =	vadd.f32 v7, v7  }
0x2e: {  	v14 =	vadd.f32 v8, v8;
	v15 =	vtrunc.f32 v6;
	v6 =	vadd.f32 v6, v6  }
0x2f: {  	v13 =	vcvt.f32.s32 v13;
	v16 =	vtrunc.f32 v7;
	v7 =	vadd.f32 v7, v7  }
0x30: {  	v16 =	vcvt.f32.s32 v16;
	v17 =	vadd.f32 v14, v14;
	v6 =	vtrunc.f32 v6  }
0x31: {  	v8 =	vtrunc.f32 v8;
	v13 =	vshll.u32 v13, $0x5;
	v7 =	vtrunc.f32 v7  }
0x32: {  	v14 =	vtrunc.f32 v14;
	v16 =	vshll.u32 v16, $0x6;
	v7 =	vcvt.f32.s32 v7  }
0x33: {  	v8 =	vcvt.f32.s32 v8;
	v9 =	vadd.s32 v9, v13;
	v6 =	vcvt.f32.s32 v6  }
0x34: {  	v13 =	vcvt.f32.s32 v14;
	v7 =	vshll.u32 v7, $0x7  }
0x35: {  	v8 =	vshll.u32 v8, $0xA;
	v14 =	vcvt.f32.s32 v15;
	v15 =	vtrunc.f32 v17  }
0x36: {  	v8 =	vadd.s32 v8, v9;
	v9 =	vcvt.f32.s32 v15;
	v6 =	vadd.s32 v6, v7  }
0x37: {  	v13 =	vshll.u32 v13, $0xC;
	v7 =	vmov s22;
	[tilespmem:s20+$0x0] =	vst v8;
	v8 =	vadd.s32 v14, v16;
	s20 =	smov.u32 s17  }
0x38: {  	v9 =	vshll.u32 v9, $0xE;
	v7 =	vmul.u32 $0x3, v7;
	v8 =	vadd.s32 v13, v8  }
.Ltmp2:
0x39: {  	v6 =	vadd.s32 v9, v6;
	[tilespmem:s28+$0x0] =	vst v8;
	s28 =	smov.u32 s0;
	(pc) =	sbr.rel @p0 .LBB2_2-.Ltmp2, $4  }
0x3a: {  	v7 =	vbroadcast v7, $0x0;
	[tilespmem:s1+$0x0] =	vst v6;
	s1 =	smov.u32 s9  }
0x3b: {  	v6 =	vld.idx.msk [tilespmem:v10+s3+$0x0], $0xffff  }
0x3c: {  	v9 =	vadd.s32 v2, v7;
	v10 =	vadd.s32 v0, v7;
	v8 =	vld.idx.msk [tilespmem:v11+s3+$0x0], $0xffff  }
0x3d: {  	s23 =	smov.u32 s21;
	s9 =	sadd.s32 $0x10, s9;
	v7 =	vadd.s32 v4, v7;
	v11 =	vand.u32 $0xFFFFFFF8, v9;
	v9 =	vld.idx.msk [tilespmem:v12+s3+$0x0], $0xffff  }
0x3e: {  	_ =	sdelay $0x1  }
0x3f: {  	v6 =	vmul.f32 $5.000000000e-01, v6  }
0x40: {  	v8 =	vmul.f32 $5.000000000e-01, v8  }
0x41: {  	v9 =	vmul.f32 $5.000000000e-01, v9;
	v6 =	vadd.f32 $5.000000000e-01, v6  }
0x42: {  	v10 =	vand.u32 $0xFFFFFFF8, v10;
	v11 =	vor.u32 v3, v11;
	v8 =	vadd.f32 $5.000000000e-01, v8  }
0x43: {  	v7 =	vand.u32 $0xFFFFFFF8, v7;
	v9 =	vadd.f32 $5.000000000e-01, v9;
	v6 =	vmax.f32 v6, $0.0e+00  }
0x44: {  	v10 =	vor.u32 v1, v10;
	v8 =	vmax.f32 v8, $0.0e+00;
	v6 =	vmin.f32 v6, $9.999989860e-01  }
0x45: {  	v8 =	vmin.f32 v8, $9.999989860e-01;
	v9 =	vmax.f32 v9, $0.0e+00;
	v6 =	vmul.f32 $3.200000000e+01, v6  }
0x46: {  	v7 =	vor.u32 v5, v7;
	v9 =	vmin.f32 v9, $9.999989860e-01;
	v8 =	vmul.f32 $3.200000000e+01, v8  }
0x47: {  	v9 =	vmul.f32 $3.200000000e+01, v9;
	v12 =	vtrunc.f32 v6;
	v6 =	vadd.f32 v6, v6  }
0x48: {  	v13 =	vadd.f32 v8, v8;
	v12 =	vcvt.f32.s32 v12;
	v8 =	vtrunc.f32 v8  }
0x49: {  	v14 =	vadd.f32 v9, v9;
	v15 =	vtrunc.f32 v6;
	v8 =	vcvt.f32.s32 v8  }
0x4a: {  	v6 =	vadd.f32 v6, v6;
	v9 =	vtrunc.f32 v9;
	v16 =	vtrunc.f32 v13  }
0x4b: {  	v13 =	vadd.f32 v13, v13;
	v9 =	vcvt.f32.s32 v9;
	v47 =	vcvt.f32.s32 v15  }
0x4c: {  	v16 =	vcvt.f32.s32 v16;
	v6 =	vtrunc.f32 v6;
	v17 =	vadd.f32 v14, v14  }
0x4d: {  	v14 =	vtrunc.f32 v14;
	v8 =	vshll.u32 v8, $0x5;
	v13 =	vtrunc.f32 v13  }
0x4e: {  	v6 =	vcvt.f32.s32 v6;
	v14 =	vcvt.f32.s32 v14;
	v8 =	vadd.s32 v12, v8  }
0x4f: {  	v9 =	vshll.u32 v9, $0xA;
	v13 =	vcvt.f32.s32 v13;
	v48 =	vtrunc.f32 v17  }
0x50: {  	v16 =	vshll.u32 v16, $0x6;
	v8 =	vadd.s32 v9, v8;
	v15 =	vcvt.f32.s32 v48  }
0x51: {  	v49 =	vadd.s32 v47, v16;
	v50 =	vshll.u32 v14, $0xC;
	v13 =	vshll.u32 v13, $0x7  }
0x52: {  	[tilespmem:s20+$0x0] =	vst v8;
	v51 =	vadd.s32 v50, v49;
	v6 =	vadd.s32 v6, v13;
	v52 =	vshll.u32 v15, $0xE  }
0x53: {  	[tilespmem:s28+$0x0] =	vst v51;
	v6 =	vadd.s32 v52, v6  }
0x54: {  	[tilespmem:s1+$0x0] =	vst v6  }
0x55: {  	v6 =	vld.idx.msk [tilespmem:v10+s3+$0x0], $0xffff  }
0x56: {  	v8 =	vld.idx.msk [tilespmem:v11+s3+$0x0], $0xffff  }
0x57: {  	v7 =	vld.idx.msk [tilespmem:v7+s3+$0x0], $0xffff;
	_ =	sdelay $0x3  }
0x58: {  	v6 =	vmul.f32 $5.000000000e-01, v6;
	v8 =	vmul.f32 $5.000000000e-01, v8  }
0x59: {  	v7 =	vmul.f32 $5.000000000e-01, v7  }
0x5a: {  	v6 =	vadd.f32 $5.000000000e-01, v6;
	v8 =	vadd.f32 $5.000000000e-01, v8  }
0x5b: {  	v7 =	vadd.f32 $5.000000000e-01, v7  }
0x5c: {  	v6 =	vmax.f32 v6, $0.0e+00;
	v8 =	vmax.f32 v8, $0.0e+00  }
0x5d: {  	v7 =	vmax.f32 v7, $0.0e+00;
	v6 =	vmin.f32 v6, $9.999989860e-01;
	v8 =	vmin.f32 v8, $9.999989860e-01  }
0x5e: {  	v7 =	vmin.f32 v7, $9.999989860e-01;
	v6 =	vmul.f32 $3.200000000e+01, v6;
	v8 =	vmul.f32 $3.200000000e+01, v8  }
0x5f: {  	v7 =	vmul.f32 $3.200000000e+01, v7  }
0x60: {  	v53 =	vtrunc.f32 v6;
	v6 =	vadd.f32 v6, v6;
	v54 =	vadd.f32 v8, v8  }
0x61: {  	v8 =	vtrunc.f32 v8;
	v55 =	vadd.f32 v7, v7;
	v7 =	vtrunc.f32 v7  }
0x62: {  	v9 =	vcvt.f32.s32 v53;
	v8 =	vcvt.f32.s32 v8  }
0x63: {  	v7 =	vcvt.f32.s32 v7;
	v56 =	vtrunc.f32 v6;
	v6 =	vadd.f32 v6, v6  }
0x64: {  	v57 =	vtrunc.f32 v54;
	v10 =	vadd.f32 v54, v54;
	v58 =	vadd.f32 v55, v55  }
0x65: {  	v11 =	vtrunc.f32 v55;
	v13 =	vcvt.f32.s32 v57;
	v8 =	vshll.u32 v8, $0x5  }
0x66: {  	v11 =	vcvt.f32.s32 v11;
	v59 =	vcvt.f32.s32 v56;
	v7 =	vshll.u32 v7, $0xA  }
0x67: {  	v6 =	vtrunc.f32 v6;
	v10 =	vtrunc.f32 v10;
	v8 =	vadd.s32 v9, v8  }
0x68: {  	v60 =	vtrunc.f32 v58;
	v10 =	vcvt.f32.s32 v10;
	v13 =	vshll.u32 v13, $0x6  }
0x69: {  	v6 =	vcvt.f32.s32 v6;
	v12 =	vcvt.f32.s32 v60;
	v7 =	vadd.s32 v7, v8  }
0x6a: {  	s23 =	sadd.s32 $0x10, s17;
	v62 =	vshll.u32 v11, $0xC;
	v61 =	vadd.s32 v59, v13;
	v10 =	vshll.u32 v10, $0x7  }
0x6b: {  	s0 =	sadd.s32 $0x10, s0;
	[tilespmem:s23+$0x0] =	vst v7;
	v7 =	vadd.s32 v62, v61;
	v63 =	vshll.u32 v12, $0xE;
	v6 =	vadd.s32 v6, v10  }
0x6c: {  	[tilespmem:s0+$0x0] =	vst v7;
	v6 =	vadd.s32 v63, v6  }
0x6d: {  	s24 =	simm.s32 $0xC00;
	s28 =	simm.s32 $0x1800;
	[tilespmem:s9+$0x0] =	vst v6  }
0x6e: {  	[tilespmem:s28], [sflag:$0x1] =	stream.indirect.gather [hbm4b:s6+s19], $0x50, s24, s19, $0xb8;
	[tilespmem:$0x1D800] =	vst v63  }
.Ltmp3:
0x6f: {  	_ = 	snop;
	(pc) =	sbr.rel .LBB2_4-.Ltmp3, $4  }
0x70: {  	s29 =	simm.s32 $0xE00;
	s30 =	simm.s32 $0x15800  }
0x71: {  	[tilespmem:s30], [sflag:$0x1] =	stream.indirect.gather [hbm4b:s7+s19], $0x10, s29, s19, $0xb8;
	[tilespmem:$0x1D800] =	vst v63  }
0x72: {  	s31 =	simm.s32 $0x1000;
	s17 =	simm.s32 $0x0  }
0x73: {  	[tilespmem:s25], [sflag:$0x1] =	stream.indirect.gather [hbm4b:s8+s19], $0x10, s31, s19, $0xb8;
	[tilespmem:$0x1D800] =	vst v63  }
.LBB2_12:
0x74: {  	s0 =	simm.s32 @!p0 $0x2  }
0x75: {  	_ =	swait.ge @!p0 [sflag:s0], $0xA000  }
0x76: {  	[sflag:s0] =	ssyncset.done @!p0 $0x0  }
0x77: {  	[sflag:s0] =	ssyncadd.s32 @!p0 $0xFFFF6000  }
0x78: {  	_ =	swait.ge @!p0 [sflag:s0], $0x2000  }
0x79: {  	[sflag:s0] =	ssyncset.done @!p0 $0x0  }
0x7a: {  	[sflag:s0] =	ssyncadd.s32 @!p0 $0xFFFFE000  }
0x7b: {  	s1 =	smul.u32 @!p0 $0x1C00, s9;
	_ =	swait.ge @!p0 [sflag:s0], $0x2000  }
0x7c: {  	s9 =	simm.s32 @!p0 $0x50;
	s20 =	simm.s32 @!p0 $0x70;
	[sflag:s0] =	ssyncset.done @!p0 $0x0  }
0x7d: {  	s21 =	simm.s32 @!p0 $0xB800;
	[sflag:s0] =	ssyncadd.s32 @!p0 $0xFFFFE000;
	s0 =	sadd.s32 @!p0 s2, s1  }
0x7e: {  	[hbm4b:s0+s9] =	stream.strided.scatter @!p0 [tilespmem:s21], [sflag:$0x4], $0xA000, s20, s9, $0x38;
	[tilespmem:$0x1D800] =	vst v63  }
0x7f: {  	s0 =	sadd.s32 @!p0 s1, s10;
	s9 =	simm.s32 @!p0 $0x10;
	s21 =	simm.s32 @!p0 $0x17800  }
0x80: {  	[hbm4b:s0+s9] =	stream.strided.scatter @!p0 [tilespmem:s21], [sflag:$0x4], $0x2000, s20, s9, $0x38;
	[tilespmem:$0x1D800] =	vst v63  }
0x81: {  	s17 =	sadd.s32 $0x1, s17;
	s0 =	sadd.s32 @!p0 s1, s11;
	s1 =	simm.s32 @!p0 $0x1B800  }
0x82: {  	[hbm4b:s0+s9] =	stream.strided.scatter @!p0 [tilespmem:s1], [sflag:$0x4], $0x2000, s20, s9, $0x38;
	[tilespmem:$0x1D800] =	vst v63  }
0x83: {  	p0 =	sne.s32 s17, $0x10  }
.Ltmp4:
0x84: {  	_ = 	snop;
	(pc) =	sbr.rel @!p0 .LBB2_13-.Ltmp4, $1  }
0x85: {  	_ =	sdelay $0x3  }
.LBB2_4:
0x86: {  	p1 =	seq.s32 s17, $0x0  }
0x87: {  	s0 =	simm.s32 @!p1 $0x4  }
0x88: {  	s28 =	sshll.u32 s17, $0x6;
	_ =	swait.ge @!p1 [sflag:s0], $0xA000  }
0x89: {  	s29 =	sor.u32 s4, s28;
	[sflag:s0] =	ssyncset.done @!p1 $0x0  }
0x8a: {  	s9 =	sor.u32 $0x20, s29;
	[sflag:s0] =	ssyncadd.s32 @!p1 $0xFFFF6000  }
0x8b: {  	p0 =	sgt.u32 s9, $0x3D0;
	_ =	swait.ge @!p1 [sflag:s0], $0x2000  }
.Ltmp5:
0x8c: {  	[sflag:s0] =	ssyncset.done @!p1 $0x0;
	(pc) =	sbr.rel @p0 .LBB2_8-.Ltmp5, $4  }
0x8d: {  	[sflag:s0] =	ssyncadd.s32 @!p1 $0xFFFFE000  }
0x8e: {  	_ =	swait.ge @!p1 [sflag:s0], $0x2000  }
0x8f: {  	[sflag:s0] =	ssyncset.done @!p1 $0x0  }
0x90: {  	[sflag:s0] =	ssyncadd.s32 @!p1 $0xFFFFE000  }
0x91: {  	s0 =	simm.s32 $0x0  }
0x92: {  	v6 =	vmov s0  }
0x93: {  	v6 =	vmul.u32 $0x3, v6;
	_ =	sdelay $0x1  }
0x94: {  	v6 =	vbroadcast v6, $0x0;
	_ =	sdelay $0x1  }
0x95: {  	s1 =	smul.u32 $0xC0, s9;
	v7 =	vadd.s32 v0, v6  }
0x96: {  	v8 =	vadd.s32 v2, v6;
	v7 =	vand.u32 $0xFFFFFFF8, v7  }
0x97: {  	s20 =	simm.s32 $0x10;
	s1 =	sadd.s32 s5, s1;
	v6 =	vadd.s32 v4, v6;
	v8 =	vand.u32 $0xFFFFFFF8, v8;
	v7 =	vor.u32 v1, v7  }
0x98: {  	v9 =	vmov s20;
	[tilespmem:s26], [sflag:$0x5] =	stream.linear.gather [hbm4b:s1+s0], $0x600, $0x38;
	v6 =	vand.u32 $0xFFFFFFF8, v6;
	v8 =	vor.u32 v3, v8;
	[tilespmem:$0x1D800] =	vst v63  }
0x99: {  	_ =	swait.ge [sflag:s18], $0x600;
	v12 =	vor.u32 v5, v6;
	v6 =	vmul.u32 $0x3, v9  }
0x9a: {  	[sflag:s18] =	ssyncset.done $0x0  }
0x9b: {  	[sflag:s18] =	ssyncadd.s32 $0xFFFFFA00;
	v9 =	vbroadcast v6, $0x0  }
0x9c: {  	s31 =	simm.s32 $0x1200;
	v6 =	vld.idx.msk [tilespmem:v7+s26+$0x0], $0xffff  }
0x9d: {  	s30 =	simm.s32 $0x1400;
	s22 =	simm.s32 $0x20;
	s21 =	simm.s32 $0x1200;
	v7 =	vadd.s32 v2, v9;
	v8 =	vld.idx.msk [tilespmem:v8+s26+$0x0], $0xffff  }
0x9e: {  	s20 =	simm.s32 $0x1400;
	s1 =	simm.s32 $0x1600;
	s0 =	simm.s32 $0x1610;
	v10 =	vadd.s32 v0, v9;
	v11 =	vand.u32 $0xFFFFFFF8, v7;
	v7 =	vadd.s32 v4, v9;
	v9 =	vld.idx.msk [tilespmem:v12+s26+$0x0], $0xffff  }
.LBB2_6:
0x9f: {  	s31 =	sadd.s32 $0x10, s31  }
0xa0: {  	v10 =	vand.u32 $0xFFFFFFF8, v10;
	v11 =	vor.u32 v3, v11;
	s30 =	sadd.s32 $0x10, s30;
	s23 =	smov.u32 s22;
	s24 =	sadd.s32 $0x10, s22  }
0xa1: {  	p1 =	sne.s32 s22, $0x1F0;
	v7 =	vand.u32 $0xFFFFFFF8, v7;
	v10 =	vor.u32 v1, v10  }
0xa2: {  	v12 =	vor.u32 v5, v7  }
0xa3: {  	v6 =	vmul.f32 $5.000000000e-01, v6  }
0xa4: {  	v7 =	vmul.f32 $5.000000000e-01, v8  }
0xa5: {  	v6 =	vadd.f32 $5.000000000e-01, v6;
	v8 =	vmul.f32 $5.000000000e-01, v9  }
0xa6: {  	v7 =	vadd.f32 $5.000000000e-01, v7  }
0xa7: {  	v6 =	vmax.f32 v6, $0.0e+00;
	v8 =	vadd.f32 $5.000000000e-01, v8  }
0xa8: {  	v6 =	vmin.f32 v6, $9.999989860e-01;
	v7 =	vmax.f32 v7, $0.0e+00  }
0xa9: {  	v7 =	vmin.f32 v7, $9.999989860e-01;
	v8 =	vmax.f32 v8, $0.0e+00;
	v6 =	vmul.f32 $3.200000000e+01, v6  }
0xaa: {  	v8 =	vmin.f32 v8, $9.999989860e-01;
	v7 =	vmul.f32 $3.200000000e+01, v7  }
0xab: {  	v8 =	vmul.f32 $3.200000000e+01, v8;
	v9 =	vtrunc.f32 v6;
	v6 =	vadd.f32 v6, v6  }
0xac: {  	v9 =	vcvt.f32.s32 v9;
	v13 =	vtrunc.f32 v7;
	v7 =	vadd.f32 v7, v7  }
0xad: {  	v14 =	vadd.f32 v8, v8;
	v15 =	vtrunc.f32 v6;
	v6 =	vadd.f32 v6, v6  }
0xae: {  	v13 =	vcvt.f32.s32 v13;
	v16 =	vtrunc.f32 v7;
	v7 =	vadd.f32 v7, v7  }
0xaf: {  	v16 =	vcvt.f32.s32 v16;
	v17 =	vadd.f32 v14, v14;
	v6 =	vtrunc.f32 v6  }
0xb0: {  	v8 =	vtrunc.f32 v8;
	v13 =	vshll.u32 v13, $0x5;
	v7 =	vtrunc.f32 v7  }
0xb1: {  	v14 =	vtrunc.f32 v14;
	v16 =	vshll.u32 v16, $0x6;
	v7 =	vcvt.f32.s32 v7  }
0xb2: {  	v8 =	vcvt.f32.s32 v8;
	v9 =	vadd.s32 v9, v13;
	v6 =	vcvt.f32.s32 v6  }
0xb3: {  	v13 =	vcvt.f32.s32 v14;
	v7 =	vshll.u32 v7, $0x7  }
0xb4: {  	v8 =	vshll.u32 v8, $0xA;
	v14 =	vcvt.f32.s32 v15;
	v15 =	vtrunc.f32 v17  }
0xb5: {  	v8 =	vadd.s32 v8, v9;
	v9 =	vcvt.f32.s32 v15;
	v6 =	vadd.s32 v6, v7  }
0xb6: {  	v13 =	vshll.u32 v13, $0xC;
	v7 =	vmov s23;
	[tilespmem:s21+$0x0] =	vst v8;
	v8 =	vadd.s32 v14, v16;
	s21 =	smov.u32 s31  }
0xb7: {  	v9 =	vshll.u32 v9, $0xE;
	v7 =	vmul.u32 $0x3, v7;
	v8 =	vadd.s32 v13, v8  }
.Ltmp6:
0xb8: {  	v6 =	vadd.s32 v9, v6;
	[tilespmem:s20+$0x0] =	vst v8;
	s20 =	smov.u32 s30;
	(pc) =	sbr.rel @p1 .LBB2_6-.Ltmp6, $4  }
0xb9: {  	v7 =	vbroadcast v7, $0x0;
	[tilespmem:s1+$0x0] =	vst v6;
	s1 =	smov.u32 s0  }
0xba: {  	v6 =	vld.idx.msk [tilespmem:v10+s26+$0x0], $0xffff  }
0xbb: {  	v9 =	vadd.s32 v2, v7;
	v10 =	vadd.s32 v0, v7;
	v8 =	vld.idx.msk [tilespmem:v11+s26+$0x0], $0xffff  }
0xbc: {  	s22 =	smov.u32 s24;
	s0 =	sadd.s32 $0x10, s0;
	v7 =	vadd.s32 v4, v7;
	v11 =	vand.u32 $0xFFFFFFF8, v9;
	v9 =	vld.idx.msk [tilespmem:v12+s26+$0x0], $0xffff  }
0xbd: {  	_ =	sdelay $0x1  }
0xbe: {  	v6 =	vmul.f32 $5.000000000e-01, v6  }
0xbf: {  	v8 =	vmul.f32 $5.000000000e-01, v8  }
0xc0: {  	v9 =	vmul.f32 $5.000000000e-01, v9;
	v6 =	vadd.f32 $5.000000000e-01, v6  }
0xc1: {  	v10 =	vand.u32 $0xFFFFFFF8, v10;
	v11 =	vor.u32 v3, v11;
	v8 =	vadd.f32 $5.000000000e-01, v8  }
0xc2: {  	v7 =	vand.u32 $0xFFFFFFF8, v7;
	v9 =	vadd.f32 $5.000000000e-01, v9;
	v6 =	vmax.f32 v6, $0.0e+00  }
0xc3: {  	v10 =	vor.u32 v1, v10;
	v8 =	vmax.f32 v8, $0.0e+00;
	v6 =	vmin.f32 v6, $9.999989860e-01  }
0xc4: {  	v8 =	vmin.f32 v8, $9.999989860e-01;
	v9 =	vmax.f32 v9, $0.0e+00;
	v6 =	vmul.f32 $3.200000000e+01, v6  }
0xc5: {  	v7 =	vor.u32 v5, v7;
	v9 =	vmin.f32 v9, $9.999989860e-01;
	v8 =	vmul.f32 $3.200000000e+01, v8  }
0xc6: {  	v9 =	vmul.f32 $3.200000000e+01, v9;
	v12 =	vtrunc.f32 v6;
	v6 =	vadd.f32 v6, v6  }
0xc7: {  	v13 =	vadd.f32 v8, v8;
	v12 =	vcvt.f32.s32 v12;
	v8 =	vtrunc.f32 v8  }
0xc8: {  	v14 =	vadd.f32 v9, v9;
	v15 =	vtrunc.f32 v6;
	v8 =	vcvt.f32.s32 v8  }
0xc9: {  	v6 =	vadd.f32 v6, v6;
	v9 =	vtrunc.f32 v9;
	v16 =	vtrunc.f32 v13  }
0xca: {  	v13 =	vadd.f32 v13, v13;
	v9 =	vcvt.f32.s32 v9;
	v47 =	vcvt.f32.s32 v15  }
0xcb: {  	v16 =	vcvt.f32.s32 v16;
	v6 =	vtrunc.f32 v6;
	v17 =	vadd.f32 v14, v14  }
0xcc: {  	v14 =	vtrunc.f32 v14;
	v8 =	vshll.u32 v8, $0x5;
	v13 =	vtrunc.f32 v13  }
0xcd: {  	v6 =	vcvt.f32.s32 v6;
	v14 =	vcvt.f32.s32 v14;
	v8 =	vadd.s32 v12, v8  }
0xce: {  	v9 =	vshll.u32 v9, $0xA;
	v13 =	vcvt.f32.s32 v13;
	v48 =	vtrunc.f32 v17  }
0xcf: {  	v16 =	vshll.u32 v16, $0x6;
	v8 =	vadd.s32 v9, v8;
	v15 =	vcvt.f32.s32 v48  }
0xd0: {  	v49 =	vadd.s32 v47, v16;
	v50 =	vshll.u32 v14, $0xC;
	v13 =	vshll.u32 v13, $0x7  }
0xd1: {  	[tilespmem:s21+$0x0] =	vst v8;
	v51 =	vadd.s32 v50, v49;
	v6 =	vadd.s32 v6, v13;
	v52 =	vshll.u32 v15, $0xE  }
0xd2: {  	[tilespmem:s20+$0x0] =	vst v51;
	v6 =	vadd.s32 v52, v6  }
0xd3: {  	[tilespmem:s1+$0x0] =	vst v6  }
0xd4: {  	v6 =	vld.idx.msk [tilespmem:v10+s26+$0x0], $0xffff  }
0xd5: {  	v8 =	vld.idx.msk [tilespmem:v11+s26+$0x0], $0xffff  }
0xd6: {  	v7 =	vld.idx.msk [tilespmem:v7+s26+$0x0], $0xffff;
	_ =	sdelay $0x3  }
0xd7: {  	v6 =	vmul.f32 $5.000000000e-01, v6;
	v8 =	vmul.f32 $5.000000000e-01, v8  }
0xd8: {  	v7 =	vmul.f32 $5.000000000e-01, v7  }
0xd9: {  	v6 =	vadd.f32 $5.000000000e-01, v6;
	v8 =	vadd.f32 $5.000000000e-01, v8  }
0xda: {  	v7 =	vadd.f32 $5.000000000e-01, v7  }
0xdb: {  	v6 =	vmax.f32 v6, $0.0e+00;
	v8 =	vmax.f32 v8, $0.0e+00  }
0xdc: {  	v7 =	vmax.f32 v7, $0.0e+00;
	v6 =	vmin.f32 v6, $9.999989860e-01;
	v8 =	vmin.f32 v8, $9.999989860e-01  }
0xdd: {  	v7 =	vmin.f32 v7, $9.999989860e-01;
	v6 =	vmul.f32 $3.200000000e+01, v6;
	v8 =	vmul.f32 $3.200000000e+01, v8  }
0xde: {  	v7 =	vmul.f32 $3.200000000e+01, v7  }
0xdf: {  	v53 =	vtrunc.f32 v6;
	v6 =	vadd.f32 v6, v6;
	v54 =	vadd.f32 v8, v8  }
0xe0: {  	v8 =	vtrunc.f32 v8;
	v55 =	vadd.f32 v7, v7;
	v7 =	vtrunc.f32 v7  }
0xe1: {  	v9 =	vcvt.f32.s32 v53;
	v8 =	vcvt.f32.s32 v8  }
0xe2: {  	v7 =	vcvt.f32.s32 v7;
	v56 =	vtrunc.f32 v6;
	v6 =	vadd.f32 v6, v6  }
0xe3: {  	v57 =	vtrunc.f32 v54;
	v10 =	vadd.f32 v54, v54;
	v58 =	vadd.f32 v55, v55  }
0xe4: {  	v11 =	vtrunc.f32 v55;
	v13 =	vcvt.f32.s32 v57;
	v8 =	vshll.u32 v8, $0x5  }
0xe5: {  	v11 =	vcvt.f32.s32 v11;
	v59 =	vcvt.f32.s32 v56;
	v7 =	vshll.u32 v7, $0xA  }
0xe6: {  	v6 =	vtrunc.f32 v6;
	v10 =	vtrunc.f32 v10;
	v8 =	vadd.s32 v9, v8  }
0xe7: {  	v60 =	vtrunc.f32 v58;
	v10 =	vcvt.f32.s32 v10;
	v13 =	vshll.u32 v13, $0x6  }
0xe8: {  	v6 =	vcvt.f32.s32 v6;
	v12 =	vcvt.f32.s32 v60;
	v7 =	vadd.s32 v7, v8  }
0xe9: {  	s24 =	sadd.s32 $0x10, s31;
	v62 =	vshll.u32 v11, $0xC;
	v61 =	vadd.s32 v59, v13;
	v10 =	vshll.u32 v10, $0x7  }
0xea: {  	s31 =	sadd.s32 $0x10, s30;
	[tilespmem:s24+$0x0] =	vst v7;
	v7 =	vadd.s32 v62, v61;
	v63 =	vshll.u32 v12, $0xE;
	v6 =	vadd.s32 v6, v10  }
0xeb: {  	[tilespmem:s31+$0x0] =	vst v7;
	v6 =	vadd.s32 v63, v6  }
0xec: {  	s22 =	simm.s32 $0xB800;
	s21 =	simm.s32 $0x1200;
	[tilespmem:s0+$0x0] =	vst v6  }
0xed: {  	[tilespmem:s22], [sflag:$0x2] =	stream.indirect.gather [hbm4b:s6+s19], $0x50, s21, s19, $0xb8;
	[tilespmem:$0x1D800] =	vst v63  }
0xee: {  	s23 =	simm.s32 $0x1400;
	s24 =	simm.s32 $0x17800  }
0xef: {  	[tilespmem:s24], [sflag:$0x2] =	stream.indirect.gather [hbm4b:s7+s19], $0x10, s23, s19, $0xb8;
	[tilespmem:$0x1D800] =	vst v63  }
0xf0: {  	s30 =	simm.s32 $0x1600;
	s31 =	simm.s32 $0x1B800  }
0xf1: {  	[tilespmem:s31], [sflag:$0x2] =	stream.indirect.gather [hbm4b:s8+s19], $0x10, s30, s19, $0xb8;
	[tilespmem:$0x1D800] =	vst v63  }
.LBB2_8:
0xf2: {  	p1 =	sgt.u32 s29, $0x3D0  }
0xf3: {  	s0 =	simm.s32 @!p1 $0x1  }
0xf4: {  	_ =	swait.ge @!p1 [sflag:s0], $0xA000  }
0xf5: {  	[sflag:s0] =	ssyncset.done @!p1 $0x0  }
0xf6: {  	[sflag:s0] =	ssyncadd.s32 @!p1 $0xFFFF6000  }
0xf7: {  	_ =	swait.ge @!p1 [sflag:s0], $0x2000  }
0xf8: {  	[sflag:s0] =	ssyncset.done @!p1 $0x0  }
0xf9: {  	p3 =	seq.s32 @!p1 s29, $0x3D0;
	[sflag:s0] =	ssyncadd.s32 @!p1 $0xFFFFE000  }
0xfa: {  	p2 =	por !p3, p1;
	_ =	swait.ge @!p1 [sflag:s0], $0x2000  }
0xfb: {  	s1 =	simm.s32 @!p2 $0x70;
	[sflag:s0] =	ssyncset.done @!p1 $0x0  }
0xfc: {  	s20 =	simm.s32 @!p2 $0x1800;
	[sflag:s0] =	ssyncadd.s32 @!p1 $0xFFFFE000;
	s0 =	simm.s32 @!p2 $0x50  }
0xfd: {  	[hbm4b:s12+s0] =	stream.strided.scatter @!p2 [tilespmem:s20], [sflag:$0x3], $0x5A00, s1, s0, $0x38;
	[tilespmem:$0x1D800] =	vst v63  }
0xfe: {  	s0 =	simm.s32 @!p2 $0x10;
	s20 =	simm.s32 @!p2 $0x15800  }
0xff: {  	[hbm4b:s14+s0] =	stream.strided.scatter @!p2 [tilespmem:s20], [sflag:$0x3], $0x1200, s1, s0, $0x38;
	[tilespmem:$0x1D800] =	vst v63  }
0x100: {  	s20 =	simm.s32 @!p2 $0x19800  }
0x101: {  	[hbm4b:s15+s0] =	stream.strided.scatter @!p2 [tilespmem:s20], [sflag:$0x3], $0x1200, s1, s0, $0x38;
	[tilespmem:$0x1D800] =	vst v63  }
0x102: {  	s0 =	simm.s32 @!p2 $0x3  }
0x103: {  	_ =	swait.ge @!p2 [sflag:s0], $0x5A00  }
0x104: {  	[sflag:s0] =	ssyncset.done @!p2 $0x0  }
0x105: {  	[sflag:s0] =	ssyncadd.s32 @!p2 $0xFFFFA600  }
0x106: {  	_ =	swait.ge @!p2 [sflag:s0], $0x1200  }
0x107: {  	[sflag:s0] =	ssyncset.done @!p2 $0x0  }
0x108: {  	p1 =	por p3, p1;
	[sflag:s0] =	ssyncadd.s32 @!p2 $0xFFFFEE00  }
0x109: {  	s1 =	smul.u32 @!p1 $0x1C00, s29;
	_ =	swait.ge @!p2 [sflag:s0], $0x1200  }
0x10a: {  	s21 =	simm.s32 @!p1 $0x70;
	s22 =	simm.s32 @!p1 $0x1800;
	[sflag:s0] =	ssyncset.done @!p2 $0x0  }
0x10b: {  	s20 =	simm.s32 @!p1 $0x50;
	[sflag:s0] =	ssyncadd.s32 @!p2 $0xFFFFEE00;
	s0 =	sadd.s32 @!p1 s2, s1  }
0x10c: {  	[hbm4b:s0+s20] =	stream.strided.scatter @!p1 [tilespmem:s22], [sflag:$0x3], $0xA000, s21, s20, $0x38;
	[tilespmem:$0x1D800] =	vst v63  }
0x10d: {  	s0 =	sadd.s32 @!p1 s1, s10;
	s20 =	simm.s32 @!p1 $0x10;
	s22 =	simm.s32 @!p1 $0x15800  }
0x10e: {  	[hbm4b:s0+s20] =	stream.strided.scatter @!p1 [tilespmem:s22], [sflag:$0x3], $0x2000, s21, s20, $0x38;
	[tilespmem:$0x1D800] =	vst v63  }
0x10f: {  	s0 =	sadd.s32 @!p1 s1, s11;
	s1 =	simm.s32 @!p1 $0x19800  }
0x110: {  	[hbm4b:s0+s20] =	stream.strided.scatter @!p1 [tilespmem:s1], [sflag:$0x3], $0x2000, s21, s20, $0x38;
	[tilespmem:$0x1D800] =	vst v63  }
0x111: {  	s1 =	simm.s32 @!p1 $0x3  }
0x112: {  	_ =	swait.ge @!p1 [sflag:s1], $0xA000  }
0x113: {  	[sflag:s1] =	ssyncset.done @!p1 $0x0  }
0x114: {  	s0 =	sadd.s32 s13, s28;
	[sflag:s1] =	ssyncadd.s32 @!p1 $0xFFFF6000  }
0x115: {  	p2 =	sgt.u32 s0, $0x3D0;
	_ =	swait.ge @!p1 [sflag:s1], $0x2000  }
.Ltmp7:
0x116: {  	[sflag:s1] =	ssyncset.done @!p1 $0x0;
	(pc) =	sbr.rel @p2 .LBB2_12-.Ltmp7, $4  }
0x117: {  	[sflag:s1] =	ssyncadd.s32 @!p1 $0xFFFFE000  }
0x118: {  	_ =	swait.ge @!p1 [sflag:s1], $0x2000  }
0x119: {  	[sflag:s1] =	ssyncset.done @!p1 $0x0  }
0x11a: {  	[sflag:s1] =	ssyncadd.s32 @!p1 $0xFFFFE000  }
0x11b: {  	s1 =	simm.s32 $0x0  }
0x11c: {  	v6 =	vmov s1  }
0x11d: {  	p1 =	seq.s32 s0, $0x3D0;
	v6 =	vmul.u32 $0x3, v6  }
0x11e: {  	s20 =	simm.s32 @p1 $0x0;
	s1 =	simm.s32 @p1 $0x5  }
0x11f: {  	[tilespmem:s20], [sflag:$0x5] =	stream.linear.gather @p1 [hbm4b:s16+s20], $0x360, $0x38;
	v6 =	vbroadcast v6, $0x0;
	[tilespmem:$0x1D800] =	vst v63  }
0x120: {  	s0 =	smul.u32 @!p1 $0xC0, s0;
	_ =	swait.ge @p1 [sflag:s1], $0x360  }
0x121: {  	s31 =	simm.s32 $0x10;
	[sflag:s1] =	ssyncset.done @p1 $0x0;
	v7 =	vadd.s32 v0, v6  }
0x122: {  	s0 =	sadd.s32 @!p1 s5, s0;
	[sflag:s1] =	ssyncadd.s32 @p1 $0xFFFFFCA0;
	s1 =	simm.s32 @!p1 $0x0;
	v8 =	vadd.s32 v2, v6;
	v7 =	vand.u32 $0xFFFFFFF8, v7  }
0x123: {  	[tilespmem:s1], [sflag:$0x5] =	stream.linear.gather @!p1 [hbm4b:s0+s1], $0x600, $0x38;
	v6 =	vadd.s32 v4, v6;
	v8 =	vand.u32 $0xFFFFFFF8, v8;
	v7 =	vor.u32 v1, v7;
	[tilespmem:$0x1D800] =	vst v63  }
0x124: {  	v9 =	vmov s31;
	s1 =	simm.s32 @!p1 $0x5;
	v6 =	vand.u32 $0xFFFFFFF8, v6;
	v8 =	vor.u32 v3, v8  }
0x125: {  	_ =	swait.ge @!p1 [sflag:s1], $0x600;
	v12 =	vor.u32 v5, v6;
	v6 =	vmul.u32 $0x3, v9  }
0x126: {  	[sflag:s1] =	ssyncset.done @!p1 $0x0  }
0x127: {  	[sflag:s1] =	ssyncadd.s32 @!p1 $0xFFFFFA00;
	v9 =	vbroadcast v6, $0x0  }
0x128: {  	s28 =	simm.s32 $0xE00;
	v6 =	vld.idx.msk [tilespmem:v7+s3+$0x0], $0xffff  }
0x129: {  	s24 =	simm.s32 $0x20;
	s29 =	simm.s32 $0x1010;
	s21 =	simm.s32 $0xC00;
	v7 =	vadd.s32 v2, v9;
	v8 =	vld.idx.msk [tilespmem:v8+s3+$0x0], $0xffff  }
0x12a: {  	s20 =	simm.s32 $0xE00;
	s0 =	simm.s32 $0xC00;
	s1 =	simm.s32 $0x1000;
	v10 =	vadd.s32 v0, v9;
	v11 =	vand.u32 $0xFFFFFFF8, v7;
	v7 =	vadd.s32 v4, v9;
	v9 =	vld.idx.msk [tilespmem:v12+s3+$0x0], $0xffff  }
.LBB2_10:
0x12b: {  	s0 =	sadd.s32 $0x10, s0  }
0x12c: {  	v10 =	vand.u32 $0xFFFFFFF8, v10;
	v11 =	vor.u32 v3, v11;
	s28 =	sadd.s32 $0x10, s28;
	s23 =	smov.u32 s24;
	s22 =	sadd.s32 $0x10, s24  }
0x12d: {  	p1 =	sne.s32 s24, $0x1F0;
	v7 =	vand.u32 $0xFFFFFFF8, v7;
	v10 =	vor.u32 v1, v10  }
0x12e: {  	v12 =	vor.u32 v5, v7  }
0x12f: {  	v6 =	vmul.f32 $5.000000000e-01, v6  }
0x130: {  	v7 =	vmul.f32 $5.000000000e-01, v8  }
0x131: {  	v6 =	vadd.f32 $5.000000000e-01, v6;
	v8 =	vmul.f32 $5.000000000e-01, v9  }
0x132: {  	v7 =	vadd.f32 $5.000000000e-01, v7  }
0x133: {  	v6 =	vmax.f32 v6, $0.0e+00;
	v8 =	vadd.f32 $5.000000000e-01, v8  }
0x134: {  	v6 =	vmin.f32 v6, $9.999989860e-01;
	v7 =	vmax.f32 v7, $0.0e+00  }
0x135: {  	v7 =	vmin.f32 v7, $9.999989860e-01;
	v8 =	vmax.f32 v8, $0.0e+00;
	v6 =	vmul.f32 $3.200000000e+01, v6  }
0x136: {  	v8 =	vmin.f32 v8, $9.999989860e-01;
	v7 =	vmul.f32 $3.200000000e+01, v7  }
0x137: {  	v8 =	vmul.f32 $3.200000000e+01, v8;
	v9 =	vtrunc.f32 v6;
	v6 =	vadd.f32 v6, v6  }
0x138: {  	v9 =	vcvt.f32.s32 v9;
	v13 =	vtrunc.f32 v7;
	v7 =	vadd.f32 v7, v7  }
0x139: {  	v14 =	vadd.f32 v8, v8;
	v15 =	vtrunc.f32 v6;
	v6 =	vadd.f32 v6, v6  }
0x13a: {  	v13 =	vcvt.f32.s32 v13;
	v16 =	vtrunc.f32 v7;
	v7 =	vadd.f32 v7, v7  }
0x13b: {  	v16 =	vcvt.f32.s32 v16;
	v17 =	vadd.f32 v14, v14;
	v6 =	vtrunc.f32 v6  }
0x13c: {  	v8 =	vtrunc.f32 v8;
	v13 =	vshll.u32 v13, $0x5;
	v7 =	vtrunc.f32 v7  }
0x13d: {  	v14 =	vtrunc.f32 v14;
	v16 =	vshll.u32 v16, $0x6;
	v7 =	vcvt.f32.s32 v7  }
0x13e: {  	v8 =	vcvt.f32.s32 v8;
	v9 =	vadd.s32 v9, v13;
	v6 =	vcvt.f32.s32 v6  }
0x13f: {  	v13 =	vcvt.f32.s32 v14;
	v7 =	vshll.u32 v7, $0x7  }
0x140: {  	v8 =	vshll.u32 v8, $0xA;
	v14 =	vcvt.f32.s32 v15;
	v15 =	vtrunc.f32 v17  }
0x141: {  	v8 =	vadd.s32 v8, v9;
	v9 =	vcvt.f32.s32 v15;
	v6 =	vadd.s32 v6, v7  }
0x142: {  	v13 =	vshll.u32 v13, $0xC;
	v7 =	vmov s23;
	[tilespmem:s21+$0x0] =	vst v8;
	v8 =	vadd.s32 v14, v16;
	s21 =	smov.u32 s0  }
0x143: {  	v9 =	vshll.u32 v9, $0xE;
	v7 =	vmul.u32 $0x3, v7;
	v8 =	vadd.s32 v13, v8  }
.Ltmp8:
0x144: {  	v6 =	vadd.s32 v9, v6;
	[tilespmem:s20+$0x0] =	vst v8;
	s20 =	smov.u32 s28;
	(pc) =	sbr.rel @p1 .LBB2_10-.Ltmp8, $4  }
0x145: {  	v7 =	vbroadcast v7, $0x0;
	[tilespmem:s1+$0x0] =	vst v6;
	s1 =	smov.u32 s29  }
0x146: {  	v6 =	vld.idx.msk [tilespmem:v10+s3+$0x0], $0xffff  }
0x147: {  	v9 =	vadd.s32 v2, v7;
	v10 =	vadd.s32 v0, v7;
	v8 =	vld.idx.msk [tilespmem:v11+s3+$0x0], $0xffff  }
0x148: {  	s24 =	smov.u32 s22;
	s29 =	sadd.s32 $0x10, s29;
	v7 =	vadd.s32 v4, v7;
	v11 =	vand.u32 $0xFFFFFFF8, v9;
	v9 =	vld.idx.msk [tilespmem:v12+s3+$0x0], $0xffff  }
0x149: {  	_ =	sdelay $0x1  }
0x14a: {  	v6 =	vmul.f32 $5.000000000e-01, v6  }
0x14b: {  	v8 =	vmul.f32 $5.000000000e-01, v8  }
0x14c: {  	v9 =	vmul.f32 $5.000000000e-01, v9;
	v6 =	vadd.f32 $5.000000000e-01, v6  }
0x14d: {  	v10 =	vand.u32 $0xFFFFFFF8, v10;
	v11 =	vor.u32 v3, v11;
	v8 =	vadd.f32 $5.000000000e-01, v8  }
0x14e: {  	v7 =	vand.u32 $0xFFFFFFF8, v7;
	v9 =	vadd.f32 $5.000000000e-01, v9;
	v6 =	vmax.f32 v6, $0.0e+00  }
0x14f: {  	v10 =	vor.u32 v1, v10;
	v8 =	vmax.f32 v8, $0.0e+00;
	v6 =	vmin.f32 v6, $9.999989860e-01  }
0x150: {  	v8 =	vmin.f32 v8, $9.999989860e-01;
	v9 =	vmax.f32 v9, $0.0e+00;
	v6 =	vmul.f32 $3.200000000e+01, v6  }
0x151: {  	v7 =	vor.u32 v5, v7;
	v9 =	vmin.f32 v9, $9.999989860e-01;
	v8 =	vmul.f32 $3.200000000e+01, v8  }
0x152: {  	v9 =	vmul.f32 $3.200000000e+01, v9;
	v12 =	vtrunc.f32 v6;
	v6 =	vadd.f32 v6, v6  }
0x153: {  	v13 =	vadd.f32 v8, v8;
	v12 =	vcvt.f32.s32 v12;
	v8 =	vtrunc.f32 v8  }
0x154: {  	v14 =	vadd.f32 v9, v9;
	v15 =	vtrunc.f32 v6;
	v8 =	vcvt.f32.s32 v8  }
0x155: {  	v6 =	vadd.f32 v6, v6;
	v9 =	vtrunc.f32 v9;
	v16 =	vtrunc.f32 v13  }
0x156: {  	v13 =	vadd.f32 v13, v13;
	v9 =	vcvt.f32.s32 v9;
	v47 =	vcvt.f32.s32 v15  }
0x157: {  	v16 =	vcvt.f32.s32 v16;
	v6 =	vtrunc.f32 v6;
	v17 =	vadd.f32 v14, v14  }
0x158: {  	v14 =	vtrunc.f32 v14;
	v8 =	vshll.u32 v8, $0x5;
	v13 =	vtrunc.f32 v13  }
0x159: {  	v6 =	vcvt.f32.s32 v6;
	v14 =	vcvt.f32.s32 v14;
	v8 =	vadd.s32 v12, v8  }
0x15a: {  	v9 =	vshll.u32 v9, $0xA;
	v13 =	vcvt.f32.s32 v13;
	v48 =	vtrunc.f32 v17  }
0x15b: {  	v16 =	vshll.u32 v16, $0x6;
	v8 =	vadd.s32 v9, v8;
	v15 =	vcvt.f32.s32 v48  }
0x15c: {  	v49 =	vadd.s32 v47, v16;
	v50 =	vshll.u32 v14, $0xC;
	v13 =	vshll.u32 v13, $0x7  }
0x15d: {  	[tilespmem:s21+$0x0] =	vst v8;
	v51 =	vadd.s32 v50, v49;
	v6 =	vadd.s32 v6, v13;
	v52 =	vshll.u32 v15, $0xE  }
0x15e: {  	[tilespmem:s20+$0x0] =	vst v51;
	v6 =	vadd.s32 v52, v6  }
0x15f: {  	[tilespmem:s1+$0x0] =	vst v6  }
0x160: {  	v6 =	vld.idx.msk [tilespmem:v10+s3+$0x0], $0xffff  }
0x161: {  	v8 =	vld.idx.msk [tilespmem:v11+s3+$0x0], $0xffff  }
0x162: {  	v7 =	vld.idx.msk [tilespmem:v7+s3+$0x0], $0xffff;
	_ =	sdelay $0x3  }
0x163: {  	v6 =	vmul.f32 $5.000000000e-01, v6;
	v8 =	vmul.f32 $5.000000000e-01, v8  }
0x164: {  	v7 =	vmul.f32 $5.000000000e-01, v7  }
0x165: {  	v6 =	vadd.f32 $5.000000000e-01, v6;
	v8 =	vadd.f32 $5.000000000e-01, v8  }
0x166: {  	v7 =	vadd.f32 $5.000000000e-01, v7  }
0x167: {  	v6 =	vmax.f32 v6, $0.0e+00;
	v8 =	vmax.f32 v8, $0.0e+00  }
0x168: {  	v7 =	vmax.f32 v7, $0.0e+00;
	v6 =	vmin.f32 v6, $9.999989860e-01;
	v8 =	vmin.f32 v8, $9.999989860e-01  }
0x169: {  	v7 =	vmin.f32 v7, $9.999989860e-01;
	v6 =	vmul.f32 $3.200000000e+01, v6;
	v8 =	vmul.f32 $3.200000000e+01, v8  }
0x16a: {  	v7 =	vmul.f32 $3.200000000e+01, v7  }
0x16b: {  	v53 =	vtrunc.f32 v6;
	v6 =	vadd.f32 v6, v6;
	v54 =	vadd.f32 v8, v8  }
0x16c: {  	v8 =	vtrunc.f32 v8;
	v55 =	vadd.f32 v7, v7;
	v7 =	vtrunc.f32 v7  }
0x16d: {  	v9 =	vcvt.f32.s32 v53;
	v8 =	vcvt.f32.s32 v8  }
0x16e: {  	v7 =	vcvt.f32.s32 v7;
	v56 =	vtrunc.f32 v6;
	v6 =	vadd.f32 v6, v6  }
0x16f: {  	v57 =	vtrunc.f32 v54;
	v10 =	vadd.f32 v54, v54;
	v58 =	vadd.f32 v55, v55  }
0x170: {  	v11 =	vtrunc.f32 v55;
	v13 =	vcvt.f32.s32 v57;
	v8 =	vshll.u32 v8, $0x5  }
0x171: {  	v11 =	vcvt.f32.s32 v11;
	v59 =	vcvt.f32.s32 v56;
	v7 =	vshll.u32 v7, $0xA  }
0x172: {  	v6 =	vtrunc.f32 v6;
	v10 =	vtrunc.f32 v10;
	v8 =	vadd.s32 v9, v8  }
0x173: {  	v60 =	vtrunc.f32 v58;
	v10 =	vcvt.f32.s32 v10;
	v13 =	vshll.u32 v13, $0x6  }
0x174: {  	v6 =	vcvt.f32.s32 v6;
	v12 =	vcvt.f32.s32 v60;
	v7 =	vadd.s32 v7, v8  }
0x175: {  	s0 =	sadd.s32 $0x10, s0;
	v62 =	vshll.u32 v11, $0xC;
	v61 =	vadd.s32 v59, v13;
	v10 =	vshll.u32 v10, $0x7  }
0x176: {  	s23 =	sadd.s32 $0x10, s28;
	[tilespmem:s0+$0x0] =	vst v7;
	v7 =	vadd.s32 v62, v61;
	v63 =	vshll.u32 v12, $0xE;
	v6 =	vadd.s32 v6, v10  }
0x177: {  	[tilespmem:s23+$0x0] =	vst v7;
	v6 =	vadd.s32 v63, v6  }
0x178: {  	s24 =	simm.s32 $0xC00;
	s28 =	simm.s32 $0x1800;
	[tilespmem:s29+$0x0] =	vst v6  }
0x179: {  	[tilespmem:s28], [sflag:$0x1] =	stream.indirect.gather [hbm4b:s6+s19], $0x50, s24, s19, $0xb8;
	[tilespmem:$0x1D800] =	vst v63  }
.Ltmp9:
0x17a: {  	_ = 	snop;
	(pc) =	sbr.rel .LBB2_12-.Ltmp9, $4  }
0x17b: {  	s30 =	simm.s32 $0x15800;
	s29 =	simm.s32 $0xE00  }
0x17c: {  	[tilespmem:s30], [sflag:$0x1] =	stream.indirect.gather [hbm4b:s7+s19], $0x10, s29, s19, $0xb8;
	[tilespmem:$0x1D800] =	vst v63  }
0x17d: {  	s31 =	simm.s32 $0x1000  }
0x17e: {  	[tilespmem:s25], [sflag:$0x1] =	stream.indirect.gather [hbm4b:s8+s19], $0x10, s31, s19, $0xb8;
	[tilespmem:$0x1D800] =	vst v63  }
.LBB2_14:
0x17f: {  	_ =	sfence.sel $0x180000  }
0x180: {  	[bflag:$0x0] =	sbarrier.arrive $0xFFFF  }
0x181: {  	_ =	strace $0x9000004A  }
0x182: {  	s0 =	stileid.u32;
	[bflag:$0x2] =	sbarrier.arrive $0xFFFF  }
0x183: {  	p0 =	sne.s32 s0, $0x0;
	s0 =	rddreg [dreg:$0x2]  }
0x184: {  	s0 =	sadd.s32 @!p0 $0x100000, s0  }
0x185: {  	[sflag:s0] =	ssyncadd.tile.s32 @!p0 $0x1;
	_ =	shalt  }
.Lfunc_end2:
_tile_overlayer_lowered:
.L_overlay_start_2:
0x186: {  	(tag) =	ssettag $0x2  }
0x187: {  	s0 =	rddreg [dreg:$0x0];
	s2 =	stileid.u32  }
0x188: {  	s1 =	rddreg [dreg:$0x1];
	p0 =	sne.s32 s2, $0x0  }
0x189: {  	s3 =	rddreg [dreg:$0x2];
	[bflag:$0x3] =	sbarrier.arrive $0xFFFF;
	s2 =	simm.s32 @!p0 $0x1C05  }
0x18a: {  	[timem:s3], [sflag:s2] =	dma.local @!p0 [hbm:s0], s1  }
0x18b: {  	s0 =	simm.s32 @!p0 $0x5  }
0x18c: {  	_ =	swait.ge @!p0 [sflag:s0], s1  }
0x18d: {  	s1 =	ssub.s32 @!p0 $0x0, s1;
	[sflag:s0] =	ssyncset.done @!p0 $0x0  }
0x18e: {  	[sflag:s0] =	ssyncadd.s32 @!p0 s1  }
0x18f: {  	[bflag:$0x3] =	sbarrier.arrive $0xFFFF  }
0x190: {  	_ =	shalt  }

// kernel: sparse-core-data-format-call.cloned.1.call-start
scs
called_computation_lowered:
.L_overlay_start_0:
0x0: {  	s2 =	sld [smem:$0x3FD9]  }
0x1: {  	s3 =	sld [smem:$0x3FFE];
	_ =	sdelay $0x1  }
0x2: {  	s1 =	srdreg.scid  }
0x3: {  	s0 =	sand.u32 $0x1, s1  }
0x4: {  	s18 =	sshll.u32 s0, $0xA;
	s2 =	sadd.s32 s3, s2  }
0x5: {  	s2 =	sadd.s32 s2, s18  }
0x6: {  	[smem:$0x3FC0] =	sst s2  }
0x7: {  	_ = 	snop  }
0x8: {  	s2 =	sld [smem:$0x3FD0];
	(tm) =	ssettm $0x1  }
0x9: {  	s19 =	sld [smem:$0x3FFB];
	_ =	sdelay $0x3  }
0xa: {  	_ =	strace s19  }
0xb: {  	s3 =	sld [smem:$0x3FFC];
	_ =	sdelay $0x3  }
0xc: {  	_ =	strace s3  }
0xd: {  	s3 =	sld [smem:$0x3FFD];
	_ =	sdelay $0x3  }
0xe: {  	_ =	strace s3  }
0xf: {  	_ =	strace $0x8FFFFFFF  }
0x10: {  	s20 =	sld [smem:$0x3FDB];
	_ =	sdelay $0x1  }
0x11: {  	s4 =	simm.s32 $_scs_section_size  }
0x12: {  	s5 =	simm.s32 $_size__tile_overlayer_lowered;
	s6 =	simm.s32 $_tile_overlayer_lowered  }
0x13: {  	s23 =	simm.s32 $0x1BFF;
	s22 =	sshll.u32 s6, $0x1;
	s3 =	sadd.s32 s4, s20  }
0x14: {  	s7 =	simm.s32 $0x0;
	s21 =	sshll.u32 s5, $0x1;
	s5 =	sadd.s32 s22, s3  }
0x15: {  	[timem:s7], [sflag:s23] =	dma.local [hbm:s5], s21  }
0x16: {  	_ =	swait.ge [sflag:s23], s21  }
0x17: {  	s4 =	ssub.s32 $0x0, s21;
	[sflag:s23] =	ssyncset.done $0x0  }
0x18: {  	[sflag:s23] =	ssyncadd.s32 s4;
	_ =	sdelay $0x1  }
0x19: {  	s24 =	simm.s32 $0x1B8B  }
0x1a: {  	_ =	swait.ge [sflag:s24], $0x1  }
0x1b: {  	[sflag:s24] =	ssyncset.done $0x0  }
0x1c: {  	s26 =	simm.s32 $0x1B8E;
	s25 =	sld [smem:$0x3FFE];
	[sflag:s24] =	ssyncadd.s32 $0xFFFFFFFF  }
0x1d: {  	s27 =	simm.s32 $execute0_lowered;
	[smem:$0x3FD2] =	sst s26  }
0x1e: {  	s5 =	sshll.u32 s27, $0x1;
	_ =	strace $0x8000004C;
	[dreg:$0x1] =	wrdreg $0xFFFFFFFF  }
0x1f: {  	s28 =	simm.s32 $_size_execute0_lowered;
	s3 =	sadd.s32 s3, s5;
	[dreg:$0x0] =	wrdreg $0x0  }
0x20: {  	s5 =	sshll.u32 s28, $0x1;
	[dreg:$0x2] =	wrdreg s3  }
0x21: {  	[dreg:$0x3] =	wrdreg s5  }
0x22: {  	[dreg:$0x4] =	wrdreg $0xC0  }
0x23: {  	_ =	task [dreg:s7], $0x5FFFF  }
0x24: {  	[dreg:$0x1] =	wrdreg $0xFFFFFFFF  }
0x25: {  	[dreg:$0x0] =	wrdreg $0x60  }
0x26: {  	[dreg:$0x2] =	wrdreg s25  }
0x27: {  	[dreg:$0x3] =	wrdreg s2  }
0x28: {  	[dreg:$0x4] =	wrdreg $0x9  }
0x29: {  	_ =	task.clear_ibuf [dreg:s7], $0x5FFFF;
	_ =	strace $0x9000004C  }
0x2a: {  	s29 =	simm.s32 $0x9;
	_ =	strace $0x8000004E  }
0x2b: {  	_ =	swait.ge [sflag:s29], $0x1  }
0x2c: {  	[sflag:s29] =	ssyncadd.s32 $0xFFFFFFFF  }
0x2d: {  	_ =	strace $0x9000004E  }
0x2e: {  	_ =	sfence  }
0x2f: {  	s30 =	sld [smem:$0x0];
	_ =	sdelay $0x2  }
0x30: {  	s31 =	sshll.u32 s1, $0xD;
	s1 =	sshrl.u32 s1, $0x2  }
0x31: {  	s3 =	sand.u32 $0x4000, s31;
	s1 =	sadd.s32 s1, s30  }
0x32: {  	s0 =	sor.u32 s3, s0;
	s1 =	sshll.u32 s1, $0x11  }
0x33: {  	s0 =	sor.u32 s1, s0  }
0x34: {  	s0 =	sadd.s32 $0x8F2B, s0  }
0x35: {  	[sflag:s0] =	ssyncadd.remote.s32 $0x1  }
0x36: {  	_ =	sfence.sel $0xFFFF  }
0x37: {  	[dreg:$0x0] =	wrdreg $0xFFFFFFFF;
	(pc) =	sbr.abs _section_cstart, $3  }
0x38: {  	[dreg:$0x1] =	wrdreg $0xFFFFFFFF  }
0x39: {  	_ =	task.clear_ibuf [dreg:s7], $0x2FFFF;
	_ =	strace $0x9FFFFFFF  }
0x3a: {  	(tm) =	ssettm $0x7FFFFFFF  }
0x3b: {  	_ =	shalt  }
tec
execute0_lowered:
.L_overlay_start_1:
0x0: {  	(tag) =	ssettag $0x1  }
0x1: {  	s4 =	rddreg [dreg:$0x0]  }
0x2: {  	s0 =	srdreg.scid;
	s2 =	rddreg [dreg:$0x1]  }
0x3: {  	s1 =	stileid.u32;
	s5 =	simm.s32 $0x1;
	s0 =	sshll.u32 s0, $0x4  }
0x4: {  	s7 =	simm.s32 $0x2;
	s12 =	simm.s32 $0x0;
	s3 =	sand.u32 $0x10, s0  }
.Ltmp0:
0x5: {  	s8 =	simm.s32 $0x3D0C00;
	s3 =	sor.u32 s1, s3;
	(pc) =	sbr.rel .LBB1_1-.Ltmp0, $4  }
0x6: {  	s10 =	simm.s32 $0x0;
	s11 =	simm.s32 $0x0;
	s3 =	sshll.u32 s3, $0x7  }
0x7: {  	s0 =	rddreg [dreg:$0x2];
	_ =	strace $0x8000004D;
	s6 =	ssub.s32 $0x7A100, s3  }
0x8: {  	s4 =	sadd.s32 $0x2600, s4;
	[sflag:s5] =	ssyncpa.u1 $0x0;
	s6 =	sshrl.u32 s6, $0xC  }
0x9: {  	[sflag:s7] =	ssyncpa.u1 $0x0;
	s9 =	smov.u32 s3;
	s7 =	sadd.s32 $0x2, s6  }
.LBB1_5:
0xa: {  	[tilespmem:s23+$0x0 ss:$0x81] =	vst.msk $0xffff, v4;
	s15 =	sadd.s32 s18, s20  }
0xb: {  	s16 =	sadd.s32 s18, s21;
	[tilespmem:s15+$0x0 ss:$0x81] =	vst.msk $0xffff, v2  }
0xc: {  	s31 =	sadd.s32 s18, s22;
	[tilespmem:s16+$0x0 ss:$0x81] =	vst.msk $0xffff, v1  }
0xd: {  	[tilespmem:s31+$0x0 ss:$0x81] =	vst.msk $0xffff, v3  }
.LBB1_6:
0xe: {  	s15 =	sshll.u32 s10, $0x3  }
0xf: {  	s15 =	sand.u32 $0xFFFFFC00, s15  }
0x10: {  	s16 =	sshrl.u32 s15, $0x7  }
0x11: {  	s16 =	smulhi.u32 $0x10C6249, s16;
	_ =	sdelay $0x1  }
0x12: {  	s16 =	sshrl.u32 s16, $0x4  }
0x13: {  	s17 =	smul.u32 $0x4925, s16  }
0x14: {  	p0 =	sgt.s32 s10, $0x7A100;
	s20 =	smov.u32 s10  }
0x15: {  	s20 =	simm.s32 @!p0 $0x7A100;
	s17 =	sshrl.u32 s17, $0x15  }
0x16: {  	s18 =	sand.u32 $0x7F, s10;
	s13 =	sadd.s32 s13, s20;
	s17 =	smul.u32 $0x70, s17  }
0x17: {  	s15 =	sor.u32 s18, s15;
	s30 =	sadd.s32 $0xFFF85F00, s13;
	s19 =	smul.u32 $0x7A180, s16  }
0x18: {  	s13 =	ssub.s32 $0x7A180, s13;
	p0 =	sgt.s32 s30, $0x7F;
	s16 =	ssub.s32 s16, s17  }
0x19: {  	s13 =	smul.u32 $0x1C0, s13;
	s15 =	ssub.s32 s15, s19;
	s16 =	sand.u32 $0xFFFF, s16  }
0x1a: {  	s31 =	sshrl.u32 s15, $0x3;
	s15 =	sand.u32 $0x7, s15;
	s16 =	smul.u32 $0xF430, s16  }
0x1b: {  	s13 =	sshrl.u32 s13, $0x2;
	s15 =	sshll.u32 s15, $0x12;
	s17 =	sadd.s32 s2, s31  }
0x1c: {  	s13 =	simm.s32 @p0 $0x0;
	s15 =	sor.u32 $0x400, s15;
	s16 =	sadd.s32 s16, s17  }
0x1d: {  	[hbm4b:s16+s15] =	stream.strided.scatter [tilespmem:s14], [sflag:$0x2], s13, s8, s15, $0x20;
	[tilespmem:$0x10100] =	vst v63  }
.LBB1_7:
0x1e: {  	p0 =	slt.u32 s11, $0x2  }
0x1f: {  	p1 =	sgt.s32 @!p0 s12, $0x7A100  }
0x20: {  	s13 =	smov.u32 s12;
	s14 =	sshra.s32 @!p0 s12, $0x1F;
	p1 =	por !p1, p0  }
0x21: {  	s12 =	sand.u32 @!p0 s14, s12;
	s13 =	simm.s32 @p1 $0x7A100  }
0x22: {  	s12 =	ssub.s32 @!p0 s13, s12  }
0x23: {  	s13 =	ssub.s32 @!p0 $0x7A180, s12  }
0x24: {  	s12 =	sadd.s32 @!p0 $0xFFF85F00, s12;
	s13 =	smul.u32 @!p0 $0x1C0, s13  }
0x25: {  	p1 =	sgt.s32 @!p0 s12, $0x7F  }
0x26: {  	s14 =	sadd.s32 $0x1000, s9;
	p1 =	por !p1, p0;
	s12 =	sshrl.u32 @!p0 s13, $0x2  }
0x27: {  	s12 =	simm.s32 @!p1 $0x0;
	p1 =	sgt.s32 s14, $0x7A11F  }
0x28: {  	s14 =	smov.u32 @p1 s3;
	p1 =	sne.s32 s11, s7  }
.Ltmp1:
0x29: {  	_ = 	snop;
	(pc) =	sbr.rel @!p1 .LBB1_8-.Ltmp1, $4  }
0x2a: {  	s13 =	simm.s32 @!p0 $0x2  }
0x2b: {  	_ =	swait.ge @!p0 [sflag:s13], s12;
	s15 =	ssub.s32 @!p0 $0x0, s12  }
0x2c: {  	s12 =	smov.u32 s10;
	s11 =	sadd.s32 $0x1, s11;
	[sflag:s13] =	ssyncset.done @!p0 $0x0  }
0x2d: {  	s10 =	smov.u32 s9;
	s9 =	smov.u32 s14;
	[sflag:s13] =	ssyncadd.s32 @!p0 s15  }
.LBB1_1:
0x2e: {  	p0 =	sgt.u32 s11, s6  }
0x2f: {  	s13 =	sand.u32 @!p0 $0x1FFFFFF, s9  }
0x30: {  	p1 =	sgt.s32 @!p0 s9, $0x7A0A0;
	s14 =	smulhi.u32 @!p0 $0x218DEF5, s13  }
0x31: {  	s15 =	smov.u32 s9;
	s16 =	sshra.s32 @!p0 s9, $0x1F;
	p1 =	por !p1, p0  }
0x32: {  	s16 =	sand.u32 @!p0 s16, s9;
	s15 =	simm.s32 @p1 $0x7A0A0;
	s14 =	sshrl.u32 @!p0 s14, $0xC  }
0x33: {  	s15 =	ssub.s32 @!p0 s15, s16;
	s14 =	smul.u32 @!p0 $0x7A120, s14  }
0x34: {  	s16 =	sxor.u32 @!p0 $0xFFFFFFFF, s11;
	s15 =	sadd.s32 @!p0 $0xFFF85F60, s15  }
0x35: {  	s16 =	sshll.u32 @!p0 s16, $0xE;
	s13 =	ssub.s32 @!p0 s13, s14;
	s14 =	sshll.u32 @!p0 s15, $0x9  }
0x36: {  	s16 =	sand.u32 @!p0 $0x4000, s16;
	p1 =	sgt.s32 @!p0 s15, $0x7F;
	s14 =	ssub.s32 @!p0 $0x10000, s14  }
0x37: {  	p1 =	por !p1, p0;
	s13 =	sshll.u32 @!p0 s13, $0x4;
	s14 =	sshrl.u32 @!p0 s14, $0x2  }
0x38: {  	s15 =	simm.s32 @!p0 $0x0;
	s13 =	sadd.s32 @!p0 s4, s13;
	s14 =	simm.s32 @!p1 $0x0  }
0x39: {  	[tilespmem:s16], [sflag:$0x1] =	stream.linear.gather @!p0 [hbm4b:s13+s15], s14, $0x38;
	[tilespmem:$0x10100] =	vst v63  }
0x3a: {  	p0 =	seq.s32 s11, $0x0  }
0x3b: {  	p1 =	sge.u32 @!p0 s11, s7  }
0x3c: {  	p0 =	por p0, p1  }
.Ltmp2:
0x3d: {  	_ = 	snop;
	(pc) =	sbr.rel @p0 .LBB1_7-.Ltmp2, $1  }
0x3e: {  	_ =	sdelay $0x3  }
0x3f: {  	s13 =	ssub.s32 $0x0, s10  }
0x40: {  	s14 =	sshra.s32 s10, $0x1F;
	p0 =	sgt.s32 s10, $0x7A0A0;
	s15 =	smov.u32 s10  }
0x41: {  	s13 =	sand.u32 s13, s14;
	s15 =	simm.s32 @!p0 $0x7A0A0  }
0x42: {  	s14 =	sadd.s32 s13, s15  }
0x43: {  	s17 =	sadd.s32 $0x80, s10;
	s14 =	sadd.s32 $0xFFF85F60, s14  }
0x44: {  	p1 =	slt.s32 s17, $0x7A120;
	s31 =	sshll.u32 s14, $0x9  }
0x45: {  	s17 =	simm.s32 @!p1 $0x7A120;
	s15 =	ssub.s32 $0x10000, s31  }
0x46: {  	p0 =	sgt.s32 s14, $0x7F;
	s14 =	sshrl.u32 s15, $0x2;
	s15 =	ssub.s32 s17, s10  }
0x47: {  	s14 =	simm.s32 @p0 $0x0;
	p0 =	slt.s32 s15, $0x1  }
.Ltmp3:
0x48: {  	_ = 	snop;
	(pc) =	sbr.rel @p0 .LBB1_6-.Ltmp3, $4  }
0x49: {  	s16 =	sand.u32 $0x1, s11  }
0x4a: {  	s18 =	smul.u32 $0x4080, s16;
	_ =	swait.ge [sflag:s5], s14  }
0x4b: {  	s14 =	ssub.s32 $0x0, s14;
	[sflag:s5] =	ssyncset.done $0x0  }
0x4c: {  	[sflag:s5] =	ssyncadd.s32 s14;
	s14 =	sor.u32 $0x8000, s18  }
0x4d: {  	s18 =	sshll.u32 s16, $0xE;
	s19 =	simm.s32 $0x0  }
0x4e: {  	s20 =	simm.s32 $0x10;
	s21 =	simm.s32 $0x20;
	s19 =	sand.u32 $0x78, s19  }
0x4f: {  	s20 =	sand.u32 $0x78, s20;
	s31 =	sxor.u32 $0x40, s19;
	s19 =	smul.u32 $0x204, s19  }
0x50: {  	s23 =	simm.s32 $0x30;
	v0 =	vmov s18;
	s21 =	sand.u32 $0x78, s21;
	s20 =	smul.u32 $0x204, s20  }
0x51: {  	s24 =	simm.s32 $0x50;
	s23 =	sand.u32 $0x78, s23;
	s21 =	smul.u32 $0x204, s21  }
0x52: {  	s25 =	simm.s32 $0x60;
	s24 =	sand.u32 $0x78, s24;
	s23 =	smul.u32 $0x204, s23  }
0x53: {  	s16 =	simm.s32 $0x0;
	s25 =	sand.u32 $0x78, s25;
	s24 =	smul.u32 $0x204, s24  }
0x54: {  	s22 =	sand.u32 $0x3F80, s16;
	s30 =	smul.u32 $0x204, s25  }
0x55: {  	s17 =	simm.s32 $0x1;
	p0 =	sne.s32 s15, $0x1;
	s18 =	smul.u32 $0x204, s31;
	v1 =	vld.idx.msk [tilespmem:v0+s22+$0x40 ss:$0x1], $0xffff  }
0x56: {  	s19 =	sshrl.u32 s19, $0x2;
	s20 =	sshrl.u32 s20, $0x2;
	s21 =	sshrl.u32 s21, $0x2;
	v3 =	vld.idx.msk [tilespmem:v0+s22+$0x0 ss:$0x1], $0xffff  }
0x57: {  	s29 =	sshrl.u32 s23, $0x2;
	s25 =	sshrl.u32 s30, $0x2;
	s26 =	sshrl.u32 s18, $0x2;
	v5 =	vld.idx.msk [tilespmem:v0+s22+$0x10 ss:$0x1], $0xffff  }
.Ltmp4:
0x58: {  	s18 =	sand.u32 $0x7F, s16;
	s26 =	sadd.s32 s26, s14;
	v4 =	vld.idx.msk [tilespmem:v0+s22+$0x20 ss:$0x1], $0xffff;
	(pc) =	sbr.rel @!p0 .LBB1_5-.Ltmp4, $4  }
0x59: {  	s19 =	sadd.s32 s19, s14;
	s27 =	sadd.s32 s20, s14;
	v2 =	vld.idx.msk [tilespmem:v0+s22+$0x30 ss:$0x1], $0xffff;
	s26 =	sadd.s32 s18, s26  }
0x5a: {  	s28 =	sadd.s32 s21, s14;
	s21 =	sshrl.u32 s24, $0x2;
	s19 =	sadd.s32 s18, s19;
	[tilespmem:s26+$0x0 ss:$0x81] =	vst.msk $0xffff, v1;
	v1 =	vld.idx.msk [tilespmem:v0+s22+$0x50 ss:$0x1], $0xffff  }
0x5b: {  	s20 =	sadd.s32 s29, s14;
	s31 =	sadd.s32 s18, s27;
	s21 =	sadd.s32 s21, s14;
	[tilespmem:s19+$0x0 ss:$0x81] =	vst.msk $0xffff, v3;
	v3 =	vld.idx.msk [tilespmem:v0+s22+$0x60 ss:$0x1], $0xffff  }
0x5c: {  	s23 =	sadd.s32 s18, s28;
	[tilespmem:s31+$0x0 ss:$0x81] =	vst.msk $0xffff, v5;
	s22 =	sadd.s32 s25, s14;
	s19 =	simm.s32 $0x3008  }
.LBB1_4:
0x5d: {  	s24 =	sadd.s32 $0xFFFFD000, s19  }
0x5e: {  	s25 =	sadd.s32 $0xFFFFD800, s19;
	[tilespmem:s23+$0x0 ss:$0x81] =	vst.msk $0xffff, v4;
	s23 =	smov.u32 s17;
	s17 =	sadd.s32 $0x1, s17  }
0x5f: {  	s16 =	sadd.s32 $0x80, s16;
	s24 =	sshrl.u32 s24, $0x7;
	p0 =	sne.s32 s15, s17  }
0x60: {  	s27 =	sadd.s32 $0xFFFFE000, s19;
	s26 =	sand.u32 $0x3F80, s16;
	s24 =	sand.u32 $0x78, s24  }
0x61: {  	s28 =	sadd.s32 $0xFFFFE800, s19;
	s30 =	sadd.s32 $0xFFFFF800, s19;
	v5 =	vld.idx.msk [tilespmem:v0+s26+$0x40 ss:$0x1], $0xffff;
	s29 =	sxor.u32 $0x40, s24  }
0x62: {  	s25 =	sshrl.u32 s25, $0x7;
	s27 =	sshrl.u32 s27, $0x7;
	v6 =	vld.idx.msk [tilespmem:v0+s26+$0x0 ss:$0x1], $0xffff;
	s29 =	smul.u32 $0x204, s29  }
0x63: {  	s31 =	sshrl.u32 s19, $0x7;
	s28 =	sshrl.u32 s28, $0x7;
	s30 =	sshrl.u32 s30, $0x7;
	v7 =	vld.idx.msk [tilespmem:v0+s26+$0x10 ss:$0x1], $0xffff  }
0x64: {  	s25 =	sand.u32 $0x78, s25;
	s27 =	sand.u32 $0x78, s27;
	v4 =	vld.idx.msk [tilespmem:v0+s26+$0x20 ss:$0x1], $0xffff;
	s29 =	sshrl.u32 s29, $0x2  }
0x65: {  	s23 =	sand.u32 $0x7F, s23;
	s28 =	sand.u32 $0x78, s28;
	v8 =	vld.idx.msk [tilespmem:v0+s26+$0x30 ss:$0x1], $0xffff;
	s29 =	sadd.s32 s29, s14  }
0x66: {  	s31 =	sand.u32 $0x78, s31;
	s30 =	sand.u32 $0x78, s30;
	s29 =	sadd.s32 s23, s29;
	v9 =	vld.idx.msk [tilespmem:v0+s26+$0x50 ss:$0x1], $0xffff  }
0x67: {  	s20 =	sadd.s32 s18, s20;
	s21 =	sadd.s32 s18, s21;
	s24 =	smul.u32 $0x204, s24;
	[tilespmem:s29+$0x0 ss:$0x81] =	vst.msk $0xffff, v5;
	v5 =	vld.idx.msk [tilespmem:v0+s26+$0x60 ss:$0x1], $0xffff  }
0x68: {  	s25 =	smul.u32 $0x204, s25;
	[tilespmem:s20+$0x0 ss:$0x81] =	vst.msk $0xffff, v2;
	s20 =	sadd.s32 s18, s22  }
0x69: {  	s18 =	smov.u32 s23;
	s22 =	sshrl.u32 s24, $0x2;
	s23 =	smul.u32 $0x204, s27  }
0x6a: {  	s24 =	smul.u32 $0x204, s28;
	[tilespmem:s21+$0x0 ss:$0x81] =	vst.msk $0xffff, v1;
	s21 =	sadd.s32 s22, s14  }
0x6b: {  	s22 =	sshrl.u32 s25, $0x2;
	[tilespmem:s20+$0x0 ss:$0x81] =	vst.msk $0xffff, v3;
	s20 =	sshrl.u32 s23, $0x2;
	s23 =	smul.u32 $0x204, s30  }
.Ltmp5:
0x6c: {  	s22 =	sadd.s32 s22, s14;
	(pc) =	sbr.rel @p0 .LBB1_4-.Ltmp5, $4  }
0x6d: {  	v2 =	vmov v8;
	s25 =	sadd.s32 s20, s14;
	s20 =	sshrl.u32 s24, $0x2;
	s24 =	smul.u32 $0x204, s31;
	v1 =	vmov v9  }
0x6e: {  	s21 =	sadd.s32 s18, s21;
	s20 =	sadd.s32 s20, s14;
	s23 =	sshrl.u32 s23, $0x2;
	v3 =	vmov v5  }
0x6f: {  	s22 =	sadd.s32 s18, s22;
	s24 =	sshrl.u32 s24, $0x2;
	[tilespmem:s21+$0x0 ss:$0x81] =	vst.msk $0xffff, v6;
	s21 =	sadd.s32 s23, s14  }
0x70: {  	s19 =	sadd.s32 $0x8, s19;
	s23 =	sadd.s32 s18, s25;
	[tilespmem:s22+$0x0 ss:$0x81] =	vst.msk $0xffff, v7;
	s22 =	sadd.s32 s24, s14  }
.Ltmp6:
0x71: {  	_ = 	snop;
	(pc) =	sbr.rel .LBB1_5-.Ltmp6, $1  }
0x72: {  	_ =	sdelay $0x3  }
.LBB1_8:
0x73: {  	_ =	sfence.sel $0x180000  }
0x74: {  	s2 =	simm.s32 $0x1;
	[bflag:$0x0] =	sbarrier.arrive $0xFFFF  }
0x75: {  	s31 =	simm.s32 $0x2;
	[sflag:s2] =	ssyncpa.u1 $0x1  }
0x76: {  	[sflag:s31] =	ssyncpa.u1 $0x1  }
0x77: {  	p0 =	sne.s32 s1, $0x0;
	_ =	strace $0x9000004D  }
0x78: {  	s0 =	sadd.s32 @!p0 $0x100000, s0;
	[bflag:$0x2] =	sbarrier.arrive $0xFFFF  }
0x79: {  	[sflag:s0] =	ssyncadd.tile.s32 @!p0 $0x1;
	_ =	shalt  }
.Lfunc_end1:
_tile_overlayer_lowered:
.L_overlay_start_2:
0x7a: {  	(tag) =	ssettag $0x2  }
0x7b: {  	s0 =	rddreg [dreg:$0x0];
	s2 =	stileid.u32  }
0x7c: {  	s1 =	rddreg [dreg:$0x1];
	p0 =	sne.s32 s2, $0x0  }
0x7d: {  	s3 =	rddreg [dreg:$0x2];
	[bflag:$0x3] =	sbarrier.arrive $0xFFFF;
	s2 =	simm.s32 @!p0 $0x1C01  }
0x7e: {  	[timem:s3], [sflag:s2] =	dma.local @!p0 [hbm:s0], s1  }
0x7f: {  	s0 =	simm.s32 @!p0 $0x1  }
0x80: {  	_ =	swait.ge @!p0 [sflag:s0], s1  }
0x81: {  	s1 =	ssub.s32 @!p0 $0x0, s1;
	[sflag:s0] =	ssyncset.done @!p0 $0x0  }
0x82: {  	[sflag:s0] =	ssyncadd.s32 @!p0 s1  }
0x83: {  	[bflag:$0x3] =	sbarrier.arrive $0xFFFF  }
0x84: {  	_ =	shalt  }

</sc_bundles>
